<compile_context>
chip_gen: v7x
topology: tpu7x:2x2x1
jax: 0.10.2.dev20260603
libtpu: 0.0.44.dev20260713+nightly
codegen_flags: <defaults>
</compile_context>

<pallas_src>
import functools

import jax
import jax.numpy as jnp
from jax import lax
from jax.experimental import pallas as pl
from jax.experimental.pallas import tpu as pltpu
from jax.experimental.pallas import tpu_sc as plsc

N = 32768
D = 128
NSEG = 64
L = 16
NC, NS = 2, 16
NW = NC * NS
ROWS_W = N // NW
R = 128
NCH = ROWS_W // R
GPC = R // L
CPD = D // L
EPS = 1e-06
LAMBDA_PCSL = 0.1
LAMBDA_GPAL = 0.1


def _tree_sum(vs):
    while len(vs) > 1:
        vs = [a + b for a, b in zip(vs[::2], vs[1::2])]
    return vs[0]


def _sc_partials(features, patient_ids):
    mesh = plsc.VectorSubcoreMesh(core_axis_name="c", subcore_axis_name="s")

    @functools.partial(
        pl.kernel,
        out_type=[
            jax.ShapeDtypeStruct((NW, NSEG, D), jnp.float32),
            jax.ShapeDtypeStruct((NW, L), jnp.float32),
            jax.ShapeDtypeStruct((NW, NSEG, L), jnp.float32),
        ],
        mesh=mesh,
        compiler_params=pltpu.CompilerParams(needs_layout_passes=False),
        scratch_types=[
            pltpu.VMEM((ROWS_W,), jnp.int32),
            pltpu.VMEM((2 * R, D), jnp.float32),
            pltpu.VMEM((NSEG, D), jnp.float32),
            pltpu.VMEM((NSEG, L), jnp.float32),
            pltpu.VMEM((L,), jnp.float32),
            pltpu.SemaphoreType.DMA,
            pltpu.SemaphoreType.DMA,
        ],
    )
    def k(feat_hbm, ids_hbm, psum_hbm, psq_hbm, pcnt_hbm, ids_v, buf_v,
          acc_v, cnt_v, sqout_v, sem0, sem1):
        wid = lax.axis_index("s") * NC + lax.axis_index("c")
        base = wid * ROWS_W
        sems = [sem0, sem1]
        halves = [buf_v.at[pl.ds(0, R), :], buf_v.at[pl.ds(R, R), :]]

        for ch in range(min(2, NCH)):
            pltpu.async_copy(
                feat_hbm.at[pl.ds(base + ch * R, R), :], halves[ch % 2],
                sems[ch % 2])
        pltpu.sync_copy(ids_hbm.at[pl.ds(base, ROWS_W)], ids_v)

        zeros = jnp.zeros((L,), jnp.float32)

        def zacc(i, _):
            for c in range(CPD):
                acc_v[i, pl.ds(c * L, L)] = zeros
            cnt_v[i, :] = zeros
            return 0

        lax.fori_loop(0, NSEG, zacc, 0)

        iota = lax.iota(jnp.int32, L)
        sqs = tuple(zeros for _ in range(CPD))

        def chunk_body(ch, sqs):
            slot = lax.rem(ch, 2)
            for p in range(2):
                @pl.when(slot == p)
                def _():
                    pltpu.make_async_copy(
                        feat_hbm.at[pl.ds(base, R), :], halves[p],
                        sems[p]).wait()
            rb0 = slot * R

            def grp(g, sqs):
                rb = rb0 + g * L
                off = ch * R + g * L
                v = ids_v[pl.ds(off, L)]
                lo = v[0]
                hi = v[L - 1]

                def fast(sqs):
                    ssum = [None] * CPD
                    ssq = [None] * CPD
                    for r in range(L):
                        for c in range(CPD):
                            x = buf_v[rb + r, pl.ds(c * L, L)]
                            x2 = x * x
                            if r == 0:
                                ssum[c] = x
                                ssq[c] = x2
                            else:
                                ssum[c] = ssum[c] + x
                                ssq[c] = ssq[c] + x2
                    new = []
                    for c in range(CPD):
                        plsc.addupdate(acc_v.at[lo, pl.ds(c * L, L)],
                                       ssum[c])
                        new.append(sqs[c] + ssq[c])
                    plsc.addupdate(cnt_v.at[lo], jnp.full((L,), 16.0,
                                                          jnp.float32))
                    return tuple(new)

                def slow(sqs):
                    ones = jnp.full((L,), 1.0, jnp.float32)

                    def row_body(r, sqs):
                        seg = jnp.sum(jnp.where(iota == r, v, 0))
                        new = []
                        for c in range(CPD):
                            data = buf_v[rb + r, pl.ds(c * L, L)]
                            plsc.addupdate(
                                acc_v.at[seg, pl.ds(c * L, L)], data)
                            new.append(sqs[c] + data * data)
                        plsc.addupdate(cnt_v.at[seg], ones)
                        return tuple(new)

                    return lax.fori_loop(0, L, row_body, sqs)

                return lax.cond(lo == hi, fast, slow, sqs)

            sqs = plsc.parallel_loop(0, GPC, carry=sqs)(grp)
            for p in range(2):
                @pl.when((slot == p) & (ch + 2 < NCH))
                def _():
                    pltpu.async_copy(
                        feat_hbm.at[pl.ds(base + (ch + 2) * R, R), :],
                        halves[p], sems[p])
            return sqs

        sqs = lax.fori_loop(0, NCH, chunk_body, sqs)

        sqout_v[...] = _tree_sum(list(sqs))
        pltpu.sync_copy(acc_v, psum_hbm.at[wid])
        pltpu.sync_copy(sqout_v, psq_hbm.at[wid])
        pltpu.sync_copy(cnt_v, pcnt_hbm.at[wid])

    return k(features, patient_ids)


def _epi_body(ps_ref, sq_ref, pc_ref, out_ref):
    sums = ps_ref[0]
    cnt_l = pc_ref[0]
    for t in range(1, NW):
        sums = sums + ps_ref[t]
        cnt_l = cnt_l + pc_ref[t]
    total_sq = jnp.sum(sq_ref[...])
    cnt = jnp.broadcast_to(cnt_l[:, 0:1], (NSEG, D))

    safe = jnp.maximum(cnt, 1.0)
    cent = sums / safe
    csq = cent * cent
    within = total_sq - jnp.sum(cnt * csq)
    validf = (cnt > 0).astype(jnp.float32)
    kseg = jnp.sum(validf) / D
    csqsum = jnp.sum(validf * csq)
    svec = jnp.sum(validf * cent, axis=0, keepdims=True)
    ssq = jnp.sum(svec * svec)
    between = kseg * csqsum - ssq
    loss_pcsl = within / (between + EPS)
    loss_gpal = (csqsum - ssq / kseg) / kseg
    loss = LAMBDA_PCSL * loss_pcsl + LAMBDA_GPAL * loss_gpal
    out_ref[...] = jnp.broadcast_to(loss, (1, 1))


def kernel(features, patient_ids):
    psum, psq, pcnt = _sc_partials(features, patient_ids)
    out = pl.pallas_call(
        _epi_body,
        out_shape=jax.ShapeDtypeStruct((1, 1), jnp.float32),
    )(psum, psq, pcnt)
    return out[0, 0]

# --- scband reference (transcript-rebuilt; emitter-appended) ---
"""Pipeline reference for scband-pafaloss-37168646980341 (READ-ONLY COPY).

The authoritative reference and input builder live on the scoring server;
editing this copy changes nothing except your own understanding.
"""

import jax, jax.numpy as jnp
import numpy as np

NUM_SEGMENTS = 64
EPS = 1e-06
LAMBDA_PCSL = 0.1
LAMBDA_GPAL = 0.1


def setup_inputs(seed: int = 0) -> dict:
    key = jax.random.key(seed)
    k1, k2 = jax.random.split(key)
    features = jax.random.normal(k1, (32768, 128), dtype=jnp.float32)
    patient_ids = jnp.sort(jax.random.randint(k2, (32768,), 0, NUM_SEGMENTS, dtype=jnp.int32))
    return {"features": features, "patient_ids": patient_ids}


def reference(features, patient_ids):
    n = features.shape[0]
    # per-segment sums and counts (segment reduce)
    sums = jax.ops.segment_sum(features, patient_ids, num_segments=NUM_SEGMENTS)
    counts = jax.ops.segment_sum(jnp.ones((n,), dtype=features.dtype), patient_ids, num_segments=NUM_SEGMENTS)
    valid = counts > 0
    safe_counts = jnp.where(valid, counts, jnp.ones_like(counts))
    centroids = sums / safe_counts[:, None]
    # within-patient variance: sum over all points of ||x - centroid(pid)||^2
    per_point_centroid = jnp.take(centroids, patient_ids, axis=0)
    within_variance = jnp.sum((features - per_point_centroid) ** 2)
    # between-centroid distance: sum over i<j of ||c_i - c_j||^2 (only valid segments)
    diff = centroids[:, None, :] - centroids[None, :, :]
    sq = jnp.sum(diff ** 2, axis=-1)
    pair_mask = valid[:, None] & valid[None, :]
    between_distance = jnp.sum(jnp.where(pair_mask, sq, 0.0)) / 2.0
    loss_pcsl = within_variance / (between_distance + EPS)
    # global prototype alignment: mean squared distance of centroids to global centroid
    k = jnp.sum(valid.astype(features.dtype))
    global_centroid = jnp.sum(jnp.where(valid[:, None], centroids, 0.0), axis=0) / k
    gpal_terms = jnp.sum((centroids - global_centroid[None, :]) ** 2, axis=1)
    loss_gpal = jnp.sum(jnp.where(valid, gpal_terms, 0.0)) / k
    return LAMBDA_PCSL * loss_pcsl + LAMBDA_GPAL * loss_gpal

if __name__ == "__main__":
    import jax
    _d = setup_inputs()
    print(jax.jit(kernel)(*tuple(_d.values())))

</pallas_src>

<mosaic_0001>
#map = affine_map<(d0, d1) -> (0, 0)>
#map1 = affine_map<(d0, d1) -> (0)>
#map2 = affine_map<(d0, d1) -> (0, 0, 0)>
module attributes {stable_mosaic.version = 14 : i64} {
  func.func @k(%arg0: i32, %arg1: i32, %arg2: memref<32768x128xf32, #tpu.memory_space<hbm>>, %arg3: memref<32768xi32, #tpu.memory_space<hbm>>, %arg4: memref<32x64x128xf32, #tpu.memory_space<hbm>>, %arg5: memref<32x16xf32, #tpu.memory_space<hbm>>, %arg6: memref<32x64x16xf32, #tpu.memory_space<hbm>>, %arg7: memref<1024xi32, #tpu.memory_space<vmem>>, %arg8: memref<256x128xf32, #tpu.memory_space<vmem>>, %arg9: memref<64x128xf32, #tpu.memory_space<vmem>>, %arg10: memref<64x16xf32, #tpu.memory_space<vmem>>, %arg11: memref<16xf32, #tpu.memory_space<vmem>>, %arg12: memref<!tpu.dma_semaphore, #tpu.memory_space<semaphore_mem>>, %arg13: memref<!tpu.dma_semaphore, #tpu.memory_space<semaphore_mem>>) attributes {dimension_semantics = [#tpu.dimension_semantics<core_parallel>, #tpu.dimension_semantics<subcore_parallel>], iteration_bounds = array<i64: 2, 16>, scalar_prefetch = 0 : i64, scratch_operands = 7 : i64, tpu.core_type = #tpu.core_type<sc_vector_subcore>, window_params = [{transform_indices = #map}, {transform_indices = #map1}, {transform_indices = #map2}, {transform_indices = #map}, {transform_indices = #map2}]} {
    %mul3A = arith.constant 2 : i32
    %mul3A_0 = arith.muli %arg1, %mul3A : i32
    %add3A = arith.addi %mul3A_0, %arg0 : i32
    %mul3A_1 = arith.constant 1024 : i32
    %mul3A_2 = arith.muli %add3A, %mul3A_1 : i32
    %add3A_3 = arith.constant 0 : i32
    %add3A_4 = arith.addi %mul3A_2, %add3A_3 : i32
    %dma_start3A = arith.constant 0 : i32
    %dma_start3A_5 = arith.constant 0 : i32
    %dma_start3A_6 = tpu.memref_slice %arg8[%dma_start3A, %dma_start3A_5] : memref<256x128xf32, #tpu.memory_space<vmem>> -> memref<128x128xf32, #tpu.memory_space<vmem>>
    %dma_start3A_7 = arith.constant 0 : i32
    %dma_start3A_8 = tpu.memref_slice %arg2[%add3A_4, %dma_start3A_7] : memref<32768x128xf32, #tpu.memory_space<hbm>> -> memref<128x128xf32, #tpu.memory_space<hbm>>
    %dma_start3A_9 = arith.constant 0 : i32
    %dma_start3A_10 = arith.constant 0 : i32
    %dma_start3A_11 = tpu.memref_slice %arg8[%dma_start3A_9, %dma_start3A_10] : memref<256x128xf32, #tpu.memory_space<vmem>> -> memref<128x128xf32, #tpu.memory_space<vmem>>
    %dma_start3A_12 = arith.constant 0 : i32
    %dma_start3A_13 = tpu.memref_slice %arg2[%add3A_4, %dma_start3A_12] : memref<32768x128xf32, #tpu.memory_space<hbm>> -> memref<128x128xf32, #tpu.memory_space<hbm>>
    tpu.enqueue_dma source(%dma_start3A_13 : memref<128x128xf32, #tpu.memory_space<hbm>>) target(%dma_start3A_11 : memref<128x128xf32, #tpu.memory_space<vmem>>) target_semaphore(%arg12 : memref<!tpu.dma_semaphore, #tpu.memory_space<semaphore_mem>>)
    %add3A_14 = arith.constant 128 : i32
    %add3A_15 = arith.addi %mul3A_2, %add3A_14 : i32
    %dma_start3A_16 = arith.constant 128 : i32
    %dma_start3A_17 = arith.constant 0 : i32
    %dma_start3A_18 = tpu.memref_slice %arg8[%dma_start3A_16, %dma_start3A_17] : memref<256x128xf32, #tpu.memory_space<vmem>> -> memref<128x128xf32, #tpu.memory_space<vmem>>
    %dma_start3A_19 = arith.constant 0 : i32
    %dma_start3A_20 = tpu.memref_slice %arg2[%add3A_15, %dma_start3A_19] : memref<32768x128xf32, #tpu.memory_space<hbm>> -> memref<128x128xf32, #tpu.memory_space<hbm>>
    %dma_start3A_21 = arith.constant 128 : i32
    %dma_start3A_22 = arith.constant 0 : i32
    %dma_start3A_23 = tpu.memref_slice %arg8[%dma_start3A_21, %dma_start3A_22] : memref<256x128xf32, #tpu.memory_space<vmem>> -> memref<128x128xf32, #tpu.memory_space<vmem>>
    %dma_start3A_24 = arith.constant 0 : i32
    %dma_start3A_25 = tpu.memref_slice %arg2[%add3A_15, %dma_start3A_24] : memref<32768x128xf32, #tpu.memory_space<hbm>> -> memref<128x128xf32, #tpu.memory_space<hbm>>
    tpu.enqueue_dma source(%dma_start3A_25 : memref<128x128xf32, #tpu.memory_space<hbm>>) target(%dma_start3A_23 : memref<128x128xf32, #tpu.memory_space<vmem>>) target_semaphore(%arg13 : memref<!tpu.dma_semaphore, #tpu.memory_space<semaphore_mem>>)
    "tpu.region"() ({
      %run_scoped3A = tpu.sem_alloc : memref<!tpu.dma_semaphore, #tpu.memory_space<semaphore_mem>>
      %dma_start3A_47 = tpu.memref_slice %arg3[%mul3A_2] : memref<32768xi32, #tpu.memory_space<hbm>> -> memref<1024xi32, #tpu.memory_space<hbm>>
      %dma_start3A_48 = tpu.memref_slice %arg3[%mul3A_2] : memref<32768xi32, #tpu.memory_space<hbm>> -> memref<1024xi32, #tpu.memory_space<hbm>>
      tpu.enqueue_dma source(%dma_start3A_48 : memref<1024xi32, #tpu.memory_space<hbm>>) target(%arg7 : memref<1024xi32, #tpu.memory_space<vmem>>) target_semaphore(%run_scoped3A : memref<!tpu.dma_semaphore, #tpu.memory_space<semaphore_mem>>)
      %dma_wait3A = tpu.memref_slice %arg3[%mul3A_2] : memref<32768xi32, #tpu.memory_space<hbm>> -> memref<1024xi32, #tpu.memory_space<hbm>>
      %dma_wait3A_49 = tpu.memref_slice %arg3[%mul3A_2] : memref<32768xi32, #tpu.memory_space<hbm>> -> memref<1024xi32, #tpu.memory_space<hbm>>
      tpu.wait_dma2 semaphore(%run_scoped3A : memref<!tpu.dma_semaphore, #tpu.memory_space<semaphore_mem>>) src(%dma_wait3A_49 : memref<1024xi32, #tpu.memory_space<hbm>>) dst(%arg7 : memref<1024xi32, #tpu.memory_space<vmem>>)
      tpu.yield
    }) : () -> ()
    %broadcast_in_dim3A = arith.constant 0.000000e+00 : f32
    %broadcast_in_dim3A_26 = vector.broadcast %broadcast_in_dim3A : f32 to vector<16xf32>
    %scan3A = arith.constant 0 : i32
    %scan3A_27 = arith.constant 0 : i32
    %scan3A_28 = arith.constant 64 : i32
    %scan3A_29 = arith.addi %scan3A_27, %scan3A_28 : i32
    %scan3A_30 = arith.constant 1 : i32
    %scan3A_31 = scf.for %scan3A_47 = %scan3A_27 to %scan3A_29 step %scan3A_30 iter_args(%scan3A_48 = %scan3A) -> (i32)  : i32 {
      %swap3A_49 = arith.index_cast %scan3A_47 : i32 to index
      %swap3A_50 = arith.constant 0 : index
      %swap3A_51 = tpu.vector_load %arg9[%swap3A_49, %swap3A_50] {strides = array<i32>} : memref<64x128xf32, #tpu.memory_space<vmem>>, vector<16xf32>,
      tpu.vector_store %arg9[%swap3A_49, %swap3A_50], %broadcast_in_dim3A_26 {strides = array<i32>} : memref<64x128xf32, #tpu.memory_space<vmem>>, vector<16xf32>,
      %swap3A_52 = arith.index_cast %scan3A_47 : i32 to index
      %swap3A_53 = arith.constant 16 : index
      %swap3A_54 = tpu.vector_load %arg9[%swap3A_52, %swap3A_53] {strides = array<i32>} : memref<64x128xf32, #tpu.memory_space<vmem>>, vector<16xf32>,
      tpu.vector_store %arg9[%swap3A_52, %swap3A_53], %broadcast_in_dim3A_26 {strides = array<i32>} : memref<64x128xf32, #tpu.memory_space<vmem>>, vector<16xf32>,
      %swap3A_55 = arith.index_cast %scan3A_47 : i32 to index
      %swap3A_56 = arith.constant 32 : index
      %swap3A_57 = tpu.vector_load %arg9[%swap3A_55, %swap3A_56] {strides = array<i32>} : memref<64x128xf32, #tpu.memory_space<vmem>>, vector<16xf32>,
      tpu.vector_store %arg9[%swap3A_55, %swap3A_56], %broadcast_in_dim3A_26 {strides = array<i32>} : memref<64x128xf32, #tpu.memory_space<vmem>>, vector<16xf32>,
      %swap3A_58 = arith.index_cast %scan3A_47 : i32 to index
      %swap3A_59 = arith.constant 48 : index
      %swap3A_60 = tpu.vector_load %arg9[%swap3A_58, %swap3A_59] {strides = array<i32>} : memref<64x128xf32, #tpu.memory_space<vmem>>, vector<16xf32>,
      tpu.vector_store %arg9[%swap3A_58, %swap3A_59], %broadcast_in_dim3A_26 {strides = array<i32>} : memref<64x128xf32, #tpu.memory_space<vmem>>, vector<16xf32>,
      %swap3A_61 = arith.index_cast %scan3A_47 : i32 to index
      %swap3A_62 = arith.constant 64 : index
      %swap3A_63 = tpu.vector_load %arg9[%swap3A_61, %swap3A_62] {strides = array<i32>} : memref<64x128xf32, #tpu.memory_space<vmem>>, vector<16xf32>,
      tpu.vector_store %arg9[%swap3A_61, %swap3A_62], %broadcast_in_dim3A_26 {strides = array<i32>} : memref<64x128xf32, #tpu.memory_space<vmem>>, vector<16xf32>,
      %swap3A_64 = arith.index_cast %scan3A_47 : i32 to index
      %swap3A_65 = arith.constant 80 : index
      %swap3A_66 = tpu.vector_load %arg9[%swap3A_64, %swap3A_65] {strides = array<i32>} : memref<64x128xf32, #tpu.memory_space<vmem>>, vector<16xf32>,
      tpu.vector_store %arg9[%swap3A_64, %swap3A_65], %broadcast_in_dim3A_26 {strides = array<i32>} : memref<64x128xf32, #tpu.memory_space<vmem>>, vector<16xf32>,
      %swap3A_67 = arith.index_cast %scan3A_47 : i32 to index
      %swap3A_68 = arith.constant 96 : index
      %swap3A_69 = tpu.vector_load %arg9[%swap3A_67, %swap3A_68] {strides = array<i32>} : memref<64x128xf32, #tpu.memory_space<vmem>>, vector<16xf32>,
      tpu.vector_store %arg9[%swap3A_67, %swap3A_68], %broadcast_in_dim3A_26 {strides = array<i32>} : memref<64x128xf32, #tpu.memory_space<vmem>>, vector<16xf32>,
      %swap3A_70 = arith.index_cast %scan3A_47 : i32 to index
      %swap3A_71 = arith.constant 112 : index
      %swap3A_72 = tpu.vector_load %arg9[%swap3A_70, %swap3A_71] {strides = array<i32>} : memref<64x128xf32, #tpu.memory_space<vmem>>, vector<16xf32>,
      tpu.vector_store %arg9[%swap3A_70, %swap3A_71], %broadcast_in_dim3A_26 {strides = array<i32>} : memref<64x128xf32, #tpu.memory_space<vmem>>, vector<16xf32>,
      %swap3A_73 = arith.index_cast %scan3A_47 : i32 to index
      %swap3A_74 = arith.constant 0 : index
      %swap3A_75 = tpu.vector_load %arg10[%swap3A_73, %swap3A_74] {strides = array<i32>} : memref<64x16xf32, #tpu.memory_space<vmem>>, vector<16xf32>,
      tpu.vector_store %arg10[%swap3A_73, %swap3A_74], %broadcast_in_dim3A_26 {strides = array<i32>} : memref<64x16xf32, #tpu.memory_space<vmem>>, vector<16xf32>,
      %scan3A_76 = arith.constant 0 : i32
      scf.yield %scan3A_76 : i32
    }
    %scan3A_32 = arith.constant 64 : i32
    %iota3A = tpu.iota {dimensions = array<i32: 0>} : vector<16xi32>
    %scan3A_33 = arith.constant 0 : i32
    %scan3A_34 = arith.constant 8 : i32
    %scan3A_35 = arith.addi %scan3A_33, %scan3A_34 : i32
    %scan3A_36 = arith.constant 1 : i32
    %scan3A_37:8 = scf.for %scan3A_47 = %scan3A_33 to %scan3A_35 step %scan3A_36 iter_args(%scan3A_48 = %broadcast_in_dim3A_26, %scan3A_49 = %broadcast_in_dim3A_26, %scan3A_50 = %broadcast_in_dim3A_26, %scan3A_51 = %broadcast_in_dim3A_26, %scan3A_52 = %broadcast_in_dim3A_26, %scan3A_53 = %broadcast_in_dim3A_26, %scan3A_54 = %broadcast_in_dim3A_26, %scan3A_55 = %broadcast_in_dim3A_26) -> (vector<16xf32>, vector<16xf32>, vector<16xf32>, vector<16xf32>, vector<16xf32>, vector<16xf32>, vector<16xf32>, vector<16xf32>)  : i32 {
      %rem3A = arith.constant 2 : i32
      %rem3A_56 = arith.remsi %scan3A_47, %rem3A : i32
      %eq3A = arith.constant 0 : i32
      %eq3A_57 = arith.cmpi eq, %rem3A_56, %eq3A : i32
      %convert_element_type3A = arith.extui %eq3A_57 : i1 to i32
      %cond3A = arith.constant 0 : i32
      %cond3A_58 = arith.cmpi ne, %convert_element_type3A, %cond3A : i32
      scf.if %cond3A_58 {
        %dma_wait3A = arith.constant 0 : i32
        %dma_wait3A_87 = arith.constant 0 : i32
        %dma_wait3A_88 = tpu.memref_slice %arg8[%dma_wait3A, %dma_wait3A_87] : memref<256x128xf32, #tpu.memory_space<vmem>> -> memref<128x128xf32, #tpu.memory_space<vmem>>
        %dma_wait3A_89 = arith.constant 0 : i32
        %dma_wait3A_90 = tpu.memref_slice %arg2[%mul3A_2, %dma_wait3A_89] : memref<32768x128xf32, #tpu.memory_space<hbm>> -> memref<128x128xf32, #tpu.memory_space<hbm>>
        %dma_wait3A_91 = arith.constant 0 : i32
        %dma_wait3A_92 = arith.constant 0 : i32
        %dma_wait3A_93 = tpu.memref_slice %arg8[%dma_wait3A_91, %dma_wait3A_92] : memref<256x128xf32, #tpu.memory_space<vmem>> -> memref<128x128xf32, #tpu.memory_space<vmem>>
        %dma_wait3A_94 = arith.constant 0 : i32
        %dma_wait3A_95 = tpu.memref_slice %arg2[%mul3A_2, %dma_wait3A_94] : memref<32768x128xf32, #tpu.memory_space<hbm>> -> memref<128x128xf32, #tpu.memory_space<hbm>>
        tpu.wait_dma2 semaphore(%arg12 : memref<!tpu.dma_semaphore, #tpu.memory_space<semaphore_mem>>) src(%dma_wait3A_95 : memref<128x128xf32, #tpu.memory_space<hbm>>) dst(%dma_wait3A_93 : memref<128x128xf32, #tpu.memory_space<vmem>>)
      } else {
      }
      %eq3A_59 = arith.constant 1 : i32
      %eq3A_60 = arith.cmpi eq, %rem3A_56, %eq3A_59 : i32
      %convert_element_type3A_61 = arith.extui %eq3A_60 : i1 to i32
      %cond3A_62 = arith.constant 0 : i32
      %cond3A_63 = arith.cmpi ne, %convert_element_type3A_61, %cond3A_62 : i32
      scf.if %cond3A_63 {
        %dma_wait3A = arith.constant 128 : i32
        %dma_wait3A_87 = arith.constant 0 : i32
        %dma_wait3A_88 = tpu.memref_slice %arg8[%dma_wait3A, %dma_wait3A_87] : memref<256x128xf32, #tpu.memory_space<vmem>> -> memref<128x128xf32, #tpu.memory_space<vmem>>
        %dma_wait3A_89 = arith.constant 0 : i32
        %dma_wait3A_90 = tpu.memref_slice %arg2[%mul3A_2, %dma_wait3A_89] : memref<32768x128xf32, #tpu.memory_space<hbm>> -> memref<128x128xf32, #tpu.memory_space<hbm>>
        %dma_wait3A_91 = arith.constant 128 : i32
        %dma_wait3A_92 = arith.constant 0 : i32
        %dma_wait3A_93 = tpu.memref_slice %arg8[%dma_wait3A_91, %dma_wait3A_92] : memref<256x128xf32, #tpu.memory_space<vmem>> -> memref<128x128xf32, #tpu.memory_space<vmem>>
        %dma_wait3A_94 = arith.constant 0 : i32
        %dma_wait3A_95 = tpu.memref_slice %arg2[%mul3A_2, %dma_wait3A_94] : memref<32768x128xf32, #tpu.memory_space<hbm>> -> memref<128x128xf32, #tpu.memory_space<hbm>>
        tpu.wait_dma2 semaphore(%arg13 : memref<!tpu.dma_semaphore, #tpu.memory_space<semaphore_mem>>) src(%dma_wait3A_95 : memref<128x128xf32, #tpu.memory_space<hbm>>) dst(%dma_wait3A_93 : memref<128x128xf32, #tpu.memory_space<vmem>>)
      } else {
      }
      %mul3A_64 = arith.constant 128 : i32
      %mul3A_65 = arith.muli %rem3A_56, %mul3A_64 : i32
      %parallel_loop3A = arith.constant 0 : i32
      %parallel_loop3A_66 = arith.constant 8 : i32
      %parallel_loop3A_67 = arith.constant 1 : i32
      %parallel_loop3A_68:8 = scf.for %parallel_loop3A_87 = %parallel_loop3A to %parallel_loop3A_66 step %parallel_loop3A_67 iter_args(%parallel_loop3A_88 = %scan3A_48, %parallel_loop3A_89 = %scan3A_49, %parallel_loop3A_90 = %scan3A_50, %parallel_loop3A_91 = %scan3A_51, %parallel_loop3A_92 = %scan3A_52, %parallel_loop3A_93 = %scan3A_53, %parallel_loop3A_94 = %scan3A_54, %parallel_loop3A_95 = %scan3A_55) -> (vector<16xf32>, vector<16xf32>, vector<16xf32>, vector<16xf32>, vector<16xf32>, vector<16xf32>, vector<16xf32>, vector<16xf32>)  : i32 {
        %parallel_loop3A_96 = arith.constant 16 : i32
        %parallel_loop3A_97 = arith.muli %parallel_loop3A_87, %parallel_loop3A_96 : i32
        %parallel_loop3A_98 = arith.addi %mul3A_65, %parallel_loop3A_97 : i32
        %parallel_loop3A_99 = arith.constant 128 : i32
        %parallel_loop3A_100 = arith.muli %scan3A_47, %parallel_loop3A_99 : i32
        %parallel_loop3A_101 = arith.constant 16 : i32
        %parallel_loop3A_102 = arith.muli %parallel_loop3A_87, %parallel_loop3A_101 : i32
        %parallel_loop3A_103 = arith.addi %parallel_loop3A_100, %parallel_loop3A_102 : i32
        %parallel_loop3A_104 = arith.index_cast %parallel_loop3A_103 : i32 to index
        %parallel_loop3A_105 = tpu.vector_load %arg7[%parallel_loop3A_104] {strides = array<i32>} : memref<1024xi32, #tpu.memory_space<vmem>>, vector<16xi32>,
        %parallel_loop3A_106 = vector.extract_strided_slice %parallel_loop3A_105 {offsets = [0], sizes = [1], strides = [1]} : vector<16xi32> to vector<1xi32>
        %parallel_loop3A_107 = vector.extract %parallel_loop3A_106[0] : i32 from vector<1xi32>
        %parallel_loop3A_108 = vector.extract_strided_slice %parallel_loop3A_105 {offsets = [15], sizes = [1], strides = [1]} : vector<16xi32> to vector<1xi32>
        %parallel_loop3A_109 = vector.extract %parallel_loop3A_108[0] : i32 from vector<1xi32>
        %parallel_loop3A_110 = arith.cmpi eq, %parallel_loop3A_107, %parallel_loop3A_109 : i32
        %parallel_loop3A_111 = arith.extui %parallel_loop3A_110 : i1 to i32
        %parallel_loop3A_112 = arith.constant 0 : i32
        %parallel_loop3A_113 = arith.cmpi ne, %parallel_loop3A_111, %parallel_loop3A_112 : i32
        %parallel_loop3A_114:8 = scf.if %parallel_loop3A_113 -> (vector<16xf32>, vector<16xf32>, vector<16xf32>, vector<16xf32>, vector<16xf32>, vector<16xf32>, vector<16xf32>, vector<16xf32>) {
          %parallel_loop3A_115 = arith.constant 0 : i32
          %parallel_loop3A_116 = arith.addi %parallel_loop3A_98, %parallel_loop3A_115 : i32
          %parallel_loop3A_117 = arith.index_cast %parallel_loop3A_116 : i32 to index
          %parallel_loop3A_118 = arith.constant 0 : index
          %parallel_loop3A_119 = tpu.vector_load %arg8[%parallel_loop3A_117, %parallel_loop3A_118] {strides = array<i32>} : memref<256x128xf32, #tpu.memory_space<vmem>>, vector<16xf32>,
          %parallel_loop3A_120 = arith.mulf %parallel_loop3A_119, %parallel_loop3A_119 : vector<16xf32>
          %parallel_loop3A_121 = arith.constant 0 : i32
          %parallel_loop3A_122 = arith.addi %parallel_loop3A_98, %parallel_loop3A_121 : i32
          %parallel_loop3A_123 = arith.index_cast %parallel_loop3A_122 : i32 to index
          %parallel_loop3A_124 = arith.constant 16 : index
          %parallel_loop3A_125 = tpu.vector_load %arg8[%parallel_loop3A_123, %parallel_loop3A_124] {strides = array<i32>} : memref<256x128xf32, #tpu.memory_space<vmem>>, vector<16xf32>,
          %parallel_loop3A_126 = arith.mulf %parallel_loop3A_125, %parallel_loop3A_125 : vector<16xf32>
          %parallel_loop3A_127 = arith.constant 0 : i32
          %parallel_loop3A_128 = arith.addi %parallel_loop3A_98, %parallel_loop3A_127 : i32
          %parallel_loop3A_129 = arith.index_cast %parallel_loop3A_128 : i32 to index
          %parallel_loop3A_130 = arith.constant 32 : index
          %parallel_loop3A_131 = tpu.vector_load %arg8[%parallel_loop3A_129, %parallel_loop3A_130] {strides = array<i32>} : memref<256x128xf32, #tpu.memory_space<vmem>>, vector<16xf32>,
          %parallel_loop3A_132 = arith.mulf %parallel_loop3A_131, %parallel_loop3A_131 : vector<16xf32>
          %parallel_loop3A_133 = arith.constant 0 : i32
          %parallel_loop3A_134 = arith.addi %parallel_loop3A_98, %parallel_loop3A_133 : i32
          %parallel_loop3A_135 = arith.index_cast %parallel_loop3A_134 : i32 to index
          %parallel_loop3A_136 = arith.constant 48 : index
          %parallel_loop3A_137 = tpu.vector_load %arg8[%parallel_loop3A_135, %parallel_loop3A_136] {strides = array<i32>} : memref<256x128xf32, #tpu.memory_space<vmem>>, vector<16xf32>,
          %parallel_loop3A_138 = arith.mulf %parallel_loop3A_137, %parallel_loop3A_137 : vector<16xf32>
          %parallel_loop3A_139 = arith.constant 0 : i32
          %parallel_loop3A_140 = arith.addi %parallel_loop3A_98, %parallel_loop3A_139 : i32
          %parallel_loop3A_141 = arith.index_cast %parallel_loop3A_140 : i32 to index
          %parallel_loop3A_142 = arith.constant 64 : index
          %parallel_loop3A_143 = tpu.vector_load %arg8[%parallel_loop3A_141, %parallel_loop3A_142] {strides = array<i32>} : memref<256x128xf32, #tpu.memory_space<vmem>>, vector<16xf32>,
          %parallel_loop3A_144 = arith.mulf %parallel_loop3A_143, %parallel_loop3A_143 : vector<16xf32>
          %parallel_loop3A_145 = arith.constant 0 : i32
          %parallel_loop3A_146 = arith.addi %parallel_loop3A_98, %parallel_loop3A_145 : i32
          %parallel_loop3A_147 = arith.index_cast %parallel_loop3A_146 : i32 to index
          %parallel_loop3A_148 = arith.constant 80 : index
          %parallel_loop3A_149 = tpu.vector_load %arg8[%parallel_loop3A_147, %parallel_loop3A_148] {strides = array<i32>} : memref<256x128xf32, #tpu.memory_space<vmem>>, vector<16xf32>,
          %parallel_loop3A_150 = arith.mulf %parallel_loop3A_149, %parallel_loop3A_149 : vector<16xf32>
          %parallel_loop3A_151 = arith.constant 0 : i32
          %parallel_loop3A_152 = arith.addi %parallel_loop3A_98, %parallel_loop3A_151 : i32
          %parallel_loop3A_153 = arith.index_cast %parallel_loop3A_152 : i32 to index
          %parallel_loop3A_154 = arith.constant 96 : index
          %parallel_loop3A_155 = tpu.vector_load %arg8[%parallel_loop3A_153, %parallel_loop3A_154] {strides = array<i32>} : memref<256x128xf32, #tpu.memory_space<vmem>>, vector<16xf32>,
          %parallel_loop3A_156 = arith.mulf %parallel_loop3A_155, %parallel_loop3A_155 : vector<16xf32>
          %parallel_loop3A_157 = arith.constant 0 : i32
          %parallel_loop3A_158 = arith.addi %parallel_loop3A_98, %parallel_loop3A_157 : i32
          %parallel_loop3A_159 = arith.index_cast %parallel_loop3A_158 : i32 to index
          %parallel_loop3A_160 = arith.constant 112 : index
          %parallel_loop3A_161 = tpu.vector_load %arg8[%parallel_loop3A_159, %parallel_loop3A_160] {strides = array<i32>} : memref<256x128xf32, #tpu.memory_space<vmem>>, vector<16xf32>,
          %parallel_loop3A_162 = arith.mulf %parallel_loop3A_161, %parallel_loop3A_161 : vector<16xf32>
          %parallel_loop3A_163 = arith.constant 1 : i32
          %parallel_loop3A_164 = arith.addi %parallel_loop3A_98, %parallel_loop3A_163 : i32
          %parallel_loop3A_165 = arith.index_cast %parallel_loop3A_164 : i32 to index
          %parallel_loop3A_166 = arith.constant 0 : index
          %parallel_loop3A_167 = tpu.vector_load %arg8[%parallel_loop3A_165, %parallel_loop3A_166] {strides = array<i32>} : memref<256x128xf32, #tpu.memory_space<vmem>>, vector<16xf32>,
          %parallel_loop3A_168 = arith.mulf %parallel_loop3A_167, %parallel_loop3A_167 : vector<16xf32>
          %parallel_loop3A_169 = arith.addf %parallel_loop3A_119, %parallel_loop3A_167 : vector<16xf32>
          %parallel_loop3A_170 = arith.addf %parallel_loop3A_120, %parallel_loop3A_168 : vector<16xf32>
          %parallel_loop3A_171 = arith.constant 1 : i32
          %parallel_loop3A_172 = arith.addi %parallel_loop3A_98, %parallel_loop3A_171 : i32
          %parallel_loop3A_173 = arith.index_cast %parallel_loop3A_172 : i32 to index
          %parallel_loop3A_174 = arith.constant 16 : index
          %parallel_loop3A_175 = tpu.vector_load %arg8[%parallel_loop3A_173, %parallel_loop3A_174] {strides = array<i32>} : memref<256x128xf32, #tpu.memory_space<vmem>>, vector<16xf32>,
          %parallel_loop3A_176 = arith.mulf %parallel_loop3A_175, %parallel_loop3A_175 : vector<16xf32>
          %parallel_loop3A_177 = arith.addf %parallel_loop3A_125, %parallel_loop3A_175 : vector<16xf32>
          %parallel_loop3A_178 = arith.addf %parallel_loop3A_126, %parallel_loop3A_176 : vector<16xf32>
          %parallel_loop3A_179 = arith.constant 1 : i32
          %parallel_loop3A_180 = arith.addi %parallel_loop3A_98, %parallel_loop3A_179 : i32
          %parallel_loop3A_181 = arith.index_cast %parallel_loop3A_180 : i32 to index
          %parallel_loop3A_182 = arith.constant 32 : index
          %parallel_loop3A_183 = tpu.vector_load %arg8[%parallel_loop3A_181, %parallel_loop3A_182] {strides = array<i32>} : memref<256x128xf32, #tpu.memory_space<vmem>>, vector<16xf32>,
          %parallel_loop3A_184 = arith.mulf %parallel_loop3A_183, %parallel_loop3A_183 : vector<16xf32>
          %parallel_loop3A_185 = arith.addf %parallel_loop3A_131, %parallel_loop3A_183 : vector<16xf32>
          %parallel_loop3A_186 = arith.addf %parallel_loop3A_132, %parallel_loop3A_184 : vector<16xf32>
          %parallel_loop3A_187 = arith.constant 1 : i32
          %parallel_loop3A_188 = arith.addi %parallel_loop3A_98, %parallel_loop3A_187 : i32
          %parallel_loop3A_189 = arith.index_cast %parallel_loop3A_188 : i32 to index
          %parallel_loop3A_190 = arith.constant 48 : index
          %parallel_loop3A_191 = tpu.vector_load %arg8[%parallel_loop3A_189, %parallel_loop3A_190] {strides = array<i32>} : memref<256x128xf32, #tpu.memory_space<vmem>>, vector<16xf32>,
          %parallel_loop3A_192 = arith.mulf %parallel_loop3A_191, %parallel_loop3A_191 : vector<16xf32>
          %parallel_loop3A_193 = arith.addf %parallel_loop3A_137, %parallel_loop3A_191 : vector<16xf32>
          %parallel_loop3A_194 = arith.addf %parallel_loop3A_138, %parallel_loop3A_192 : vector<16xf32>
          %parallel_loop3A_195 = arith.constant 1 : i32
          %parallel_loop3A_196 = arith.addi %parallel_loop3A_98, %parallel_loop3A_195 : i32
          %parallel_loop3A_197 = arith.index_cast %parallel_loop3A_196 : i32 to index
          %parallel_loop3A_198 = arith.constant 64 : index
          %parallel_loop3A_199 = tpu.vector_load %arg8[%parallel_loop3A_197, %parallel_loop3A_198] {strides = array<i32>} : memref<256x128xf32, #tpu.memory_space<vmem>>, vector<16xf32>,
          %parallel_loop3A_200 = arith.mulf %parallel_loop3A_199, %parallel_loop3A_199 : vector<16xf32>
          %parallel_loop3A_201 = arith.addf %parallel_loop3A_143, %parallel_loop3A_199 : vector<16xf32>
          %parallel_loop3A_202 = arith.addf %parallel_loop3A_144, %parallel_loop3A_200 : vector<16xf32>
          %parallel_loop3A_203 = arith.constant 1 : i32
          %parallel_loop3A_204 = arith.addi %parallel_loop3A_98, %parallel_loop3A_203 : i32
          %parallel_loop3A_205 = arith.index_cast %parallel_loop3A_204 : i32 to index
          %parallel_loop3A_206 = arith.constant 80 : index
          %parallel_loop3A_207 = tpu.vector_load %arg8[%parallel_loop3A_205, %parallel_loop3A_206] {strides = array<i32>} : memref<256x128xf32, #tpu.memory_space<vmem>>, vector<16xf32>,
          %parallel_loop3A_208 = arith.mulf %parallel_loop3A_207, %parallel_loop3A_207 : vector<16xf32>
          %parallel_loop3A_209 = arith.addf %parallel_loop3A_149, %parallel_loop3A_207 : vector<16xf32>
          %parallel_loop3A_210 = arith.addf %parallel_loop3A_150, %parallel_loop3A_208 : vector<16xf32>
          %parallel_loop3A_211 = arith.constant 1 : i32
          %parallel_loop3A_212 = arith.addi %parallel_loop3A_98, %parallel_loop3A_211 : i32
          %parallel_loop3A_213 = arith.index_cast %parallel_loop3A_212 : i32 to index
          %parallel_loop3A_214 = arith.constant 96 : index
          %parallel_loop3A_215 = tpu.vector_load %arg8[%parallel_loop3A_213, %parallel_loop3A_214] {strides = array<i32>} : memref<256x128xf32, #tpu.memory_space<vmem>>, vector<16xf32>,
          %parallel_loop3A_216 = arith.mulf %parallel_loop3A_215, %parallel_loop3A_215 : vector<16xf32>
          %parallel_loop3A_217 = arith.addf %parallel_loop3A_155, %parallel_loop3A_215 : vector<16xf32>
          %parallel_loop3A_218 = arith.addf %parallel_loop3A_156, %parallel_loop3A_216 : vector<16xf32>
          %parallel_loop3A_219 = arith.constant 1 : i32
          %parallel_loop3A_220 = arith.addi %parallel_loop3A_98, %parallel_loop3A_219 : i32
          %parallel_loop3A_221 = arith.index_cast %parallel_loop3A_220 : i32 to index
          %parallel_loop3A_222 = arith.constant 112 : index
          %parallel_loop3A_223 = tpu.vector_load %arg8[%parallel_loop3A_221, %parallel_loop3A_222] {strides = array<i32>} : memref<256x128xf32, #tpu.memory_space<vmem>>, vector<16xf32>,
          %parallel_loop3A_224 = arith.mulf %parallel_loop3A_223, %parallel_loop3A_223 : vector<16xf32>
          %parallel_loop3A_225 = arith.addf %parallel_loop3A_161, %parallel_loop3A_223 : vector<16xf32>
          %parallel_loop3A_226 = arith.addf %parallel_loop3A_162, %parallel_loop3A_224 : vector<16xf32>
          %parallel_loop3A_227 = arith.constant 2 : i32
          %parallel_loop3A_228 = arith.addi %parallel_loop3A_98, %parallel_loop3A_227 : i32
          %parallel_loop3A_229 = arith.index_cast %parallel_loop3A_228 : i32 to index
          %parallel_loop3A_230 = arith.constant 0 : index
          %parallel_loop3A_231 = tpu.vector_load %arg8[%parallel_loop3A_229, %parallel_loop3A_230] {strides = array<i32>} : memref<256x128xf32, #tpu.memory_space<vmem>>, vector<16xf32>,
          %parallel_loop3A_232 = arith.mulf %parallel_loop3A_231, %parallel_loop3A_231 : vector<16xf32>
          %parallel_loop3A_233 = arith.addf %parallel_loop3A_169, %parallel_loop3A_231 : vector<16xf32>
          %parallel_loop3A_234 = arith.addf %parallel_loop3A_170, %parallel_loop3A_232 : vector<16xf32>
          %parallel_loop3A_235 = arith.constant 2 : i32
          %parallel_loop3A_236 = arith.addi %parallel_loop3A_98, %parallel_loop3A_235 : i32
          %parallel_loop3A_237 = arith.index_cast %parallel_loop3A_236 : i32 to index
          %parallel_loop3A_238 = arith.constant 16 : index
          %parallel_loop3A_239 = tpu.vector_load %arg8[%parallel_loop3A_237, %parallel_loop3A_238] {strides = array<i32>} : memref<256x128xf32, #tpu.memory_space<vmem>>, vector<16xf32>,
          %parallel_loop3A_240 = arith.mulf %parallel_loop3A_239, %parallel_loop3A_239 : vector<16xf32>
          %parallel_loop3A_241 = arith.addf %parallel_loop3A_177, %parallel_loop3A_239 : vector<16xf32>
          %parallel_loop3A_242 = arith.addf %parallel_loop3A_178, %parallel_loop3A_240 : vector<16xf32>
          %parallel_loop3A_243 = arith.constant 2 : i32
          %parallel_loop3A_244 = arith.addi %parallel_loop3A_98, %parallel_loop3A_243 : i32
          %parallel_loop3A_245 = arith.index_cast %parallel_loop3A_244 : i32 to index
          %parallel_loop3A_246 = arith.constant 32 : index
          %parallel_loop3A_247 = tpu.vector_load %arg8[%parallel_loop3A_245, %parallel_loop3A_246] {strides = array<i32>} : memref<256x128xf32, #tpu.memory_space<vmem>>, vector<16xf32>,
          %parallel_loop3A_248 = arith.mulf %parallel_loop3A_247, %parallel_loop3A_247 : vector<16xf32>
          %parallel_loop3A_249 = arith.addf %parallel_loop3A_185, %parallel_loop3A_247 : vector<16xf32>
          %parallel_loop3A_250 = arith.addf %parallel_loop3A_186, %parallel_loop3A_248 : vector<16xf32>
          %parallel_loop3A_251 = arith.constant 2 : i32
          %parallel_loop3A_252 = arith.addi %parallel_loop3A_98, %parallel_loop3A_251 : i32
          %parallel_loop3A_253 = arith.index_cast %parallel_loop3A_252 : i32 to index
          %parallel_loop3A_254 = arith.constant 48 : index
          %parallel_loop3A_255 = tpu.vector_load %arg8[%parallel_loop3A_253, %parallel_loop3A_254] {strides = array<i32>} : memref<256x128xf32, #tpu.memory_space<vmem>>, vector<16xf32>,
          %parallel_loop3A_256 = arith.mulf %parallel_loop3A_255, %parallel_loop3A_255 : vector<16xf32>
          %parallel_loop3A_257 = arith.addf %parallel_loop3A_193, %parallel_loop3A_255 : vector<16xf32>
          %parallel_loop3A_258 = arith.addf %parallel_loop3A_194, %parallel_loop3A_256 : vector<16xf32>
          %parallel_loop3A_259 = arith.constant 2 : i32
          %parallel_loop3A_260 = arith.addi %parallel_loop3A_98, %parallel_loop3A_259 : i32
          %parallel_loop3A_261 = arith.index_cast %parallel_loop3A_260 : i32 to index
          %parallel_loop3A_262 = arith.constant 64 : index
          %parallel_loop3A_263 = tpu.vector_load %arg8[%parallel_loop3A_261, %parallel_loop3A_262] {strides = array<i32>} : memref<256x128xf32, #tpu.memory_space<vmem>>, vector<16xf32>,
          %parallel_loop3A_264 = arith.mulf %parallel_loop3A_263, %parallel_loop3A_263 : vector<16xf32>
          %parallel_loop3A_265 = arith.addf %parallel_loop3A_201, %parallel_loop3A_263 : vector<16xf32>
          %parallel_loop3A_266 = arith.addf %parallel_loop3A_202, %parallel_loop3A_264 : vector<16xf32>
          %parallel_loop3A_267 = arith.constant 2 : i32
          %parallel_loop3A_268 = arith.addi %parallel_loop3A_98, %parallel_loop3A_267 : i32
          %parallel_loop3A_269 = arith.index_cast %parallel_loop3A_268 : i32 to index
          %parallel_loop3A_270 = arith.constant 80 : index
          %parallel_loop3A_271 = tpu.vector_load %arg8[%parallel_loop3A_269, %parallel_loop3A_270] {strides = array<i32>} : memref<256x128xf32, #tpu.memory_space<vmem>>, vector<16xf32>,
          %parallel_loop3A_272 = arith.mulf %parallel_loop3A_271, %parallel_loop3A_271 : vector<16xf32>
          %parallel_loop3A_273 = arith.addf %parallel_loop3A_209, %parallel_loop3A_271 : vector<16xf32>
          %parallel_loop3A_274 = arith.addf %parallel_loop3A_210, %parallel_loop3A_272 : vector<16xf32>
          %parallel_loop3A_275 = arith.constant 2 : i32
          %parallel_loop3A_276 = arith.addi %parallel_loop3A_98, %parallel_loop3A_275 : i32
          %parallel_loop3A_277 = arith.index_cast %parallel_loop3A_276 : i32 to index
          %parallel_loop3A_278 = arith.constant 96 : index
          %parallel_loop3A_279 = tpu.vector_load %arg8[%parallel_loop3A_277, %parallel_loop3A_278] {strides = array<i32>} : memref<256x128xf32, #tpu.memory_space<vmem>>, vector<16xf32>,
          %parallel_loop3A_280 = arith.mulf %parallel_loop3A_279, %parallel_loop3A_279 : vector<16xf32>
          %parallel_loop3A_281 = arith.addf %parallel_loop3A_217, %parallel_loop3A_279 : vector<16xf32>
          %parallel_loop3A_282 = arith.addf %parallel_loop3A_218, %parallel_loop3A_280 : vector<16xf32>
          %parallel_loop3A_283 = arith.constant 2 : i32
          %parallel_loop3A_284 = arith.addi %parallel_loop3A_98, %parallel_loop3A_283 : i32
          %parallel_loop3A_285 = arith.index_cast %parallel_loop3A_284 : i32 to index
          %parallel_loop3A_286 = arith.constant 112 : index
          %parallel_loop3A_287 = tpu.vector_load %arg8[%parallel_loop3A_285, %parallel_loop3A_286] {strides = array<i32>} : memref<256x128xf32, #tpu.memory_space<vmem>>, vector<16xf32>,
          %parallel_loop3A_288 = arith.mulf %parallel_loop3A_287, %parallel_loop3A_287 : vector<16xf32>
          %parallel_loop3A_289 = arith.addf %parallel_loop3A_225, %parallel_loop3A_287 : vector<16xf32>
          %parallel_loop3A_290 = arith.addf %parallel_loop3A_226, %parallel_loop3A_288 : vector<16xf32>
          %parallel_loop3A_291 = arith.constant 3 : i32
          %parallel_loop3A_292 = arith.addi %parallel_loop3A_98, %parallel_loop3A_291 : i32
          %parallel_loop3A_293 = arith.index_cast %parallel_loop3A_292 : i32 to index
          %parallel_loop3A_294 = arith.constant 0 : index
          %parallel_loop3A_295 = tpu.vector_load %arg8[%parallel_loop3A_293, %parallel_loop3A_294] {strides = array<i32>} : memref<256x128xf32, #tpu.memory_space<vmem>>, vector<16xf32>,
          %parallel_loop3A_296 = arith.mulf %parallel_loop3A_295, %parallel_loop3A_295 : vector<16xf32>
          %parallel_loop3A_297 = arith.addf %parallel_loop3A_233, %parallel_loop3A_295 : vector<16xf32>
          %parallel_loop3A_298 = arith.addf %parallel_loop3A_234, %parallel_loop3A_296 : vector<16xf32>
          %parallel_loop3A_299 = arith.constant 3 : i32
          %parallel_loop3A_300 = arith.addi %parallel_loop3A_98, %parallel_loop3A_299 : i32
          %parallel_loop3A_301 = arith.index_cast %parallel_loop3A_300 : i32 to index
          %parallel_loop3A_302 = arith.constant 16 : index
          %parallel_loop3A_303 = tpu.vector_load %arg8[%parallel_loop3A_301, %parallel_loop3A_302] {strides = array<i32>} : memref<256x128xf32, #tpu.memory_space<vmem>>, vector<16xf32>,
          %parallel_loop3A_304 = arith.mulf %parallel_loop3A_303, %parallel_loop3A_303 : vector<16xf32>
          %parallel_loop3A_305 = arith.addf %parallel_loop3A_241, %parallel_loop3A_303 : vector<16xf32>
          %parallel_loop3A_306 = arith.addf %parallel_loop3A_242, %parallel_loop3A_304 : vector<16xf32>
          %parallel_loop3A_307 = arith.constant 3 : i32
          %parallel_loop3A_308 = arith.addi %parallel_loop3A_98, %parallel_loop3A_307 : i32
          %parallel_loop3A_309 = arith.index_cast %parallel_loop3A_308 : i32 to index
          %parallel_loop3A_310 = arith.constant 32 : index
          %parallel_loop3A_311 = tpu.vector_load %arg8[%parallel_loop3A_309, %parallel_loop3A_310] {strides = array<i32>} : memref<256x128xf32, #tpu.memory_space<vmem>>, vector<16xf32>,
          %parallel_loop3A_312 = arith.mulf %parallel_loop3A_311, %parallel_loop3A_311 : vector<16xf32>
          %parallel_loop3A_313 = arith.addf %parallel_loop3A_249, %parallel_loop3A_311 : vector<16xf32>
          %parallel_loop3A_314 = arith.addf %parallel_loop3A_250, %parallel_loop3A_312 : vector<16xf32>
          %parallel_loop3A_315 = arith.constant 3 : i32
          %parallel_loop3A_316 = arith.addi %parallel_loop3A_98, %parallel_loop3A_315 : i32
          %parallel_loop3A_317 = arith.index_cast %parallel_loop3A_316 : i32 to index
          %parallel_loop3A_318 = arith.constant 48 : index
          %parallel_loop3A_319 = tpu.vector_load %arg8[%parallel_loop3A_317, %parallel_loop3A_318] {strides = array<i32>} : memref<256x128xf32, #tpu.memory_space<vmem>>, vector<16xf32>,
          %parallel_loop3A_320 = arith.mulf %parallel_loop3A_319, %parallel_loop3A_319 : vector<16xf32>
          %parallel_loop3A_321 = arith.addf %parallel_loop3A_257, %parallel_loop3A_319 : vector<16xf32>
          %parallel_loop3A_322 = arith.addf %parallel_loop3A_258, %parallel_loop3A_320 : vector<16xf32>
          %parallel_loop3A_323 = arith.constant 3 : i32
          %parallel_loop3A_324 = arith.addi %parallel_loop3A_98, %parallel_loop3A_323 : i32
          %parallel_loop3A_325 = arith.index_cast %parallel_loop3A_324 : i32 to index
          %parallel_loop3A_326 = arith.constant 64 : index
          %parallel_loop3A_327 = tpu.vector_load %arg8[%parallel_loop3A_325, %parallel_loop3A_326] {strides = array<i32>} : memref<256x128xf32, #tpu.memory_space<vmem>>, vector<16xf32>,
          %parallel_loop3A_328 = arith.mulf %parallel_loop3A_327, %parallel_loop3A_327 : vector<16xf32>
          %parallel_loop3A_329 = arith.addf %parallel_loop3A_265, %parallel_loop3A_327 : vector<16xf32>
          %parallel_loop3A_330 = arith.addf %parallel_loop3A_266, %parallel_loop3A_328 : vector<16xf32>
          %parallel_loop3A_331 = arith.constant 3 : i32
          %parallel_loop3A_332 = arith.addi %parallel_loop3A_98, %parallel_loop3A_331 : i32
          %parallel_loop3A_333 = arith.index_cast %parallel_loop3A_332 : i32 to index
          %parallel_loop3A_334 = arith.constant 80 : index
          %parallel_loop3A_335 = tpu.vector_load %arg8[%parallel_loop3A_333, %parallel_loop3A_334] {strides = array<i32>} : memref<256x128xf32, #tpu.memory_space<vmem>>, vector<16xf32>,
          %parallel_loop3A_336 = arith.mulf %parallel_loop3A_335, %parallel_loop3A_335 : vector<16xf32>
          %parallel_loop3A_337 = arith.addf %parallel_loop3A_273, %parallel_loop3A_335 : vector<16xf32>
          %parallel_loop3A_338 = arith.addf %parallel_loop3A_274, %parallel_loop3A_336 : vector<16xf32>
          %parallel_loop3A_339 = arith.constant 3 : i32
          %parallel_loop3A_340 = arith.addi %parallel_loop3A_98, %parallel_loop3A_339 : i32
          %parallel_loop3A_341 = arith.index_cast %parallel_loop3A_340 : i32 to index
          %parallel_loop3A_342 = arith.constant 96 : index
          %parallel_loop3A_343 = tpu.vector_load %arg8[%parallel_loop3A_341, %parallel_loop3A_342] {strides = array<i32>} : memref<256x128xf32, #tpu.memory_space<vmem>>, vector<16xf32>,
          %parallel_loop3A_344 = arith.mulf %parallel_loop3A_343, %parallel_loop3A_343 : vector<16xf32>
          %parallel_loop3A_345 = arith.addf %parallel_loop3A_281, %parallel_loop3A_343 : vector<16xf32>
          %parallel_loop3A_346 = arith.addf %parallel_loop3A_282, %parallel_loop3A_344 : vector<16xf32>
          %parallel_loop3A_347 = arith.constant 3 : i32
          %parallel_loop3A_348 = arith.addi %parallel_loop3A_98, %parallel_loop3A_347 : i32
          %parallel_loop3A_349 = arith.index_cast %parallel_loop3A_348 : i32 to index
          %parallel_loop3A_350 = arith.constant 112 : index
          %parallel_loop3A_351 = tpu.vector_load %arg8[%parallel_loop3A_349, %parallel_loop3A_350] {strides = array<i32>} : memref<256x128xf32, #tpu.memory_space<vmem>>, vector<16xf32>,
          %parallel_loop3A_352 = arith.mulf %parallel_loop3A_351, %parallel_loop3A_351 : vector<16xf32>
          %parallel_loop3A_353 = arith.addf %parallel_loop3A_289, %parallel_loop3A_351 : vector<16xf32>
          %parallel_loop3A_354 = arith.addf %parallel_loop3A_290, %parallel_loop3A_352 : vector<16xf32>
          %parallel_loop3A_355 = arith.constant 4 : i32
          %parallel_loop3A_356 = arith.addi %parallel_loop3A_98, %parallel_loop3A_355 : i32
          %parallel_loop3A_357 = arith.index_cast %parallel_loop3A_356 : i32 to index
          %parallel_loop3A_358 = arith.constant 0 : index
          %parallel_loop3A_359 = tpu.vector_load %arg8[%parallel_loop3A_357, %parallel_loop3A_358] {strides = array<i32>} : memref<256x128xf32, #tpu.memory_space<vmem>>, vector<16xf32>,
          %parallel_loop3A_360 = arith.mulf %parallel_loop3A_359, %parallel_loop3A_359 : vector<16xf32>
          %parallel_loop3A_361 = arith.addf %parallel_loop3A_297, %parallel_loop3A_359 : vector<16xf32>
          %parallel_loop3A_362 = arith.addf %parallel_loop3A_298, %parallel_loop3A_360 : vector<16xf32>
          %parallel_loop3A_363 = arith.constant 4 : i32
          %parallel_loop3A_364 = arith.addi %parallel_loop3A_98, %parallel_loop3A_363 : i32
          %parallel_loop3A_365 = arith.index_cast %parallel_loop3A_364 : i32 to index
          %parallel_loop3A_366 = arith.constant 16 : index
          %parallel_loop3A_367 = tpu.vector_load %arg8[%parallel_loop3A_365, %parallel_loop3A_366] {strides = array<i32>} : memref<256x128xf32, #tpu.memory_space<vmem>>, vector<16xf32>,
          %parallel_loop3A_368 = arith.mulf %parallel_loop3A_367, %parallel_loop3A_367 : vector<16xf32>
          %parallel_loop3A_369 = arith.addf %parallel_loop3A_305, %parallel_loop3A_367 : vector<16xf32>
          %parallel_loop3A_370 = arith.addf %parallel_loop3A_306, %parallel_loop3A_368 : vector<16xf32>
          %parallel_loop3A_371 = arith.constant 4 : i32
          %parallel_loop3A_372 = arith.addi %parallel_loop3A_98, %parallel_loop3A_371 : i32
          %parallel_loop3A_373 = arith.index_cast %parallel_loop3A_372 : i32 to index
          %parallel_loop3A_374 = arith.constant 32 : index
          %parallel_loop3A_375 = tpu.vector_load %arg8[%parallel_loop3A_373, %parallel_loop3A_374] {strides = array<i32>} : memref<256x128xf32, #tpu.memory_space<vmem>>, vector<16xf32>,
          %parallel_loop3A_376 = arith.mulf %parallel_loop3A_375, %parallel_loop3A_375 : vector<16xf32>
          %parallel_loop3A_377 = arith.addf %parallel_loop3A_313, %parallel_loop3A_375 : vector<16xf32>
          %parallel_loop3A_378 = arith.addf %parallel_loop3A_314, %parallel_loop3A_376 : vector<16xf32>
          %parallel_loop3A_379 = arith.constant 4 : i32
          %parallel_loop3A_380 = arith.addi %parallel_loop3A_98, %parallel_loop3A_379 : i32
          %parallel_loop3A_381 = arith.index_cast %parallel_loop3A_380 : i32 to index
          %parallel_loop3A_382 = arith.constant 48 : index
          %parallel_loop3A_383 = tpu.vector_load %arg8[%parallel_loop3A_381, %parallel_loop3A_382] {strides = array<i32>} : memref<256x128xf32, #tpu.memory_space<vmem>>, vector<16xf32>,
          %parallel_loop3A_384 = arith.mulf %parallel_loop3A_383, %parallel_loop3A_383 : vector<16xf32>
          %parallel_loop3A_385 = arith.addf %parallel_loop3A_321, %parallel_loop3A_383 : vector<16xf32>
          %parallel_loop3A_386 = arith.addf %parallel_loop3A_322, %parallel_loop3A_384 : vector<16xf32>
          %parallel_loop3A_387 = arith.constant 4 : i32
          %parallel_loop3A_388 = arith.addi %parallel_loop3A_98, %parallel_loop3A_387 : i32
          %parallel_loop3A_389 = arith.index_cast %parallel_loop3A_388 : i32 to index
          %parallel_loop3A_390 = arith.constant 64 : index
          %parallel_loop3A_391 = tpu.vector_load %arg8[%parallel_loop3A_389, %parallel_loop3A_390] {strides = array<i32>} : memref<256x128xf32, #tpu.memory_space<vmem>>, vector<16xf32>,
          %parallel_loop3A_392 = arith.mulf %parallel_loop3A_391, %parallel_loop3A_391 : vector<16xf32>
          %parallel_loop3A_393 = arith.addf %parallel_loop3A_329, %parallel_loop3A_391 : vector<16xf32>
          %parallel_loop3A_394 = arith.addf %parallel_loop3A_330, %parallel_loop3A_392 : vector<16xf32>
          %parallel_loop3A_395 = arith.constant 4 : i32
          %parallel_loop3A_396 = arith.addi %parallel_loop3A_98, %parallel_loop3A_395 : i32
          %parallel_loop3A_397 = arith.index_cast %parallel_loop3A_396 : i32 to index
          %parallel_loop3A_398 = arith.constant 80 : index
          %parallel_loop3A_399 = tpu.vector_load %arg8[%parallel_loop3A_397, %parallel_loop3A_398] {strides = array<i32>} : memref<256x128xf32, #tpu.memory_space<vmem>>, vector<16xf32>,
          %parallel_loop3A_400 = arith.mulf %parallel_loop3A_399, %parallel_loop3A_399 : vector<16xf32>
          %parallel_loop3A_401 = arith.addf %parallel_loop3A_337, %parallel_loop3A_399 : vector<16xf32>
          %parallel_loop3A_402 = arith.addf %parallel_loop3A_338, %parallel_loop3A_400 : vector<16xf32>
          %parallel_loop3A_403 = arith.constant 4 : i32
          %parallel_loop3A_404 = arith.addi %parallel_loop3A_98, %parallel_loop3A_403 : i32
          %parallel_loop3A_405 = arith.index_cast %parallel_loop3A_404 : i32 to index
          %parallel_loop3A_406 = arith.constant 96 : index
          %parallel_loop3A_407 = tpu.vector_load %arg8[%parallel_loop3A_405, %parallel_loop3A_406] {strides = array<i32>} : memref<256x128xf32, #tpu.memory_space<vmem>>, vector<16xf32>,
          %parallel_loop3A_408 = arith.mulf %parallel_loop3A_407, %parallel_loop3A_407 : vector<16xf32>
          %parallel_loop3A_409 = arith.addf %parallel_loop3A_345, %parallel_loop3A_407 : vector<16xf32>
          %parallel_loop3A_410 = arith.addf %parallel_loop3A_346, %parallel_loop3A_408 : vector<16xf32>
          %parallel_loop3A_411 = arith.constant 4 : i32
          %parallel_loop3A_412 = arith.addi %parallel_loop3A_98, %parallel_loop3A_411 : i32
          %parallel_loop3A_413 = arith.index_cast %parallel_loop3A_412 : i32 to index
          %parallel_loop3A_414 = arith.constant 112 : index
          %parallel_loop3A_415 = tpu.vector_load %arg8[%parallel_loop3A_413, %parallel_loop3A_414] {strides = array<i32>} : memref<256x128xf32, #tpu.memory_space<vmem>>, vector<16xf32>,
          %parallel_loop3A_416 = arith.mulf %parallel_loop3A_415, %parallel_loop3A_415 : vector<16xf32>
          %parallel_loop3A_417 = arith.addf %parallel_loop3A_353, %parallel_loop3A_415 : vector<16xf32>
          %parallel_loop3A_418 = arith.addf %parallel_loop3A_354, %parallel_loop3A_416 : vector<16xf32>
          %parallel_loop3A_419 = arith.constant 5 : i32
          %parallel_loop3A_420 = arith.addi %parallel_loop3A_98, %parallel_loop3A_419 : i32
          %parallel_loop3A_421 = arith.index_cast %parallel_loop3A_420 : i32 to index
          %parallel_loop3A_422 = arith.constant 0 : index
          %parallel_loop3A_423 = tpu.vector_load %arg8[%parallel_loop3A_421, %parallel_loop3A_422] {strides = array<i32>} : memref<256x128xf32, #tpu.memory_space<vmem>>, vector<16xf32>,
          %parallel_loop3A_424 = arith.mulf %parallel_loop3A_423, %parallel_loop3A_423 : vector<16xf32>
          %parallel_loop3A_425 = arith.addf %parallel_loop3A_361, %parallel_loop3A_423 : vector<16xf32>
          %parallel_loop3A_426 = arith.addf %parallel_loop3A_362, %parallel_loop3A_424 : vector<16xf32>
          %parallel_loop3A_427 = arith.constant 5 : i32
          %parallel_loop3A_428 = arith.addi %parallel_loop3A_98, %parallel_loop3A_427 : i32
          %parallel_loop3A_429 = arith.index_cast %parallel_loop3A_428 : i32 to index
          %parallel_loop3A_430 = arith.constant 16 : index
          %parallel_loop3A_431 = tpu.vector_load %arg8[%parallel_loop3A_429, %parallel_loop3A_430] {strides = array<i32>} : memref<256x128xf32, #tpu.memory_space<vmem>>, vector<16xf32>,
          %parallel_loop3A_432 = arith.mulf %parallel_loop3A_431, %parallel_loop3A_431 : vector<16xf32>
          %parallel_loop3A_433 = arith.addf %parallel_loop3A_369, %parallel_loop3A_431 : vector<16xf32>
          %parallel_loop3A_434 = arith.addf %parallel_loop3A_370, %parallel_loop3A_432 : vector<16xf32>
          %parallel_loop3A_435 = arith.constant 5 : i32
          %parallel_loop3A_436 = arith.addi %parallel_loop3A_98, %parallel_loop3A_435 : i32
          %parallel_loop3A_437 = arith.index_cast %parallel_loop3A_436 : i32 to index
          %parallel_loop3A_438 = arith.constant 32 : index
          %parallel_loop3A_439 = tpu.vector_load %arg8[%parallel_loop3A_437, %parallel_loop3A_438] {strides = array<i32>} : memref<256x128xf32, #tpu.memory_space<vmem>>, vector<16xf32>,
          %parallel_loop3A_440 = arith.mulf %parallel_loop3A_439, %parallel_loop3A_439 : vector<16xf32>
          %parallel_loop3A_441 = arith.addf %parallel_loop3A_377, %parallel_loop3A_439 : vector<16xf32>
          %parallel_loop3A_442 = arith.addf %parallel_loop3A_378, %parallel_loop3A_440 : vector<16xf32>
          %parallel_loop3A_443 = arith.constant 5 : i32
          %parallel_loop3A_444 = arith.addi %parallel_loop3A_98, %parallel_loop3A_443 : i32
          %parallel_loop3A_445 = arith.index_cast %parallel_loop3A_444 : i32 to index
          %parallel_loop3A_446 = arith.constant 48 : index
          %parallel_loop3A_447 = tpu.vector_load %arg8[%parallel_loop3A_445, %parallel_loop3A_446] {strides = array<i32>} : memref<256x128xf32, #tpu.memory_space<vmem>>, vector<16xf32>,
          %parallel_loop3A_448 = arith.mulf %parallel_loop3A_447, %parallel_loop3A_447 : vector<16xf32>
          %parallel_loop3A_449 = arith.addf %parallel_loop3A_385, %parallel_loop3A_447 : vector<16xf32>
          %parallel_loop3A_450 = arith.addf %parallel_loop3A_386, %parallel_loop3A_448 : vector<16xf32>
          %parallel_loop3A_451 = arith.constant 5 : i32
          %parallel_loop3A_452 = arith.addi %parallel_loop3A_98, %parallel_loop3A_451 : i32
          %parallel_loop3A_453 = arith.index_cast %parallel_loop3A_452 : i32 to index
          %parallel_loop3A_454 = arith.constant 64 : index
          %parallel_loop3A_455 = tpu.vector_load %arg8[%parallel_loop3A_453, %parallel_loop3A_454] {strides = array<i32>} : memref<256x128xf32, #tpu.memory_space<vmem>>, vector<16xf32>,
          %parallel_loop3A_456 = arith.mulf %parallel_loop3A_455, %parallel_loop3A_455 : vector<16xf32>
          %parallel_loop3A_457 = arith.addf %parallel_loop3A_393, %parallel_loop3A_455 : vector<16xf32>
          %parallel_loop3A_458 = arith.addf %parallel_loop3A_394, %parallel_loop3A_456 : vector<16xf32>
          %parallel_loop3A_459 = arith.constant 5 : i32
          %parallel_loop3A_460 = arith.addi %parallel_loop3A_98, %parallel_loop3A_459 : i32
          %parallel_loop3A_461 = arith.index_cast %parallel_loop3A_460 : i32 to index
          %parallel_loop3A_462 = arith.constant 80 : index
          %parallel_loop3A_463 = tpu.vector_load %arg8[%parallel_loop3A_461, %parallel_loop3A_462] {strides = array<i32>} : memref<256x128xf32, #tpu.memory_space<vmem>>, vector<16xf32>,
          %parallel_loop3A_464 = arith.mulf %parallel_loop3A_463, %parallel_loop3A_463 : vector<16xf32>
          %parallel_loop3A_465 = arith.addf %parallel_loop3A_401, %parallel_loop3A_463 : vector<16xf32>
          %parallel_loop3A_466 = arith.addf %parallel_loop3A_402, %parallel_loop3A_464 : vector<16xf32>
          %parallel_loop3A_467 = arith.constant 5 : i32
          %parallel_loop3A_468 = arith.addi %parallel_loop3A_98, %parallel_loop3A_467 : i32
          %parallel_loop3A_469 = arith.index_cast %parallel_loop3A_468 : i32 to index
          %parallel_loop3A_470 = arith.constant 96 : index
          %parallel_loop3A_471 = tpu.vector_load %arg8[%parallel_loop3A_469, %parallel_loop3A_470] {strides = array<i32>} : memref<256x128xf32, #tpu.memory_space<vmem>>, vector<16xf32>,
          %parallel_loop3A_472 = arith.mulf %parallel_loop3A_471, %parallel_loop3A_471 : vector<16xf32>
          %parallel_loop3A_473 = arith.addf %parallel_loop3A_409, %parallel_loop3A_471 : vector<16xf32>
          %parallel_loop3A_474 = arith.addf %parallel_loop3A_410, %parallel_loop3A_472 : vector<16xf32>
          %parallel_loop3A_475 = arith.constant 5 : i32
          %parallel_loop3A_476 = arith.addi %parallel_loop3A_98, %parallel_loop3A_475 : i32
          %parallel_loop3A_477 = arith.index_cast %parallel_loop3A_476 : i32 to index
          %parallel_loop3A_478 = arith.constant 112 : index
          %parallel_loop3A_479 = tpu.vector_load %arg8[%parallel_loop3A_477, %parallel_loop3A_478] {strides = array<i32>} : memref<256x128xf32, #tpu.memory_space<vmem>>, vector<16xf32>,
          %parallel_loop3A_480 = arith.mulf %parallel_loop3A_479, %parallel_loop3A_479 : vector<16xf32>
          %parallel_loop3A_481 = arith.addf %parallel_loop3A_417, %parallel_loop3A_479 : vector<16xf32>
          %parallel_loop3A_482 = arith.addf %parallel_loop3A_418, %parallel_loop3A_480 : vector<16xf32>
          %parallel_loop3A_483 = arith.constant 6 : i32
          %parallel_loop3A_484 = arith.addi %parallel_loop3A_98, %parallel_loop3A_483 : i32
          %parallel_loop3A_485 = arith.index_cast %parallel_loop3A_484 : i32 to index
          %parallel_loop3A_486 = arith.constant 0 : index
          %parallel_loop3A_487 = tpu.vector_load %arg8[%parallel_loop3A_485, %parallel_loop3A_486] {strides = array<i32>} : memref<256x128xf32, #tpu.memory_space<vmem>>, vector<16xf32>,
          %parallel_loop3A_488 = arith.mulf %parallel_loop3A_487, %parallel_loop3A_487 : vector<16xf32>
          %parallel_loop3A_489 = arith.addf %parallel_loop3A_425, %parallel_loop3A_487 : vector<16xf32>
          %parallel_loop3A_490 = arith.addf %parallel_loop3A_426, %parallel_loop3A_488 : vector<16xf32>
          %parallel_loop3A_491 = arith.constant 6 : i32
          %parallel_loop3A_492 = arith.addi %parallel_loop3A_98, %parallel_loop3A_491 : i32
          %parallel_loop3A_493 = arith.index_cast %parallel_loop3A_492 : i32 to index
          %parallel_loop3A_494 = arith.constant 16 : index
          %parallel_loop3A_495 = tpu.vector_load %arg8[%parallel_loop3A_493, %parallel_loop3A_494] {strides = array<i32>} : memref<256x128xf32, #tpu.memory_space<vmem>>, vector<16xf32>,
          %parallel_loop3A_496 = arith.mulf %parallel_loop3A_495, %parallel_loop3A_495 : vector<16xf32>
          %parallel_loop3A_497 = arith.addf %parallel_loop3A_433, %parallel_loop3A_495 : vector<16xf32>
          %parallel_loop3A_498 = arith.addf %parallel_loop3A_434, %parallel_loop3A_496 : vector<16xf32>
          %parallel_loop3A_499 = arith.constant 6 : i32
          %parallel_loop3A_500 = arith.addi %parallel_loop3A_98, %parallel_loop3A_499 : i32
          %parallel_loop3A_501 = arith.index_cast %parallel_loop3A_500 : i32 to index
          %parallel_loop3A_502 = arith.constant 32 : index
          %parallel_loop3A_503 = tpu.vector_load %arg8[%parallel_loop3A_501, %parallel_loop3A_502] {strides = array<i32>} : memref<256x128xf32, #tpu.memory_space<vmem>>, vector<16xf32>,
          %parallel_loop3A_504 = arith.mulf %parallel_loop3A_503, %parallel_loop3A_503 : vector<16xf32>
          %parallel_loop3A_505 = arith.addf %parallel_loop3A_441, %parallel_loop3A_503 : vector<16xf32>
          %parallel_loop3A_506 = arith.addf %parallel_loop3A_442, %parallel_loop3A_504 : vector<16xf32>
          %parallel_loop3A_507 = arith.constant 6 : i32
          %parallel_loop3A_508 = arith.addi %parallel_loop3A_98, %parallel_loop3A_507 : i32
          %parallel_loop3A_509 = arith.index_cast %parallel_loop3A_508 : i32 to index
          %parallel_loop3A_510 = arith.constant 48 : index
          %parallel_loop3A_511 = tpu.vector_load %arg8[%parallel_loop3A_509, %parallel_loop3A_510] {strides = array<i32>} : memref<256x128xf32, #tpu.memory_space<vmem>>, vector<16xf32>,
          %parallel_loop3A_512 = arith.mulf %parallel_loop3A_511, %parallel_loop3A_511 : vector<16xf32>
          %parallel_loop3A_513 = arith.addf %parallel_loop3A_449, %parallel_loop3A_511 : vector<16xf32>
          %parallel_loop3A_514 = arith.addf %parallel_loop3A_450, %parallel_loop3A_512 : vector<16xf32>
          %parallel_loop3A_515 = arith.constant 6 : i32
          %parallel_loop3A_516 = arith.addi %parallel_loop3A_98, %parallel_loop3A_515 : i32
          %parallel_loop3A_517 = arith.index_cast %parallel_loop3A_516 : i32 to index
          %parallel_loop3A_518 = arith.constant 64 : index
          %parallel_loop3A_519 = tpu.vector_load %arg8[%parallel_loop3A_517, %parallel_loop3A_518] {strides = array<i32>} : memref<256x128xf32, #tpu.memory_space<vmem>>, vector<16xf32>,
          %parallel_loop3A_520 = arith.mulf %parallel_loop3A_519, %parallel_loop3A_519 : vector<16xf32>
          %parallel_loop3A_521 = arith.addf %parallel_loop3A_457, %parallel_loop3A_519 : vector<16xf32>
          %parallel_loop3A_522 = arith.addf %parallel_loop3A_458, %parallel_loop3A_520 : vector<16xf32>
          %parallel_loop3A_523 = arith.constant 6 : i32
          %parallel_loop3A_524 = arith.addi %parallel_loop3A_98, %parallel_loop3A_523 : i32
          %parallel_loop3A_525 = arith.index_cast %parallel_loop3A_524 : i32 to index
          %parallel_loop3A_526 = arith.constant 80 : index
          %parallel_loop3A_527 = tpu.vector_load %arg8[%parallel_loop3A_525, %parallel_loop3A_526] {strides = array<i32>} : memref<256x128xf32, #tpu.memory_space<vmem>>, vector<16xf32>,
          %parallel_loop3A_528 = arith.mulf %parallel_loop3A_527, %parallel_loop3A_527 : vector<16xf32>
          %parallel_loop3A_529 = arith.addf %parallel_loop3A_465, %parallel_loop3A_527 : vector<16xf32>
          %parallel_loop3A_530 = arith.addf %parallel_loop3A_466, %parallel_loop3A_528 : vector<16xf32>
          %parallel_loop3A_531 = arith.constant 6 : i32
          %parallel_loop3A_532 = arith.addi %parallel_loop3A_98, %parallel_loop3A_531 : i32
          %parallel_loop3A_533 = arith.index_cast %parallel_loop3A_532 : i32 to index
          %parallel_loop3A_534 = arith.constant 96 : index
          %parallel_loop3A_535 = tpu.vector_load %arg8[%parallel_loop3A_533, %parallel_loop3A_534] {strides = array<i32>} : memref<256x128xf32, #tpu.memory_space<vmem>>, vector<16xf32>,
          %parallel_loop3A_536 = arith.mulf %parallel_loop3A_535, %parallel_loop3A_535 : vector<16xf32>
          %parallel_loop3A_537 = arith.addf %parallel_loop3A_473, %parallel_loop3A_535 : vector<16xf32>
          %parallel_loop3A_538 = arith.addf %parallel_loop3A_474, %parallel_loop3A_536 : vector<16xf32>
          %parallel_loop3A_539 = arith.constant 6 : i32
          %parallel_loop3A_540 = arith.addi %parallel_loop3A_98, %parallel_loop3A_539 : i32
          %parallel_loop3A_541 = arith.index_cast %parallel_loop3A_540 : i32 to index
          %parallel_loop3A_542 = arith.constant 112 : index
          %parallel_loop3A_543 = tpu.vector_load %arg8[%parallel_loop3A_541, %parallel_loop3A_542] {strides = array<i32>} : memref<256x128xf32, #tpu.memory_space<vmem>>, vector<16xf32>,
          %parallel_loop3A_544 = arith.mulf %parallel_loop3A_543, %parallel_loop3A_543 : vector<16xf32>
          %parallel_loop3A_545 = arith.addf %parallel_loop3A_481, %parallel_loop3A_543 : vector<16xf32>
          %parallel_loop3A_546 = arith.addf %parallel_loop3A_482, %parallel_loop3A_544 : vector<16xf32>
          %parallel_loop3A_547 = arith.constant 7 : i32
          %parallel_loop3A_548 = arith.addi %parallel_loop3A_98, %parallel_loop3A_547 : i32
          %parallel_loop3A_549 = arith.index_cast %parallel_loop3A_548 : i32 to index
          %parallel_loop3A_550 = arith.constant 0 : index
          %parallel_loop3A_551 = tpu.vector_load %arg8[%parallel_loop3A_549, %parallel_loop3A_550] {strides = array<i32>} : memref<256x128xf32, #tpu.memory_space<vmem>>, vector<16xf32>,
          %parallel_loop3A_552 = arith.mulf %parallel_loop3A_551, %parallel_loop3A_551 : vector<16xf32>
          %parallel_loop3A_553 = arith.addf %parallel_loop3A_489, %parallel_loop3A_551 : vector<16xf32>
          %parallel_loop3A_554 = arith.addf %parallel_loop3A_490, %parallel_loop3A_552 : vector<16xf32>
          %parallel_loop3A_555 = arith.constant 7 : i32
          %parallel_loop3A_556 = arith.addi %parallel_loop3A_98, %parallel_loop3A_555 : i32
          %parallel_loop3A_557 = arith.index_cast %parallel_loop3A_556 : i32 to index
          %parallel_loop3A_558 = arith.constant 16 : index
          %parallel_loop3A_559 = tpu.vector_load %arg8[%parallel_loop3A_557, %parallel_loop3A_558] {strides = array<i32>} : memref<256x128xf32, #tpu.memory_space<vmem>>, vector<16xf32>,
          %parallel_loop3A_560 = arith.mulf %parallel_loop3A_559, %parallel_loop3A_559 : vector<16xf32>
          %parallel_loop3A_561 = arith.addf %parallel_loop3A_497, %parallel_loop3A_559 : vector<16xf32>
          %parallel_loop3A_562 = arith.addf %parallel_loop3A_498, %parallel_loop3A_560 : vector<16xf32>
          %parallel_loop3A_563 = arith.constant 7 : i32
          %parallel_loop3A_564 = arith.addi %parallel_loop3A_98, %parallel_loop3A_563 : i32
          %parallel_loop3A_565 = arith.index_cast %parallel_loop3A_564 : i32 to index
          %parallel_loop3A_566 = arith.constant 32 : index
          %parallel_loop3A_567 = tpu.vector_load %arg8[%parallel_loop3A_565, %parallel_loop3A_566] {strides = array<i32>} : memref<256x128xf32, #tpu.memory_space<vmem>>, vector<16xf32>,
          %parallel_loop3A_568 = arith.mulf %parallel_loop3A_567, %parallel_loop3A_567 : vector<16xf32>
          %parallel_loop3A_569 = arith.addf %parallel_loop3A_505, %parallel_loop3A_567 : vector<16xf32>
          %parallel_loop3A_570 = arith.addf %parallel_loop3A_506, %parallel_loop3A_568 : vector<16xf32>
          %parallel_loop3A_571 = arith.constant 7 : i32
          %parallel_loop3A_572 = arith.addi %parallel_loop3A_98, %parallel_loop3A_571 : i32
          %parallel_loop3A_573 = arith.index_cast %parallel_loop3A_572 : i32 to index
          %parallel_loop3A_574 = arith.constant 48 : index
          %parallel_loop3A_575 = tpu.vector_load %arg8[%parallel_loop3A_573, %parallel_loop3A_574] {strides = array<i32>} : memref<256x128xf32, #tpu.memory_space<vmem>>, vector<16xf32>,
          %parallel_loop3A_576 = arith.mulf %parallel_loop3A_575, %parallel_loop3A_575 : vector<16xf32>
          %parallel_loop3A_577 = arith.addf %parallel_loop3A_513, %parallel_loop3A_575 : vector<16xf32>
          %parallel_loop3A_578 = arith.addf %parallel_loop3A_514, %parallel_loop3A_576 : vector<16xf32>
          %parallel_loop3A_579 = arith.constant 7 : i32
          %parallel_loop3A_580 = arith.addi %parallel_loop3A_98, %parallel_loop3A_579 : i32
          %parallel_loop3A_581 = arith.index_cast %parallel_loop3A_580 : i32 to index
          %parallel_loop3A_582 = arith.constant 64 : index
          %parallel_loop3A_583 = tpu.vector_load %arg8[%parallel_loop3A_581, %parallel_loop3A_582] {strides = array<i32>} : memref<256x128xf32, #tpu.memory_space<vmem>>, vector<16xf32>,
          %parallel_loop3A_584 = arith.mulf %parallel_loop3A_583, %parallel_loop3A_583 : vector<16xf32>
          %parallel_loop3A_585 = arith.addf %parallel_loop3A_521, %parallel_loop3A_583 : vector<16xf32>
          %parallel_loop3A_586 = arith.addf %parallel_loop3A_522, %parallel_loop3A_584 : vector<16xf32>
          %parallel_loop3A_587 = arith.constant 7 : i32
          %parallel_loop3A_588 = arith.addi %parallel_loop3A_98, %parallel_loop3A_587 : i32
          %parallel_loop3A_589 = arith.index_cast %parallel_loop3A_588 : i32 to index
          %parallel_loop3A_590 = arith.constant 80 : index
          %parallel_loop3A_591 = tpu.vector_load %arg8[%parallel_loop3A_589, %parallel_loop3A_590] {strides = array<i32>} : memref<256x128xf32, #tpu.memory_space<vmem>>, vector<16xf32>,
          %parallel_loop3A_592 = arith.mulf %parallel_loop3A_591, %parallel_loop3A_591 : vector<16xf32>
          %parallel_loop3A_593 = arith.addf %parallel_loop3A_529, %parallel_loop3A_591 : vector<16xf32>
          %parallel_loop3A_594 = arith.addf %parallel_loop3A_530, %parallel_loop3A_592 : vector<16xf32>
          %parallel_loop3A_595 = arith.constant 7 : i32
          %parallel_loop3A_596 = arith.addi %parallel_loop3A_98, %parallel_loop3A_595 : i32
          %parallel_loop3A_597 = arith.index_cast %parallel_loop3A_596 : i32 to index
          %parallel_loop3A_598 = arith.constant 96 : index
          %parallel_loop3A_599 = tpu.vector_load %arg8[%parallel_loop3A_597, %parallel_loop3A_598] {strides = array<i32>} : memref<256x128xf32, #tpu.memory_space<vmem>>, vector<16xf32>,
          %parallel_loop3A_600 = arith.mulf %parallel_loop3A_599, %parallel_loop3A_599 : vector<16xf32>
          %parallel_loop3A_601 = arith.addf %parallel_loop3A_537, %parallel_loop3A_599 : vector<16xf32>
          %parallel_loop3A_602 = arith.addf %parallel_loop3A_538, %parallel_loop3A_600 : vector<16xf32>
          %parallel_loop3A_603 = arith.constant 7 : i32
          %parallel_loop3A_604 = arith.addi %parallel_loop3A_98, %parallel_loop3A_603 : i32
          %parallel_loop3A_605 = arith.index_cast %parallel_loop3A_604 : i32 to index
          %parallel_loop3A_606 = arith.constant 112 : index
          %parallel_loop3A_607 = tpu.vector_load %arg8[%parallel_loop3A_605, %parallel_loop3A_606] {strides = array<i32>} : memref<256x128xf32, #tpu.memory_space<vmem>>, vector<16xf32>,
          %parallel_loop3A_608 = arith.mulf %parallel_loop3A_607, %parallel_loop3A_607 : vector<16xf32>
          %parallel_loop3A_609 = arith.addf %parallel_loop3A_545, %parallel_loop3A_607 : vector<16xf32>
          %parallel_loop3A_610 = arith.addf %parallel_loop3A_546, %parallel_loop3A_608 : vector<16xf32>
          %parallel_loop3A_611 = arith.constant 8 : i32
          %parallel_loop3A_612 = arith.addi %parallel_loop3A_98, %parallel_loop3A_611 : i32
          %parallel_loop3A_613 = arith.index_cast %parallel_loop3A_612 : i32 to index
          %parallel_loop3A_614 = arith.constant 0 : index
          %parallel_loop3A_615 = tpu.vector_load %arg8[%parallel_loop3A_613, %parallel_loop3A_614] {strides = array<i32>} : memref<256x128xf32, #tpu.memory_space<vmem>>, vector<16xf32>,
          %parallel_loop3A_616 = arith.mulf %parallel_loop3A_615, %parallel_loop3A_615 : vector<16xf32>
          %parallel_loop3A_617 = arith.addf %parallel_loop3A_553, %parallel_loop3A_615 : vector<16xf32>
          %parallel_loop3A_618 = arith.addf %parallel_loop3A_554, %parallel_loop3A_616 : vector<16xf32>
          %parallel_loop3A_619 = arith.constant 8 : i32
          %parallel_loop3A_620 = arith.addi %parallel_loop3A_98, %parallel_loop3A_619 : i32
          %parallel_loop3A_621 = arith.index_cast %parallel_loop3A_620 : i32 to index
          %parallel_loop3A_622 = arith.constant 16 : index
          %parallel_loop3A_623 = tpu.vector_load %arg8[%parallel_loop3A_621, %parallel_loop3A_622] {strides = array<i32>} : memref<256x128xf32, #tpu.memory_space<vmem>>, vector<16xf32>,
          %parallel_loop3A_624 = arith.mulf %parallel_loop3A_623, %parallel_loop3A_623 : vector<16xf32>
          %parallel_loop3A_625 = arith.addf %parallel_loop3A_561, %parallel_loop3A_623 : vector<16xf32>
          %parallel_loop3A_626 = arith.addf %parallel_loop3A_562, %parallel_loop3A_624 : vector<16xf32>
          %parallel_loop3A_627 = arith.constant 8 : i32
          %parallel_loop3A_628 = arith.addi %parallel_loop3A_98, %parallel_loop3A_627 : i32
          %parallel_loop3A_629 = arith.index_cast %parallel_loop3A_628 : i32 to index
          %parallel_loop3A_630 = arith.constant 32 : index
          %parallel_loop3A_631 = tpu.vector_load %arg8[%parallel_loop3A_629, %parallel_loop3A_630] {strides = array<i32>} : memref<256x128xf32, #tpu.memory_space<vmem>>, vector<16xf32>,
          %parallel_loop3A_632 = arith.mulf %parallel_loop3A_631, %parallel_loop3A_631 : vector<16xf32>
          %parallel_loop3A_633 = arith.addf %parallel_loop3A_569, %parallel_loop3A_631 : vector<16xf32>
          %parallel_loop3A_634 = arith.addf %parallel_loop3A_570, %parallel_loop3A_632 : vector<16xf32>
          %parallel_loop3A_635 = arith.constant 8 : i32
          %parallel_loop3A_636 = arith.addi %parallel_loop3A_98, %parallel_loop3A_635 : i32
          %parallel_loop3A_637 = arith.index_cast %parallel_loop3A_636 : i32 to index
          %parallel_loop3A_638 = arith.constant 48 : index
          %parallel_loop3A_639 = tpu.vector_load %arg8[%parallel_loop3A_637, %parallel_loop3A_638] {strides = array<i32>} : memref<256x128xf32, #tpu.memory_space<vmem>>, vector<16xf32>,
          %parallel_loop3A_640 = arith.mulf %parallel_loop3A_639, %parallel_loop3A_639 : vector<16xf32>
          %parallel_loop3A_641 = arith.addf %parallel_loop3A_577, %parallel_loop3A_639 : vector<16xf32>
          %parallel_loop3A_642 = arith.addf %parallel_loop3A_578, %parallel_loop3A_640 : vector<16xf32>
          %parallel_loop3A_643 = arith.constant 8 : i32
          %parallel_loop3A_644 = arith.addi %parallel_loop3A_98, %parallel_loop3A_643 : i32
          %parallel_loop3A_645 = arith.index_cast %parallel_loop3A_644 : i32 to index
          %parallel_loop3A_646 = arith.constant 64 : index
          %parallel_loop3A_647 = tpu.vector_load %arg8[%parallel_loop3A_645, %parallel_loop3A_646] {strides = array<i32>} : memref<256x128xf32, #tpu.memory_space<vmem>>, vector<16xf32>,
          %parallel_loop3A_648 = arith.mulf %parallel_loop3A_647, %parallel_loop3A_647 : vector<16xf32>
          %parallel_loop3A_649 = arith.addf %parallel_loop3A_585, %parallel_loop3A_647 : vector<16xf32>
          %parallel_loop3A_650 = arith.addf %parallel_loop3A_586, %parallel_loop3A_648 : vector<16xf32>
          %parallel_loop3A_651 = arith.constant 8 : i32
          %parallel_loop3A_652 = arith.addi %parallel_loop3A_98, %parallel_loop3A_651 : i32
          %parallel_loop3A_653 = arith.index_cast %parallel_loop3A_652 : i32 to index
          %parallel_loop3A_654 = arith.constant 80 : index
          %parallel_loop3A_655 = tpu.vector_load %arg8[%parallel_loop3A_653, %parallel_loop3A_654] {strides = array<i32>} : memref<256x128xf32, #tpu.memory_space<vmem>>, vector<16xf32>,
          %parallel_loop3A_656 = arith.mulf %parallel_loop3A_655, %parallel_loop3A_655 : vector<16xf32>
          %parallel_loop3A_657 = arith.addf %parallel_loop3A_593, %parallel_loop3A_655 : vector<16xf32>
          %parallel_loop3A_658 = arith.addf %parallel_loop3A_594, %parallel_loop3A_656 : vector<16xf32>
          %parallel_loop3A_659 = arith.constant 8 : i32
          %parallel_loop3A_660 = arith.addi %parallel_loop3A_98, %parallel_loop3A_659 : i32
          %parallel_loop3A_661 = arith.index_cast %parallel_loop3A_660 : i32 to index
          %parallel_loop3A_662 = arith.constant 96 : index
          %parallel_loop3A_663 = tpu.vector_load %arg8[%parallel_loop3A_661, %parallel_loop3A_662] {strides = array<i32>} : memref<256x128xf32, #tpu.memory_space<vmem>>, vector<16xf32>,
          %parallel_loop3A_664 = arith.mulf %parallel_loop3A_663, %parallel_loop3A_663 : vector<16xf32>
          %parallel_loop3A_665 = arith.addf %parallel_loop3A_601, %parallel_loop3A_663 : vector<16xf32>
          %parallel_loop3A_666 = arith.addf %parallel_loop3A_602, %parallel_loop3A_664 : vector<16xf32>
          %parallel_loop3A_667 = arith.constant 8 : i32
          %parallel_loop3A_668 = arith.addi %parallel_loop3A_98, %parallel_loop3A_667 : i32
          %parallel_loop3A_669 = arith.index_cast %parallel_loop3A_668 : i32 to index
          %parallel_loop3A_670 = arith.constant 112 : index
          %parallel_loop3A_671 = tpu.vector_load %arg8[%parallel_loop3A_669, %parallel_loop3A_670] {strides = array<i32>} : memref<256x128xf32, #tpu.memory_space<vmem>>, vector<16xf32>,
          %parallel_loop3A_672 = arith.mulf %parallel_loop3A_671, %parallel_loop3A_671 : vector<16xf32>
          %parallel_loop3A_673 = arith.addf %parallel_loop3A_609, %parallel_loop3A_671 : vector<16xf32>
          %parallel_loop3A_674 = arith.addf %parallel_loop3A_610, %parallel_loop3A_672 : vector<16xf32>
          %parallel_loop3A_675 = arith.constant 9 : i32
          %parallel_loop3A_676 = arith.addi %parallel_loop3A_98, %parallel_loop3A_675 : i32
          %parallel_loop3A_677 = arith.index_cast %parallel_loop3A_676 : i32 to index
          %parallel_loop3A_678 = arith.constant 0 : index
          %parallel_loop3A_679 = tpu.vector_load %arg8[%parallel_loop3A_677, %parallel_loop3A_678] {strides = array<i32>} : memref<256x128xf32, #tpu.memory_space<vmem>>, vector<16xf32>,
          %parallel_loop3A_680 = arith.mulf %parallel_loop3A_679, %parallel_loop3A_679 : vector<16xf32>
          %parallel_loop3A_681 = arith.addf %parallel_loop3A_617, %parallel_loop3A_679 : vector<16xf32>
          %parallel_loop3A_682 = arith.addf %parallel_loop3A_618, %parallel_loop3A_680 : vector<16xf32>
          %parallel_loop3A_683 = arith.constant 9 : i32
          %parallel_loop3A_684 = arith.addi %parallel_loop3A_98, %parallel_loop3A_683 : i32
          %parallel_loop3A_685 = arith.index_cast %parallel_loop3A_684 : i32 to index
          %parallel_loop3A_686 = arith.constant 16 : index
          %parallel_loop3A_687 = tpu.vector_load %arg8[%parallel_loop3A_685, %parallel_loop3A_686] {strides = array<i32>} : memref<256x128xf32, #tpu.memory_space<vmem>>, vector<16xf32>,
          %parallel_loop3A_688 = arith.mulf %parallel_loop3A_687, %parallel_loop3A_687 : vector<16xf32>
          %parallel_loop3A_689 = arith.addf %parallel_loop3A_625, %parallel_loop3A_687 : vector<16xf32>
          %parallel_loop3A_690 = arith.addf %parallel_loop3A_626, %parallel_loop3A_688 : vector<16xf32>
          %parallel_loop3A_691 = arith.constant 9 : i32
          %parallel_loop3A_692 = arith.addi %parallel_loop3A_98, %parallel_loop3A_691 : i32
          %parallel_loop3A_693 = arith.index_cast %parallel_loop3A_692 : i32 to index
          %parallel_loop3A_694 = arith.constant 32 : index
          %parallel_loop3A_695 = tpu.vector_load %arg8[%parallel_loop3A_693, %parallel_loop3A_694] {strides = array<i32>} : memref<256x128xf32, #tpu.memory_space<vmem>>, vector<16xf32>,
          %parallel_loop3A_696 = arith.mulf %parallel_loop3A_695, %parallel_loop3A_695 : vector<16xf32>
          %parallel_loop3A_697 = arith.addf %parallel_loop3A_633, %parallel_loop3A_695 : vector<16xf32>
          %parallel_loop3A_698 = arith.addf %parallel_loop3A_634, %parallel_loop3A_696 : vector<16xf32>
          %parallel_loop3A_699 = arith.constant 9 : i32
          %parallel_loop3A_700 = arith.addi %parallel_loop3A_98, %parallel_loop3A_699 : i32
          %parallel_loop3A_701 = arith.index_cast %parallel_loop3A_700 : i32 to index
          %parallel_loop3A_702 = arith.constant 48 : index
          %parallel_loop3A_703 = tpu.vector_load %arg8[%parallel_loop3A_701, %parallel_loop3A_702] {strides = array<i32>} : memref<256x128xf32, #tpu.memory_space<vmem>>, vector<16xf32>,
          %parallel_loop3A_704 = arith.mulf %parallel_loop3A_703, %parallel_loop3A_703 : vector<16xf32>
          %parallel_loop3A_705 = arith.addf %parallel_loop3A_641, %parallel_loop3A_703 : vector<16xf32>
          %parallel_loop3A_706 = arith.addf %parallel_loop3A_642, %parallel_loop3A_704 : vector<16xf32>
          %parallel_loop3A_707 = arith.constant 9 : i32
          %parallel_loop3A_708 = arith.addi %parallel_loop3A_98, %parallel_loop3A_707 : i32
          %parallel_loop3A_709 = arith.index_cast %parallel_loop3A_708 : i32 to index
          %parallel_loop3A_710 = arith.constant 64 : index
          %parallel_loop3A_711 = tpu.vector_load %arg8[%parallel_loop3A_709, %parallel_loop3A_710] {strides = array<i32>} : memref<256x128xf32, #tpu.memory_space<vmem>>, vector<16xf32>,
          %parallel_loop3A_712 = arith.mulf %parallel_loop3A_711, %parallel_loop3A_711 : vector<16xf32>
          %parallel_loop3A_713 = arith.addf %parallel_loop3A_649, %parallel_loop3A_711 : vector<16xf32>
          %parallel_loop3A_714 = arith.addf %parallel_loop3A_650, %parallel_loop3A_712 : vector<16xf32>
          %parallel_loop3A_715 = arith.constant 9 : i32
          %parallel_loop3A_716 = arith.addi %parallel_loop3A_98, %parallel_loop3A_715 : i32
          %parallel_loop3A_717 = arith.index_cast %parallel_loop3A_716 : i32 to index
          %parallel_loop3A_718 = arith.constant 80 : index
          %parallel_loop3A_719 = tpu.vector_load %arg8[%parallel_loop3A_717, %parallel_loop3A_718] {strides = array<i32>} : memref<256x128xf32, #tpu.memory_space<vmem>>, vector<16xf32>,
          %parallel_loop3A_720 = arith.mulf %parallel_loop3A_719, %parallel_loop3A_719 : vector<16xf32>
          %parallel_loop3A_721 = arith.addf %parallel_loop3A_657, %parallel_loop3A_719 : vector<16xf32>
          %parallel_loop3A_722 = arith.addf %parallel_loop3A_658, %parallel_loop3A_720 : vector<16xf32>
          %parallel_loop3A_723 = arith.constant 9 : i32
          %parallel_loop3A_724 = arith.addi %parallel_loop3A_98, %parallel_loop3A_723 : i32
          %parallel_loop3A_725 = arith.index_cast %parallel_loop3A_724 : i32 to index
          %parallel_loop3A_726 = arith.constant 96 : index
          %parallel_loop3A_727 = tpu.vector_load %arg8[%parallel_loop3A_725, %parallel_loop3A_726] {strides = array<i32>} : memref<256x128xf32, #tpu.memory_space<vmem>>, vector<16xf32>,
          %parallel_loop3A_728 = arith.mulf %parallel_loop3A_727, %parallel_loop3A_727 : vector<16xf32>
          %parallel_loop3A_729 = arith.addf %parallel_loop3A_665, %parallel_loop3A_727 : vector<16xf32>
          %parallel_loop3A_730 = arith.addf %parallel_loop3A_666, %parallel_loop3A_728 : vector<16xf32>
          %parallel_loop3A_731 = arith.constant 9 : i32
          %parallel_loop3A_732 = arith.addi %parallel_loop3A_98, %parallel_loop3A_731 : i32
          %parallel_loop3A_733 = arith.index_cast %parallel_loop3A_732 : i32 to index
          %parallel_loop3A_734 = arith.constant 112 : index
          %parallel_loop3A_735 = tpu.vector_load %arg8[%parallel_loop3A_733, %parallel_loop3A_734] {strides = array<i32>} : memref<256x128xf32, #tpu.memory_space<vmem>>, vector<16xf32>,
          %parallel_loop3A_736 = arith.mulf %parallel_loop3A_735, %parallel_loop3A_735 : vector<16xf32>
          %parallel_loop3A_737 = arith.addf %parallel_loop3A_673, %parallel_loop3A_735 : vector<16xf32>
          %parallel_loop3A_738 = arith.addf %parallel_loop3A_674, %parallel_loop3A_736 : vector<16xf32>
          %parallel_loop3A_739 = arith.constant 10 : i32
          %parallel_loop3A_740 = arith.addi %parallel_loop3A_98, %parallel_loop3A_739 : i32
          %parallel_loop3A_741 = arith.index_cast %parallel_loop3A_740 : i32 to index
          %parallel_loop3A_742 = arith.constant 0 : index
          %parallel_loop3A_743 = tpu.vector_load %arg8[%parallel_loop3A_741, %parallel_loop3A_742] {strides = array<i32>} : memref<256x128xf32, #tpu.memory_space<vmem>>, vector<16xf32>,
          %parallel_loop3A_744 = arith.mulf %parallel_loop3A_743, %parallel_loop3A_743 : vector<16xf32>
          %parallel_loop3A_745 = arith.addf %parallel_loop3A_681, %parallel_loop3A_743 : vector<16xf32>
          %parallel_loop3A_746 = arith.addf %parallel_loop3A_682, %parallel_loop3A_744 : vector<16xf32>
          %parallel_loop3A_747 = arith.constant 10 : i32
          %parallel_loop3A_748 = arith.addi %parallel_loop3A_98, %parallel_loop3A_747 : i32
          %parallel_loop3A_749 = arith.index_cast %parallel_loop3A_748 : i32 to index
          %parallel_loop3A_750 = arith.constant 16 : index
          %parallel_loop3A_751 = tpu.vector_load %arg8[%parallel_loop3A_749, %parallel_loop3A_750] {strides = array<i32>} : memref<256x128xf32, #tpu.memory_space<vmem>>, vector<16xf32>,
          %parallel_loop3A_752 = arith.mulf %parallel_loop3A_751, %parallel_loop3A_751 : vector<16xf32>
          %parallel_loop3A_753 = arith.addf %parallel_loop3A_689, %parallel_loop3A_751 : vector<16xf32>
          %parallel_loop3A_754 = arith.addf %parallel_loop3A_690, %parallel_loop3A_752 : vector<16xf32>
          %parallel_loop3A_755 = arith.constant 10 : i32
          %parallel_loop3A_756 = arith.addi %parallel_loop3A_98, %parallel_loop3A_755 : i32
          %parallel_loop3A_757 = arith.index_cast %parallel_loop3A_756 : i32 to index
          %parallel_loop3A_758 = arith.constant 32 : index
          %parallel_loop3A_759 = tpu.vector_load %arg8[%parallel_loop3A_757, %parallel_loop3A_758] {strides = array<i32>} : memref<256x128xf32, #tpu.memory_space<vmem>>, vector<16xf32>,
          %parallel_loop3A_760 = arith.mulf %parallel_loop3A_759, %parallel_loop3A_759 : vector<16xf32>
          %parallel_loop3A_761 = arith.addf %parallel_loop3A_697, %parallel_loop3A_759 : vector<16xf32>
          %parallel_loop3A_762 = arith.addf %parallel_loop3A_698, %parallel_loop3A_760 : vector<16xf32>
          %parallel_loop3A_763 = arith.constant 10 : i32
          %parallel_loop3A_764 = arith.addi %parallel_loop3A_98, %parallel_loop3A_763 : i32
          %parallel_loop3A_765 = arith.index_cast %parallel_loop3A_764 : i32 to index
          %parallel_loop3A_766 = arith.constant 48 : index
          %parallel_loop3A_767 = tpu.vector_load %arg8[%parallel_loop3A_765, %parallel_loop3A_766] {strides = array<i32>} : memref<256x128xf32, #tpu.memory_space<vmem>>, vector<16xf32>,
          %parallel_loop3A_768 = arith.mulf %parallel_loop3A_767, %parallel_loop3A_767 : vector<16xf32>
          %parallel_loop3A_769 = arith.addf %parallel_loop3A_705, %parallel_loop3A_767 : vector<16xf32>
          %parallel_loop3A_770 = arith.addf %parallel_loop3A_706, %parallel_loop3A_768 : vector<16xf32>
          %parallel_loop3A_771 = arith.constant 10 : i32
          %parallel_loop3A_772 = arith.addi %parallel_loop3A_98, %parallel_loop3A_771 : i32
          %parallel_loop3A_773 = arith.index_cast %parallel_loop3A_772 : i32 to index
          %parallel_loop3A_774 = arith.constant 64 : index
          %parallel_loop3A_775 = tpu.vector_load %arg8[%parallel_loop3A_773, %parallel_loop3A_774] {strides = array<i32>} : memref<256x128xf32, #tpu.memory_space<vmem>>, vector<16xf32>,
          %parallel_loop3A_776 = arith.mulf %parallel_loop3A_775, %parallel_loop3A_775 : vector<16xf32>
          %parallel_loop3A_777 = arith.addf %parallel_loop3A_713, %parallel_loop3A_775 : vector<16xf32>
          %parallel_loop3A_778 = arith.addf %parallel_loop3A_714, %parallel_loop3A_776 : vector<16xf32>
          %parallel_loop3A_779 = arith.constant 10 : i32
          %parallel_loop3A_780 = arith.addi %parallel_loop3A_98, %parallel_loop3A_779 : i32
          %parallel_loop3A_781 = arith.index_cast %parallel_loop3A_780 : i32 to index
          %parallel_loop3A_782 = arith.constant 80 : index
          %parallel_loop3A_783 = tpu.vector_load %arg8[%parallel_loop3A_781, %parallel_loop3A_782] {strides = array<i32>} : memref<256x128xf32, #tpu.memory_space<vmem>>, vector<16xf32>,
          %parallel_loop3A_784 = arith.mulf %parallel_loop3A_783, %parallel_loop3A_783 : vector<16xf32>
          %parallel_loop3A_785 = arith.addf %parallel_loop3A_721, %parallel_loop3A_783 : vector<16xf32>
          %parallel_loop3A_786 = arith.addf %parallel_loop3A_722, %parallel_loop3A_784 : vector<16xf32>
          %parallel_loop3A_787 = arith.constant 10 : i32
          %parallel_loop3A_788 = arith.addi %parallel_loop3A_98, %parallel_loop3A_787 : i32
          %parallel_loop3A_789 = arith.index_cast %parallel_loop3A_788 : i32 to index
          %parallel_loop3A_790 = arith.constant 96 : index
          %parallel_loop3A_791 = tpu.vector_load %arg8[%parallel_loop3A_789, %parallel_loop3A_790] {strides = array<i32>} : memref<256x128xf32, #tpu.memory_space<vmem>>, vector<16xf32>,
          %parallel_loop3A_792 = arith.mulf %parallel_loop3A_791, %parallel_loop3A_791 : vector<16xf32>
          %parallel_loop3A_793 = arith.addf %parallel_loop3A_729, %parallel_loop3A_791 : vector<16xf32>
          %parallel_loop3A_794 = arith.addf %parallel_loop3A_730, %parallel_loop3A_792 : vector<16xf32>
          %parallel_loop3A_795 = arith.constant 10 : i32
          %parallel_loop3A_796 = arith.addi %parallel_loop3A_98, %parallel_loop3A_795 : i32
          %parallel_loop3A_797 = arith.index_cast %parallel_loop3A_796 : i32 to index
          %parallel_loop3A_798 = arith.constant 112 : index
          %parallel_loop3A_799 = tpu.vector_load %arg8[%parallel_loop3A_797, %parallel_loop3A_798] {strides = array<i32>} : memref<256x128xf32, #tpu.memory_space<vmem>>, vector<16xf32>,
          %parallel_loop3A_800 = arith.mulf %parallel_loop3A_799, %parallel_loop3A_799 : vector<16xf32>
          %parallel_loop3A_801 = arith.addf %parallel_loop3A_737, %parallel_loop3A_799 : vector<16xf32>
          %parallel_loop3A_802 = arith.addf %parallel_loop3A_738, %parallel_loop3A_800 : vector<16xf32>
          %parallel_loop3A_803 = arith.constant 11 : i32
          %parallel_loop3A_804 = arith.addi %parallel_loop3A_98, %parallel_loop3A_803 : i32
          %parallel_loop3A_805 = arith.index_cast %parallel_loop3A_804 : i32 to index
          %parallel_loop3A_806 = arith.constant 0 : index
          %parallel_loop3A_807 = tpu.vector_load %arg8[%parallel_loop3A_805, %parallel_loop3A_806] {strides = array<i32>} : memref<256x128xf32, #tpu.memory_space<vmem>>, vector<16xf32>,
          %parallel_loop3A_808 = arith.mulf %parallel_loop3A_807, %parallel_loop3A_807 : vector<16xf32>
          %parallel_loop3A_809 = arith.addf %parallel_loop3A_745, %parallel_loop3A_807 : vector<16xf32>
          %parallel_loop3A_810 = arith.addf %parallel_loop3A_746, %parallel_loop3A_808 : vector<16xf32>
          %parallel_loop3A_811 = arith.constant 11 : i32
          %parallel_loop3A_812 = arith.addi %parallel_loop3A_98, %parallel_loop3A_811 : i32
          %parallel_loop3A_813 = arith.index_cast %parallel_loop3A_812 : i32 to index
          %parallel_loop3A_814 = arith.constant 16 : index
          %parallel_loop3A_815 = tpu.vector_load %arg8[%parallel_loop3A_813, %parallel_loop3A_814] {strides = array<i32>} : memref<256x128xf32, #tpu.memory_space<vmem>>, vector<16xf32>,
          %parallel_loop3A_816 = arith.mulf %parallel_loop3A_815, %parallel_loop3A_815 : vector<16xf32>
          %parallel_loop3A_817 = arith.addf %parallel_loop3A_753, %parallel_loop3A_815 : vector<16xf32>
          %parallel_loop3A_818 = arith.addf %parallel_loop3A_754, %parallel_loop3A_816 : vector<16xf32>
          %parallel_loop3A_819 = arith.constant 11 : i32
          %parallel_loop3A_820 = arith.addi %parallel_loop3A_98, %parallel_loop3A_819 : i32
          %parallel_loop3A_821 = arith.index_cast %parallel_loop3A_820 : i32 to index
          %parallel_loop3A_822 = arith.constant 32 : index
          %parallel_loop3A_823 = tpu.vector_load %arg8[%parallel_loop3A_821, %parallel_loop3A_822] {strides = array<i32>} : memref<256x128xf32, #tpu.memory_space<vmem>>, vector<16xf32>,
          %parallel_loop3A_824 = arith.mulf %parallel_loop3A_823, %parallel_loop3A_823 : vector<16xf32>
          %parallel_loop3A_825 = arith.addf %parallel_loop3A_761, %parallel_loop3A_823 : vector<16xf32>
          %parallel_loop3A_826 = arith.addf %parallel_loop3A_762, %parallel_loop3A_824 : vector<16xf32>
          %parallel_loop3A_827 = arith.constant 11 : i32
          %parallel_loop3A_828 = arith.addi %parallel_loop3A_98, %parallel_loop3A_827 : i32
          %parallel_loop3A_829 = arith.index_cast %parallel_loop3A_828 : i32 to index
          %parallel_loop3A_830 = arith.constant 48 : index
          %parallel_loop3A_831 = tpu.vector_load %arg8[%parallel_loop3A_829, %parallel_loop3A_830] {strides = array<i32>} : memref<256x128xf32, #tpu.memory_space<vmem>>, vector<16xf32>,
          %parallel_loop3A_832 = arith.mulf %parallel_loop3A_831, %parallel_loop3A_831 : vector<16xf32>
          %parallel_loop3A_833 = arith.addf %parallel_loop3A_769, %parallel_loop3A_831 : vector<16xf32>
          %parallel_loop3A_834 = arith.addf %parallel_loop3A_770, %parallel_loop3A_832 : vector<16xf32>
          %parallel_loop3A_835 = arith.constant 11 : i32
          %parallel_loop3A_836 = arith.addi %parallel_loop3A_98, %parallel_loop3A_835 : i32
          %parallel_loop3A_837 = arith.index_cast %parallel_loop3A_836 : i32 to index
          %parallel_loop3A_838 = arith.constant 64 : index
          %parallel_loop3A_839 = tpu.vector_load %arg8[%parallel_loop3A_837, %parallel_loop3A_838] {strides = array<i32>} : memref<256x128xf32, #tpu.memory_space<vmem>>, vector<16xf32>,
          %parallel_loop3A_840 = arith.mulf %parallel_loop3A_839, %parallel_loop3A_839 : vector<16xf32>
          %parallel_loop3A_841 = arith.addf %parallel_loop3A_777, %parallel_loop3A_839 : vector<16xf32>
          %parallel_loop3A_842 = arith.addf %parallel_loop3A_778, %parallel_loop3A_840 : vector<16xf32>
          %parallel_loop3A_843 = arith.constant 11 : i32
          %parallel_loop3A_844 = arith.addi %parallel_loop3A_98, %parallel_loop3A_843 : i32
          %parallel_loop3A_845 = arith.index_cast %parallel_loop3A_844 : i32 to index
          %parallel_loop3A_846 = arith.constant 80 : index
          %parallel_loop3A_847 = tpu.vector_load %arg8[%parallel_loop3A_845, %parallel_loop3A_846] {strides = array<i32>} : memref<256x128xf32, #tpu.memory_space<vmem>>, vector<16xf32>,
          %parallel_loop3A_848 = arith.mulf %parallel_loop3A_847, %parallel_loop3A_847 : vector<16xf32>
          %parallel_loop3A_849 = arith.addf %parallel_loop3A_785, %parallel_loop3A_847 : vector<16xf32>
          %parallel_loop3A_850 = arith.addf %parallel_loop3A_786, %parallel_loop3A_848 : vector<16xf32>
          %parallel_loop3A_851 = arith.constant 11 : i32
          %parallel_loop3A_852 = arith.addi %parallel_loop3A_98, %parallel_loop3A_851 : i32
          %parallel_loop3A_853 = arith.index_cast %parallel_loop3A_852 : i32 to index
          %parallel_loop3A_854 = arith.constant 96 : index
          %parallel_loop3A_855 = tpu.vector_load %arg8[%parallel_loop3A_853, %parallel_loop3A_854] {strides = array<i32>} : memref<256x128xf32, #tpu.memory_space<vmem>>, vector<16xf32>,
          %parallel_loop3A_856 = arith.mulf %parallel_loop3A_855, %parallel_loop3A_855 : vector<16xf32>
          %parallel_loop3A_857 = arith.addf %parallel_loop3A_793, %parallel_loop3A_855 : vector<16xf32>
          %parallel_loop3A_858 = arith.addf %parallel_loop3A_794, %parallel_loop3A_856 : vector<16xf32>
          %parallel_loop3A_859 = arith.constant 11 : i32
          %parallel_loop3A_860 = arith.addi %parallel_loop3A_98, %parallel_loop3A_859 : i32
          %parallel_loop3A_861 = arith.index_cast %parallel_loop3A_860 : i32 to index
          %parallel_loop3A_862 = arith.constant 112 : index
          %parallel_loop3A_863 = tpu.vector_load %arg8[%parallel_loop3A_861, %parallel_loop3A_862] {strides = array<i32>} : memref<256x128xf32, #tpu.memory_space<vmem>>, vector<16xf32>,
          %parallel_loop3A_864 = arith.mulf %parallel_loop3A_863, %parallel_loop3A_863 : vector<16xf32>
          %parallel_loop3A_865 = arith.addf %parallel_loop3A_801, %parallel_loop3A_863 : vector<16xf32>
          %parallel_loop3A_866 = arith.addf %parallel_loop3A_802, %parallel_loop3A_864 : vector<16xf32>
          %parallel_loop3A_867 = arith.constant 12 : i32
          %parallel_loop3A_868 = arith.addi %parallel_loop3A_98, %parallel_loop3A_867 : i32
          %parallel_loop3A_869 = arith.index_cast %parallel_loop3A_868 : i32 to index
          %parallel_loop3A_870 = arith.constant 0 : index
          %parallel_loop3A_871 = tpu.vector_load %arg8[%parallel_loop3A_869, %parallel_loop3A_870] {strides = array<i32>} : memref<256x128xf32, #tpu.memory_space<vmem>>, vector<16xf32>,
          %parallel_loop3A_872 = arith.mulf %parallel_loop3A_871, %parallel_loop3A_871 : vector<16xf32>
          %parallel_loop3A_873 = arith.addf %parallel_loop3A_809, %parallel_loop3A_871 : vector<16xf32>
          %parallel_loop3A_874 = arith.addf %parallel_loop3A_810, %parallel_loop3A_872 : vector<16xf32>
          %parallel_loop3A_875 = arith.constant 12 : i32
          %parallel_loop3A_876 = arith.addi %parallel_loop3A_98, %parallel_loop3A_875 : i32
          %parallel_loop3A_877 = arith.index_cast %parallel_loop3A_876 : i32 to index
          %parallel_loop3A_878 = arith.constant 16 : index
          %parallel_loop3A_879 = tpu.vector_load %arg8[%parallel_loop3A_877, %parallel_loop3A_878] {strides = array<i32>} : memref<256x128xf32, #tpu.memory_space<vmem>>, vector<16xf32>,
          %parallel_loop3A_880 = arith.mulf %parallel_loop3A_879, %parallel_loop3A_879 : vector<16xf32>
          %parallel_loop3A_881 = arith.addf %parallel_loop3A_817, %parallel_loop3A_879 : vector<16xf32>
          %parallel_loop3A_882 = arith.addf %parallel_loop3A_818, %parallel_loop3A_880 : vector<16xf32>
          %parallel_loop3A_883 = arith.constant 12 : i32
          %parallel_loop3A_884 = arith.addi %parallel_loop3A_98, %parallel_loop3A_883 : i32
          %parallel_loop3A_885 = arith.index_cast %parallel_loop3A_884 : i32 to index
          %parallel_loop3A_886 = arith.constant 32 : index
          %parallel_loop3A_887 = tpu.vector_load %arg8[%parallel_loop3A_885, %parallel_loop3A_886] {strides = array<i32>} : memref<256x128xf32, #tpu.memory_space<vmem>>, vector<16xf32>,
          %parallel_loop3A_888 = arith.mulf %parallel_loop3A_887, %parallel_loop3A_887 : vector<16xf32>
          %parallel_loop3A_889 = arith.addf %parallel_loop3A_825, %parallel_loop3A_887 : vector<16xf32>
          %parallel_loop3A_890 = arith.addf %parallel_loop3A_826, %parallel_loop3A_888 : vector<16xf32>
          %parallel_loop3A_891 = arith.constant 12 : i32
          %parallel_loop3A_892 = arith.addi %parallel_loop3A_98, %parallel_loop3A_891 : i32
          %parallel_loop3A_893 = arith.index_cast %parallel_loop3A_892 : i32 to index
          %parallel_loop3A_894 = arith.constant 48 : index
          %parallel_loop3A_895 = tpu.vector_load %arg8[%parallel_loop3A_893, %parallel_loop3A_894] {strides = array<i32>} : memref<256x128xf32, #tpu.memory_space<vmem>>, vector<16xf32>,
          %parallel_loop3A_896 = arith.mulf %parallel_loop3A_895, %parallel_loop3A_895 : vector<16xf32>
          %parallel_loop3A_897 = arith.addf %parallel_loop3A_833, %parallel_loop3A_895 : vector<16xf32>
          %parallel_loop3A_898 = arith.addf %parallel_loop3A_834, %parallel_loop3A_896 : vector<16xf32>
          %parallel_loop3A_899 = arith.constant 12 : i32
          %parallel_loop3A_900 = arith.addi %parallel_loop3A_98, %parallel_loop3A_899 : i32
          %parallel_loop3A_901 = arith.index_cast %parallel_loop3A_900 : i32 to index
          %parallel_loop3A_902 = arith.constant 64 : index
          %parallel_loop3A_903 = tpu.vector_load %arg8[%parallel_loop3A_901, %parallel_loop3A_902] {strides = array<i32>} : memref<256x128xf32, #tpu.memory_space<vmem>>, vector<16xf32>,
          %parallel_loop3A_904 = arith.mulf %parallel_loop3A_903, %parallel_loop3A_903 : vector<16xf32>
          %parallel_loop3A_905 = arith.addf %parallel_loop3A_841, %parallel_loop3A_903 : vector<16xf32>
          %parallel_loop3A_906 = arith.addf %parallel_loop3A_842, %parallel_loop3A_904 : vector<16xf32>
          %parallel_loop3A_907 = arith.constant 12 : i32
          %parallel_loop3A_908 = arith.addi %parallel_loop3A_98, %parallel_loop3A_907 : i32
          %parallel_loop3A_909 = arith.index_cast %parallel_loop3A_908 : i32 to index
          %parallel_loop3A_910 = arith.constant 80 : index
          %parallel_loop3A_911 = tpu.vector_load %arg8[%parallel_loop3A_909, %parallel_loop3A_910] {strides = array<i32>} : memref<256x128xf32, #tpu.memory_space<vmem>>, vector<16xf32>,
          %parallel_loop3A_912 = arith.mulf %parallel_loop3A_911, %parallel_loop3A_911 : vector<16xf32>
          %parallel_loop3A_913 = arith.addf %parallel_loop3A_849, %parallel_loop3A_911 : vector<16xf32>
          %parallel_loop3A_914 = arith.addf %parallel_loop3A_850, %parallel_loop3A_912 : vector<16xf32>
          %parallel_loop3A_915 = arith.constant 12 : i32
          %parallel_loop3A_916 = arith.addi %parallel_loop3A_98, %parallel_loop3A_915 : i32
          %parallel_loop3A_917 = arith.index_cast %parallel_loop3A_916 : i32 to index
          %parallel_loop3A_918 = arith.constant 96 : index
          %parallel_loop3A_919 = tpu.vector_load %arg8[%parallel_loop3A_917, %parallel_loop3A_918] {strides = array<i32>} : memref<256x128xf32, #tpu.memory_space<vmem>>, vector<16xf32>,
          %parallel_loop3A_920 = arith.mulf %parallel_loop3A_919, %parallel_loop3A_919 : vector<16xf32>
          %parallel_loop3A_921 = arith.addf %parallel_loop3A_857, %parallel_loop3A_919 : vector<16xf32>
          %parallel_loop3A_922 = arith.addf %parallel_loop3A_858, %parallel_loop3A_920 : vector<16xf32>
          %parallel_loop3A_923 = arith.constant 12 : i32
          %parallel_loop3A_924 = arith.addi %parallel_loop3A_98, %parallel_loop3A_923 : i32
          %parallel_loop3A_925 = arith.index_cast %parallel_loop3A_924 : i32 to index
          %parallel_loop3A_926 = arith.constant 112 : index
          %parallel_loop3A_927 = tpu.vector_load %arg8[%parallel_loop3A_925, %parallel_loop3A_926] {strides = array<i32>} : memref<256x128xf32, #tpu.memory_space<vmem>>, vector<16xf32>,
          %parallel_loop3A_928 = arith.mulf %parallel_loop3A_927, %parallel_loop3A_927 : vector<16xf32>
          %parallel_loop3A_929 = arith.addf %parallel_loop3A_865, %parallel_loop3A_927 : vector<16xf32>
          %parallel_loop3A_930 = arith.addf %parallel_loop3A_866, %parallel_loop3A_928 : vector<16xf32>
          %parallel_loop3A_931 = arith.constant 13 : i32
          %parallel_loop3A_932 = arith.addi %parallel_loop3A_98, %parallel_loop3A_931 : i32
          %parallel_loop3A_933 = arith.index_cast %parallel_loop3A_932 : i32 to index
          %parallel_loop3A_934 = arith.constant 0 : index
          %parallel_loop3A_935 = tpu.vector_load %arg8[%parallel_loop3A_933, %parallel_loop3A_934] {strides = array<i32>} : memref<256x128xf32, #tpu.memory_space<vmem>>, vector<16xf32>,
          %parallel_loop3A_936 = arith.mulf %parallel_loop3A_935, %parallel_loop3A_935 : vector<16xf32>
          %parallel_loop3A_937 = arith.addf %parallel_loop3A_873, %parallel_loop3A_935 : vector<16xf32>
          %parallel_loop3A_938 = arith.addf %parallel_loop3A_874, %parallel_loop3A_936 : vector<16xf32>
          %parallel_loop3A_939 = arith.constant 13 : i32
          %parallel_loop3A_940 = arith.addi %parallel_loop3A_98, %parallel_loop3A_939 : i32
          %parallel_loop3A_941 = arith.index_cast %parallel_loop3A_940 : i32 to index
          %parallel_loop3A_942 = arith.constant 16 : index
          %parallel_loop3A_943 = tpu.vector_load %arg8[%parallel_loop3A_941, %parallel_loop3A_942] {strides = array<i32>} : memref<256x128xf32, #tpu.memory_space<vmem>>, vector<16xf32>,
          %parallel_loop3A_944 = arith.mulf %parallel_loop3A_943, %parallel_loop3A_943 : vector<16xf32>
          %parallel_loop3A_945 = arith.addf %parallel_loop3A_881, %parallel_loop3A_943 : vector<16xf32>
          %parallel_loop3A_946 = arith.addf %parallel_loop3A_882, %parallel_loop3A_944 : vector<16xf32>
          %parallel_loop3A_947 = arith.constant 13 : i32
          %parallel_loop3A_948 = arith.addi %parallel_loop3A_98, %parallel_loop3A_947 : i32
          %parallel_loop3A_949 = arith.index_cast %parallel_loop3A_948 : i32 to index
          %parallel_loop3A_950 = arith.constant 32 : index
          %parallel_loop3A_951 = tpu.vector_load %arg8[%parallel_loop3A_949, %parallel_loop3A_950] {strides = array<i32>} : memref<256x128xf32, #tpu.memory_space<vmem>>, vector<16xf32>,
          %parallel_loop3A_952 = arith.mulf %parallel_loop3A_951, %parallel_loop3A_951 : vector<16xf32>
          %parallel_loop3A_953 = arith.addf %parallel_loop3A_889, %parallel_loop3A_951 : vector<16xf32>
          %parallel_loop3A_954 = arith.addf %parallel_loop3A_890, %parallel_loop3A_952 : vector<16xf32>
          %parallel_loop3A_955 = arith.constant 13 : i32
          %parallel_loop3A_956 = arith.addi %parallel_loop3A_98, %parallel_loop3A_955 : i32
          %parallel_loop3A_957 = arith.index_cast %parallel_loop3A_956 : i32 to index
          %parallel_loop3A_958 = arith.constant 48 : index
          %parallel_loop3A_959 = tpu.vector_load %arg8[%parallel_loop3A_957, %parallel_loop3A_958] {strides = array<i32>} : memref<256x128xf32, #tpu.memory_space<vmem>>, vector<16xf32>,
          %parallel_loop3A_960 = arith.mulf %parallel_loop3A_959, %parallel_loop3A_959 : vector<16xf32>
          %parallel_loop3A_961 = arith.addf %parallel_loop3A_897, %parallel_loop3A_959 : vector<16xf32>
          %parallel_loop3A_962 = arith.addf %parallel_loop3A_898, %parallel_loop3A_960 : vector<16xf32>
          %parallel_loop3A_963 = arith.constant 13 : i32
          %parallel_loop3A_964 = arith.addi %parallel_loop3A_98, %parallel_loop3A_963 : i32
          %parallel_loop3A_965 = arith.index_cast %parallel_loop3A_964 : i32 to index
          %parallel_loop3A_966 = arith.constant 64 : index
          %parallel_loop3A_967 = tpu.vector_load %arg8[%parallel_loop3A_965, %parallel_loop3A_966] {strides = array<i32>} : memref<256x128xf32, #tpu.memory_space<vmem>>, vector<16xf32>,
          %parallel_loop3A_968 = arith.mulf %parallel_loop3A_967, %parallel_loop3A_967 : vector<16xf32>
          %parallel_loop3A_969 = arith.addf %parallel_loop3A_905, %parallel_loop3A_967 : vector<16xf32>
          %parallel_loop3A_970 = arith.addf %parallel_loop3A_906, %parallel_loop3A_968 : vector<16xf32>
          %parallel_loop3A_971 = arith.constant 13 : i32
          %parallel_loop3A_972 = arith.addi %parallel_loop3A_98, %parallel_loop3A_971 : i32
          %parallel_loop3A_973 = arith.index_cast %parallel_loop3A_972 : i32 to index
          %parallel_loop3A_974 = arith.constant 80 : index
          %parallel_loop3A_975 = tpu.vector_load %arg8[%parallel_loop3A_973, %parallel_loop3A_974] {strides = array<i32>} : memref<256x128xf32, #tpu.memory_space<vmem>>, vector<16xf32>,
          %parallel_loop3A_976 = arith.mulf %parallel_loop3A_975, %parallel_loop3A_975 : vector<16xf32>
          %parallel_loop3A_977 = arith.addf %parallel_loop3A_913, %parallel_loop3A_975 : vector<16xf32>
          %parallel_loop3A_978 = arith.addf %parallel_loop3A_914, %parallel_loop3A_976 : vector<16xf32>
          %parallel_loop3A_979 = arith.constant 13 : i32
          %parallel_loop3A_980 = arith.addi %parallel_loop3A_98, %parallel_loop3A_979 : i32
          %parallel_loop3A_981 = arith.index_cast %parallel_loop3A_980 : i32 to index
          %parallel_loop3A_982 = arith.constant 96 : index
          %parallel_loop3A_983 = tpu.vector_load %arg8[%parallel_loop3A_981, %parallel_loop3A_982] {strides = array<i32>} : memref<256x128xf32, #tpu.memory_space<vmem>>, vector<16xf32>,
          %parallel_loop3A_984 = arith.mulf %parallel_loop3A_983, %parallel_loop3A_983 : vector<16xf32>
          %parallel_loop3A_985 = arith.addf %parallel_loop3A_921, %parallel_loop3A_983 : vector<16xf32>
          %parallel_loop3A_986 = arith.addf %parallel_loop3A_922, %parallel_loop3A_984 : vector<16xf32>
          %parallel_loop3A_987 = arith.constant 13 : i32
          %parallel_loop3A_988 = arith.addi %parallel_loop3A_98, %parallel_loop3A_987 : i32
          %parallel_loop3A_989 = arith.index_cast %parallel_loop3A_988 : i32 to index
          %parallel_loop3A_990 = arith.constant 112 : index
          %parallel_loop3A_991 = tpu.vector_load %arg8[%parallel_loop3A_989, %parallel_loop3A_990] {strides = array<i32>} : memref<256x128xf32, #tpu.memory_space<vmem>>, vector<16xf32>,
          %parallel_loop3A_992 = arith.mulf %parallel_loop3A_991, %parallel_loop3A_991 : vector<16xf32>
          %parallel_loop3A_993 = arith.addf %parallel_loop3A_929, %parallel_loop3A_991 : vector<16xf32>
          %parallel_loop3A_994 = arith.addf %parallel_loop3A_930, %parallel_loop3A_992 : vector<16xf32>
          %parallel_loop3A_995 = arith.constant 14 : i32
          %parallel_loop3A_996 = arith.addi %parallel_loop3A_98, %parallel_loop3A_995 : i32
          %parallel_loop3A_997 = arith.index_cast %parallel_loop3A_996 : i32 to index
          %parallel_loop3A_998 = arith.constant 0 : index
          %parallel_loop3A_999 = tpu.vector_load %arg8[%parallel_loop3A_997, %parallel_loop3A_998] {strides = array<i32>} : memref<256x128xf32, #tpu.memory_space<vmem>>, vector<16xf32>,
          %parallel_loop3A_1000 = arith.mulf %parallel_loop3A_999, %parallel_loop3A_999 : vector<16xf32>
          %parallel_loop3A_1001 = arith.addf %parallel_loop3A_937, %parallel_loop3A_999 : vector<16xf32>
          %parallel_loop3A_1002 = arith.addf %parallel_loop3A_938, %parallel_loop3A_1000 : vector<16xf32>
          %parallel_loop3A_1003 = arith.constant 14 : i32
          %parallel_loop3A_1004 = arith.addi %parallel_loop3A_98, %parallel_loop3A_1003 : i32
          %parallel_loop3A_1005 = arith.index_cast %parallel_loop3A_1004 : i32 to index
          %parallel_loop3A_1006 = arith.constant 16 : index
          %parallel_loop3A_1007 = tpu.vector_load %arg8[%parallel_loop3A_1005, %parallel_loop3A_1006] {strides = array<i32>} : memref<256x128xf32, #tpu.memory_space<vmem>>, vector<16xf32>,
          %parallel_loop3A_1008 = arith.mulf %parallel_loop3A_1007, %parallel_loop3A_1007 : vector<16xf32>
          %parallel_loop3A_1009 = arith.addf %parallel_loop3A_945, %parallel_loop3A_1007 : vector<16xf32>
          %parallel_loop3A_1010 = arith.addf %parallel_loop3A_946, %parallel_loop3A_1008 : vector<16xf32>
          %parallel_loop3A_1011 = arith.constant 14 : i32
          %parallel_loop3A_1012 = arith.addi %parallel_loop3A_98, %parallel_loop3A_1011 : i32
          %parallel_loop3A_1013 = arith.index_cast %parallel_loop3A_1012 : i32 to index
          %parallel_loop3A_1014 = arith.constant 32 : index
          %parallel_loop3A_1015 = tpu.vector_load %arg8[%parallel_loop3A_1013, %parallel_loop3A_1014] {strides = array<i32>} : memref<256x128xf32, #tpu.memory_space<vmem>>, vector<16xf32>,
          %parallel_loop3A_1016 = arith.mulf %parallel_loop3A_1015, %parallel_loop3A_1015 : vector<16xf32>
          %parallel_loop3A_1017 = arith.addf %parallel_loop3A_953, %parallel_loop3A_1015 : vector<16xf32>
          %parallel_loop3A_1018 = arith.addf %parallel_loop3A_954, %parallel_loop3A_1016 : vector<16xf32>
          %parallel_loop3A_1019 = arith.constant 14 : i32
          %parallel_loop3A_1020 = arith.addi %parallel_loop3A_98, %parallel_loop3A_1019 : i32
          %parallel_loop3A_1021 = arith.index_cast %parallel_loop3A_1020 : i32 to index
          %parallel_loop3A_1022 = arith.constant 48 : index
          %parallel_loop3A_1023 = tpu.vector_load %arg8[%parallel_loop3A_1021, %parallel_loop3A_1022] {strides = array<i32>} : memref<256x128xf32, #tpu.memory_space<vmem>>, vector<16xf32>,
          %parallel_loop3A_1024 = arith.mulf %parallel_loop3A_1023, %parallel_loop3A_1023 : vector<16xf32>
          %parallel_loop3A_1025 = arith.addf %parallel_loop3A_961, %parallel_loop3A_1023 : vector<16xf32>
          %parallel_loop3A_1026 = arith.addf %parallel_loop3A_962, %parallel_loop3A_1024 : vector<16xf32>
          %parallel_loop3A_1027 = arith.constant 14 : i32
          %parallel_loop3A_1028 = arith.addi %parallel_loop3A_98, %parallel_loop3A_1027 : i32
          %parallel_loop3A_1029 = arith.index_cast %parallel_loop3A_1028 : i32 to index
          %parallel_loop3A_1030 = arith.constant 64 : index
          %parallel_loop3A_1031 = tpu.vector_load %arg8[%parallel_loop3A_1029, %parallel_loop3A_1030] {strides = array<i32>} : memref<256x128xf32, #tpu.memory_space<vmem>>, vector<16xf32>,
          %parallel_loop3A_1032 = arith.mulf %parallel_loop3A_1031, %parallel_loop3A_1031 : vector<16xf32>
          %parallel_loop3A_1033 = arith.addf %parallel_loop3A_969, %parallel_loop3A_1031 : vector<16xf32>
          %parallel_loop3A_1034 = arith.addf %parallel_loop3A_970, %parallel_loop3A_1032 : vector<16xf32>
          %parallel_loop3A_1035 = arith.constant 14 : i32
          %parallel_loop3A_1036 = arith.addi %parallel_loop3A_98, %parallel_loop3A_1035 : i32
          %parallel_loop3A_1037 = arith.index_cast %parallel_loop3A_1036 : i32 to index
          %parallel_loop3A_1038 = arith.constant 80 : index
          %parallel_loop3A_1039 = tpu.vector_load %arg8[%parallel_loop3A_1037, %parallel_loop3A_1038] {strides = array<i32>} : memref<256x128xf32, #tpu.memory_space<vmem>>, vector<16xf32>,
          %parallel_loop3A_1040 = arith.mulf %parallel_loop3A_1039, %parallel_loop3A_1039 : vector<16xf32>
          %parallel_loop3A_1041 = arith.addf %parallel_loop3A_977, %parallel_loop3A_1039 : vector<16xf32>
          %parallel_loop3A_1042 = arith.addf %parallel_loop3A_978, %parallel_loop3A_1040 : vector<16xf32>
          %parallel_loop3A_1043 = arith.constant 14 : i32
          %parallel_loop3A_1044 = arith.addi %parallel_loop3A_98, %parallel_loop3A_1043 : i32
          %parallel_loop3A_1045 = arith.index_cast %parallel_loop3A_1044 : i32 to index
          %parallel_loop3A_1046 = arith.constant 96 : index
          %parallel_loop3A_1047 = tpu.vector_load %arg8[%parallel_loop3A_1045, %parallel_loop3A_1046] {strides = array<i32>} : memref<256x128xf32, #tpu.memory_space<vmem>>, vector<16xf32>,
          %parallel_loop3A_1048 = arith.mulf %parallel_loop3A_1047, %parallel_loop3A_1047 : vector<16xf32>
          %parallel_loop3A_1049 = arith.addf %parallel_loop3A_985, %parallel_loop3A_1047 : vector<16xf32>
          %parallel_loop3A_1050 = arith.addf %parallel_loop3A_986, %parallel_loop3A_1048 : vector<16xf32>
          %parallel_loop3A_1051 = arith.constant 14 : i32
          %parallel_loop3A_1052 = arith.addi %parallel_loop3A_98, %parallel_loop3A_1051 : i32
          %parallel_loop3A_1053 = arith.index_cast %parallel_loop3A_1052 : i32 to index
          %parallel_loop3A_1054 = arith.constant 112 : index
          %parallel_loop3A_1055 = tpu.vector_load %arg8[%parallel_loop3A_1053, %parallel_loop3A_1054] {strides = array<i32>} : memref<256x128xf32, #tpu.memory_space<vmem>>, vector<16xf32>,
          %parallel_loop3A_1056 = arith.mulf %parallel_loop3A_1055, %parallel_loop3A_1055 : vector<16xf32>
          %parallel_loop3A_1057 = arith.addf %parallel_loop3A_993, %parallel_loop3A_1055 : vector<16xf32>
          %parallel_loop3A_1058 = arith.addf %parallel_loop3A_994, %parallel_loop3A_1056 : vector<16xf32>
          %parallel_loop3A_1059 = arith.constant 15 : i32
          %parallel_loop3A_1060 = arith.addi %parallel_loop3A_98, %parallel_loop3A_1059 : i32
          %parallel_loop3A_1061 = arith.index_cast %parallel_loop3A_1060 : i32 to index
          %parallel_loop3A_1062 = arith.constant 0 : index
          %parallel_loop3A_1063 = tpu.vector_load %arg8[%parallel_loop3A_1061, %parallel_loop3A_1062] {strides = array<i32>} : memref<256x128xf32, #tpu.memory_space<vmem>>, vector<16xf32>,
          %parallel_loop3A_1064 = arith.mulf %parallel_loop3A_1063, %parallel_loop3A_1063 : vector<16xf32>
          %parallel_loop3A_1065 = arith.addf %parallel_loop3A_1001, %parallel_loop3A_1063 : vector<16xf32>
          %parallel_loop3A_1066 = arith.addf %parallel_loop3A_1002, %parallel_loop3A_1064 : vector<16xf32>
          %parallel_loop3A_1067 = arith.constant 15 : i32
          %parallel_loop3A_1068 = arith.addi %parallel_loop3A_98, %parallel_loop3A_1067 : i32
          %parallel_loop3A_1069 = arith.index_cast %parallel_loop3A_1068 : i32 to index
          %parallel_loop3A_1070 = arith.constant 16 : index
          %parallel_loop3A_1071 = tpu.vector_load %arg8[%parallel_loop3A_1069, %parallel_loop3A_1070] {strides = array<i32>} : memref<256x128xf32, #tpu.memory_space<vmem>>, vector<16xf32>,
          %parallel_loop3A_1072 = arith.mulf %parallel_loop3A_1071, %parallel_loop3A_1071 : vector<16xf32>
          %parallel_loop3A_1073 = arith.addf %parallel_loop3A_1009, %parallel_loop3A_1071 : vector<16xf32>
          %parallel_loop3A_1074 = arith.addf %parallel_loop3A_1010, %parallel_loop3A_1072 : vector<16xf32>
          %parallel_loop3A_1075 = arith.constant 15 : i32
          %parallel_loop3A_1076 = arith.addi %parallel_loop3A_98, %parallel_loop3A_1075 : i32
          %parallel_loop3A_1077 = arith.index_cast %parallel_loop3A_1076 : i32 to index
          %parallel_loop3A_1078 = arith.constant 32 : index
          %parallel_loop3A_1079 = tpu.vector_load %arg8[%parallel_loop3A_1077, %parallel_loop3A_1078] {strides = array<i32>} : memref<256x128xf32, #tpu.memory_space<vmem>>, vector<16xf32>,
          %parallel_loop3A_1080 = arith.mulf %parallel_loop3A_1079, %parallel_loop3A_1079 : vector<16xf32>
          %parallel_loop3A_1081 = arith.addf %parallel_loop3A_1017, %parallel_loop3A_1079 : vector<16xf32>
          %parallel_loop3A_1082 = arith.addf %parallel_loop3A_1018, %parallel_loop3A_1080 : vector<16xf32>
          %parallel_loop3A_1083 = arith.constant 15 : i32
          %parallel_loop3A_1084 = arith.addi %parallel_loop3A_98, %parallel_loop3A_1083 : i32
          %parallel_loop3A_1085 = arith.index_cast %parallel_loop3A_1084 : i32 to index
          %parallel_loop3A_1086 = arith.constant 48 : index
          %parallel_loop3A_1087 = tpu.vector_load %arg8[%parallel_loop3A_1085, %parallel_loop3A_1086] {strides = array<i32>} : memref<256x128xf32, #tpu.memory_space<vmem>>, vector<16xf32>,
          %parallel_loop3A_1088 = arith.mulf %parallel_loop3A_1087, %parallel_loop3A_1087 : vector<16xf32>
          %parallel_loop3A_1089 = arith.addf %parallel_loop3A_1025, %parallel_loop3A_1087 : vector<16xf32>
          %parallel_loop3A_1090 = arith.addf %parallel_loop3A_1026, %parallel_loop3A_1088 : vector<16xf32>
          %parallel_loop3A_1091 = arith.constant 15 : i32
          %parallel_loop3A_1092 = arith.addi %parallel_loop3A_98, %parallel_loop3A_1091 : i32
          %parallel_loop3A_1093 = arith.index_cast %parallel_loop3A_1092 : i32 to index
          %parallel_loop3A_1094 = arith.constant 64 : index
          %parallel_loop3A_1095 = tpu.vector_load %arg8[%parallel_loop3A_1093, %parallel_loop3A_1094] {strides = array<i32>} : memref<256x128xf32, #tpu.memory_space<vmem>>, vector<16xf32>,
          %parallel_loop3A_1096 = arith.mulf %parallel_loop3A_1095, %parallel_loop3A_1095 : vector<16xf32>
          %parallel_loop3A_1097 = arith.addf %parallel_loop3A_1033, %parallel_loop3A_1095 : vector<16xf32>
          %parallel_loop3A_1098 = arith.addf %parallel_loop3A_1034, %parallel_loop3A_1096 : vector<16xf32>
          %parallel_loop3A_1099 = arith.constant 15 : i32
          %parallel_loop3A_1100 = arith.addi %parallel_loop3A_98, %parallel_loop3A_1099 : i32
          %parallel_loop3A_1101 = arith.index_cast %parallel_loop3A_1100 : i32 to index
          %parallel_loop3A_1102 = arith.constant 80 : index
          %parallel_loop3A_1103 = tpu.vector_load %arg8[%parallel_loop3A_1101, %parallel_loop3A_1102] {strides = array<i32>} : memref<256x128xf32, #tpu.memory_space<vmem>>, vector<16xf32>,
          %parallel_loop3A_1104 = arith.mulf %parallel_loop3A_1103, %parallel_loop3A_1103 : vector<16xf32>
          %parallel_loop3A_1105 = arith.addf %parallel_loop3A_1041, %parallel_loop3A_1103 : vector<16xf32>
          %parallel_loop3A_1106 = arith.addf %parallel_loop3A_1042, %parallel_loop3A_1104 : vector<16xf32>
          %parallel_loop3A_1107 = arith.constant 15 : i32
          %parallel_loop3A_1108 = arith.addi %parallel_loop3A_98, %parallel_loop3A_1107 : i32
          %parallel_loop3A_1109 = arith.index_cast %parallel_loop3A_1108 : i32 to index
          %parallel_loop3A_1110 = arith.constant 96 : index
          %parallel_loop3A_1111 = tpu.vector_load %arg8[%parallel_loop3A_1109, %parallel_loop3A_1110] {strides = array<i32>} : memref<256x128xf32, #tpu.memory_space<vmem>>, vector<16xf32>,
          %parallel_loop3A_1112 = arith.mulf %parallel_loop3A_1111, %parallel_loop3A_1111 : vector<16xf32>
          %parallel_loop3A_1113 = arith.addf %parallel_loop3A_1049, %parallel_loop3A_1111 : vector<16xf32>
          %parallel_loop3A_1114 = arith.addf %parallel_loop3A_1050, %parallel_loop3A_1112 : vector<16xf32>
          %parallel_loop3A_1115 = arith.constant 15 : i32
          %parallel_loop3A_1116 = arith.addi %parallel_loop3A_98, %parallel_loop3A_1115 : i32
          %parallel_loop3A_1117 = arith.index_cast %parallel_loop3A_1116 : i32 to index
          %parallel_loop3A_1118 = arith.constant 112 : index
          %parallel_loop3A_1119 = tpu.vector_load %arg8[%parallel_loop3A_1117, %parallel_loop3A_1118] {strides = array<i32>} : memref<256x128xf32, #tpu.memory_space<vmem>>, vector<16xf32>,
          %parallel_loop3A_1120 = arith.mulf %parallel_loop3A_1119, %parallel_loop3A_1119 : vector<16xf32>
          %parallel_loop3A_1121 = arith.addf %parallel_loop3A_1057, %parallel_loop3A_1119 : vector<16xf32>
          %parallel_loop3A_1122 = arith.addf %parallel_loop3A_1058, %parallel_loop3A_1120 : vector<16xf32>
          %parallel_loop3A_1123 = arith.index_cast %parallel_loop3A_107 : i32 to index
          %parallel_loop3A_1124 = arith.constant 0 : index
          %parallel_loop3A_1125 = tpu.vector_load %arg9[%parallel_loop3A_1123, %parallel_loop3A_1124] {strides = array<i32>} : memref<64x128xf32, #tpu.memory_space<vmem>>, vector<16xf32>,
          tpu.vector_store %arg9[%parallel_loop3A_1123, %parallel_loop3A_1124], %parallel_loop3A_1065 {add = true, strides = array<i32>} : memref<64x128xf32, #tpu.memory_space<vmem>>, vector<16xf32>,
          %parallel_loop3A_1126 = arith.addf %parallel_loop3A_88, %parallel_loop3A_1066 : vector<16xf32>
          %parallel_loop3A_1127 = arith.index_cast %parallel_loop3A_107 : i32 to index
          %parallel_loop3A_1128 = arith.constant 16 : index
          %parallel_loop3A_1129 = tpu.vector_load %arg9[%parallel_loop3A_1127, %parallel_loop3A_1128] {strides = array<i32>} : memref<64x128xf32, #tpu.memory_space<vmem>>, vector<16xf32>,
          tpu.vector_store %arg9[%parallel_loop3A_1127, %parallel_loop3A_1128], %parallel_loop3A_1073 {add = true, strides = array<i32>} : memref<64x128xf32, #tpu.memory_space<vmem>>, vector<16xf32>,
          %parallel_loop3A_1130 = arith.addf %parallel_loop3A_89, %parallel_loop3A_1074 : vector<16xf32>
          %parallel_loop3A_1131 = arith.index_cast %parallel_loop3A_107 : i32 to index
          %parallel_loop3A_1132 = arith.constant 32 : index
          %parallel_loop3A_1133 = tpu.vector_load %arg9[%parallel_loop3A_1131, %parallel_loop3A_1132] {strides = array<i32>} : memref<64x128xf32, #tpu.memory_space<vmem>>, vector<16xf32>,
          tpu.vector_store %arg9[%parallel_loop3A_1131, %parallel_loop3A_1132], %parallel_loop3A_1081 {add = true, strides = array<i32>} : memref<64x128xf32, #tpu.memory_space<vmem>>, vector<16xf32>,
          %parallel_loop3A_1134 = arith.addf %parallel_loop3A_90, %parallel_loop3A_1082 : vector<16xf32>
          %parallel_loop3A_1135 = arith.index_cast %parallel_loop3A_107 : i32 to index
          %parallel_loop3A_1136 = arith.constant 48 : index
          %parallel_loop3A_1137 = tpu.vector_load %arg9[%parallel_loop3A_1135, %parallel_loop3A_1136] {strides = array<i32>} : memref<64x128xf32, #tpu.memory_space<vmem>>, vector<16xf32>,
          tpu.vector_store %arg9[%parallel_loop3A_1135, %parallel_loop3A_1136], %parallel_loop3A_1089 {add = true, strides = array<i32>} : memref<64x128xf32, #tpu.memory_space<vmem>>, vector<16xf32>,
          %parallel_loop3A_1138 = arith.addf %parallel_loop3A_91, %parallel_loop3A_1090 : vector<16xf32>
          %parallel_loop3A_1139 = arith.index_cast %parallel_loop3A_107 : i32 to index
          %parallel_loop3A_1140 = arith.constant 64 : index
          %parallel_loop3A_1141 = tpu.vector_load %arg9[%parallel_loop3A_1139, %parallel_loop3A_1140] {strides = array<i32>} : memref<64x128xf32, #tpu.memory_space<vmem>>, vector<16xf32>,
          tpu.vector_store %arg9[%parallel_loop3A_1139, %parallel_loop3A_1140], %parallel_loop3A_1097 {add = true, strides = array<i32>} : memref<64x128xf32, #tpu.memory_space<vmem>>, vector<16xf32>,
          %parallel_loop3A_1142 = arith.addf %parallel_loop3A_92, %parallel_loop3A_1098 : vector<16xf32>
          %parallel_loop3A_1143 = arith.index_cast %parallel_loop3A_107 : i32 to index
          %parallel_loop3A_1144 = arith.constant 80 : index
          %parallel_loop3A_1145 = tpu.vector_load %arg9[%parallel_loop3A_1143, %parallel_loop3A_1144] {strides = array<i32>} : memref<64x128xf32, #tpu.memory_space<vmem>>, vector<16xf32>,
          tpu.vector_store %arg9[%parallel_loop3A_1143, %parallel_loop3A_1144], %parallel_loop3A_1105 {add = true, strides = array<i32>} : memref<64x128xf32, #tpu.memory_space<vmem>>, vector<16xf32>,
          %parallel_loop3A_1146 = arith.addf %parallel_loop3A_93, %parallel_loop3A_1106 : vector<16xf32>
          %parallel_loop3A_1147 = arith.index_cast %parallel_loop3A_107 : i32 to index
          %parallel_loop3A_1148 = arith.constant 96 : index
          %parallel_loop3A_1149 = tpu.vector_load %arg9[%parallel_loop3A_1147, %parallel_loop3A_1148] {strides = array<i32>} : memref<64x128xf32, #tpu.memory_space<vmem>>, vector<16xf32>,
          tpu.vector_store %arg9[%parallel_loop3A_1147, %parallel_loop3A_1148], %parallel_loop3A_1113 {add = true, strides = array<i32>} : memref<64x128xf32, #tpu.memory_space<vmem>>, vector<16xf32>,
          %parallel_loop3A_1150 = arith.addf %parallel_loop3A_94, %parallel_loop3A_1114 : vector<16xf32>
          %parallel_loop3A_1151 = arith.index_cast %parallel_loop3A_107 : i32 to index
          %parallel_loop3A_1152 = arith.constant 112 : index
          %parallel_loop3A_1153 = tpu.vector_load %arg9[%parallel_loop3A_1151, %parallel_loop3A_1152] {strides = array<i32>} : memref<64x128xf32, #tpu.memory_space<vmem>>, vector<16xf32>,
          tpu.vector_store %arg9[%parallel_loop3A_1151, %parallel_loop3A_1152], %parallel_loop3A_1121 {add = true, strides = array<i32>} : memref<64x128xf32, #tpu.memory_space<vmem>>, vector<16xf32>,
          %parallel_loop3A_1154 = arith.addf %parallel_loop3A_95, %parallel_loop3A_1122 : vector<16xf32>
          %parallel_loop3A_1155 = arith.constant 1.600000e+01 : f32
          %parallel_loop3A_1156 = vector.broadcast %parallel_loop3A_1155 : f32 to vector<16xf32>
          %parallel_loop3A_1157 = arith.index_cast %parallel_loop3A_107 : i32 to index
          %parallel_loop3A_1158 = arith.constant 0 : index
          %parallel_loop3A_1159 = tpu.vector_load %arg10[%parallel_loop3A_1157, %parallel_loop3A_1158] {strides = array<i32>} : memref<64x16xf32, #tpu.memory_space<vmem>>, vector<16xf32>,
          tpu.vector_store %arg10[%parallel_loop3A_1157, %parallel_loop3A_1158], %parallel_loop3A_1156 {add = true, strides = array<i32>} : memref<64x16xf32, #tpu.memory_space<vmem>>, vector<16xf32>,
          scf.yield %parallel_loop3A_1126, %parallel_loop3A_1130, %parallel_loop3A_1134, %parallel_loop3A_1138, %parallel_loop3A_1142, %parallel_loop3A_1146, %parallel_loop3A_1150, %parallel_loop3A_1154 : vector<16xf32>, vector<16xf32>, vector<16xf32>, vector<16xf32>, vector<16xf32>, vector<16xf32>, vector<16xf32>, vector<16xf32>
        } else {
          %parallel_loop3A_115 = arith.constant 1.000000e+00 : f32
          %parallel_loop3A_116 = vector.broadcast %parallel_loop3A_115 : f32 to vector<16xf32>
          %parallel_loop3A_117 = arith.constant 0 : i32
          %parallel_loop3A_118 = arith.constant 16 : i32
          %parallel_loop3A_119 = arith.addi %parallel_loop3A_117, %parallel_loop3A_118 : i32
          %parallel_loop3A_120 = arith.constant 1 : i32
          %parallel_loop3A_121:8 = scf.for %scan3A_123 = %parallel_loop3A_117 to %parallel_loop3A_119 step %parallel_loop3A_120 iter_args(%scan3A_124 = %parallel_loop3A_88, %scan3A_125 = %parallel_loop3A_89, %scan3A_126 = %parallel_loop3A_90, %scan3A_127 = %parallel_loop3A_91, %scan3A_128 = %parallel_loop3A_92, %scan3A_129 = %parallel_loop3A_93, %scan3A_130 = %parallel_loop3A_94, %scan3A_131 = %parallel_loop3A_95) -> (vector<16xf32>, vector<16xf32>, vector<16xf32>, vector<16xf32>, vector<16xf32>, vector<16xf32>, vector<16xf32>, vector<16xf32>)  : i32 {
            %parallel_loop3A_132 = vector.broadcast %scan3A_123 : i32 to vector<16xi32>
            %parallel_loop3A_133 = arith.cmpi eq, %iota3A, %parallel_loop3A_132 : vector<16xi32>
            %parallel_loop3A_134 = arith.constant 0 : i32
            %parallel_loop3A_135 = vector.broadcast %parallel_loop3A_134 : i32 to vector<16xi32>
            %parallel_loop3A_136 = arith.select %parallel_loop3A_133, %parallel_loop3A_105, %parallel_loop3A_135 : vector<16xi1>, vector<16xi32>
            %parallel_loop3A_137 = arith.constant true
            %parallel_loop3A_138 = vector.broadcast %parallel_loop3A_137 : i1 to vector<16xi1>
            %parallel_loop3A_139 = tpu.scan <sum>, %parallel_loop3A_136 masked %parallel_loop3A_138 : vector<16xi32>, vector<16xi1> -> vector<16xi32>
            %parallel_loop3A_140 = vector.extract %parallel_loop3A_139[15] : i32 from vector<16xi32>
            %parallel_loop3A_141 = arith.addi %parallel_loop3A_98, %scan3A_123 : i32
            %parallel_loop3A_142 = arith.index_cast %parallel_loop3A_141 : i32 to index
            %parallel_loop3A_143 = arith.constant 0 : index
            %parallel_loop3A_144 = tpu.vector_load %arg8[%parallel_loop3A_142, %parallel_loop3A_143] {strides = array<i32>} : memref<256x128xf32, #tpu.memory_space<vmem>>, vector<16xf32>,
            %parallel_loop3A_145 = arith.index_cast %parallel_loop3A_140 : i32 to index
            %parallel_loop3A_146 = arith.constant 0 : index
            %parallel_loop3A_147 = tpu.vector_load %arg9[%parallel_loop3A_145, %parallel_loop3A_146] {strides = array<i32>} : memref<64x128xf32, #tpu.memory_space<vmem>>, vector<16xf32>,
            tpu.vector_store %arg9[%parallel_loop3A_145, %parallel_loop3A_146], %parallel_loop3A_144 {add = true, strides = array<i32>} : memref<64x128xf32, #tpu.memory_space<vmem>>, vector<16xf32>,
            %parallel_loop3A_148 = arith.mulf %parallel_loop3A_144, %parallel_loop3A_144 : vector<16xf32>
            %parallel_loop3A_149 = arith.addf %scan3A_124, %parallel_loop3A_148 : vector<16xf32>
            %parallel_loop3A_150 = arith.addi %parallel_loop3A_98, %scan3A_123 : i32
            %parallel_loop3A_151 = arith.index_cast %parallel_loop3A_150 : i32 to index
            %parallel_loop3A_152 = arith.constant 16 : index
            %parallel_loop3A_153 = tpu.vector_load %arg8[%parallel_loop3A_151, %parallel_loop3A_152] {strides = array<i32>} : memref<256x128xf32, #tpu.memory_space<vmem>>, vector<16xf32>,
            %parallel_loop3A_154 = arith.index_cast %parallel_loop3A_140 : i32 to index
            %parallel_loop3A_155 = arith.constant 16 : index
            %parallel_loop3A_156 = tpu.vector_load %arg9[%parallel_loop3A_154, %parallel_loop3A_155] {strides = array<i32>} : memref<64x128xf32, #tpu.memory_space<vmem>>, vector<16xf32>,
            tpu.vector_store %arg9[%parallel_loop3A_154, %parallel_loop3A_155], %parallel_loop3A_153 {add = true, strides = array<i32>} : memref<64x128xf32, #tpu.memory_space<vmem>>, vector<16xf32>,
            %parallel_loop3A_157 = arith.mulf %parallel_loop3A_153, %parallel_loop3A_153 : vector<16xf32>
            %parallel_loop3A_158 = arith.addf %scan3A_125, %parallel_loop3A_157 : vector<16xf32>
            %parallel_loop3A_159 = arith.addi %parallel_loop3A_98, %scan3A_123 : i32
            %parallel_loop3A_160 = arith.index_cast %parallel_loop3A_159 : i32 to index
            %parallel_loop3A_161 = arith.constant 32 : index
            %parallel_loop3A_162 = tpu.vector_load %arg8[%parallel_loop3A_160, %parallel_loop3A_161] {strides = array<i32>} : memref<256x128xf32, #tpu.memory_space<vmem>>, vector<16xf32>,
            %parallel_loop3A_163 = arith.index_cast %parallel_loop3A_140 : i32 to index
            %parallel_loop3A_164 = arith.constant 32 : index
            %parallel_loop3A_165 = tpu.vector_load %arg9[%parallel_loop3A_163, %parallel_loop3A_164] {strides = array<i32>} : memref<64x128xf32, #tpu.memory_space<vmem>>, vector<16xf32>,
            tpu.vector_store %arg9[%parallel_loop3A_163, %parallel_loop3A_164], %parallel_loop3A_162 {add = true, strides = array<i32>} : memref<64x128xf32, #tpu.memory_space<vmem>>, vector<16xf32>,
            %parallel_loop3A_166 = arith.mulf %parallel_loop3A_162, %parallel_loop3A_162 : vector<16xf32>
            %parallel_loop3A_167 = arith.addf %scan3A_126, %parallel_loop3A_166 : vector<16xf32>
            %parallel_loop3A_168 = arith.addi %parallel_loop3A_98, %scan3A_123 : i32
            %parallel_loop3A_169 = arith.index_cast %parallel_loop3A_168 : i32 to index
            %parallel_loop3A_170 = arith.constant 48 : index
            %parallel_loop3A_171 = tpu.vector_load %arg8[%parallel_loop3A_169, %parallel_loop3A_170] {strides = array<i32>} : memref<256x128xf32, #tpu.memory_space<vmem>>, vector<16xf32>,
            %parallel_loop3A_172 = arith.index_cast %parallel_loop3A_140 : i32 to index
            %parallel_loop3A_173 = arith.constant 48 : index
            %parallel_loop3A_174 = tpu.vector_load %arg9[%parallel_loop3A_172, %parallel_loop3A_173] {strides = array<i32>} : memref<64x128xf32, #tpu.memory_space<vmem>>, vector<16xf32>,
            tpu.vector_store %arg9[%parallel_loop3A_172, %parallel_loop3A_173], %parallel_loop3A_171 {add = true, strides = array<i32>} : memref<64x128xf32, #tpu.memory_space<vmem>>, vector<16xf32>,
            %parallel_loop3A_175 = arith.mulf %parallel_loop3A_171, %parallel_loop3A_171 : vector<16xf32>
            %parallel_loop3A_176 = arith.addf %scan3A_127, %parallel_loop3A_175 : vector<16xf32>
            %parallel_loop3A_177 = arith.addi %parallel_loop3A_98, %scan3A_123 : i32
            %parallel_loop3A_178 = arith.index_cast %parallel_loop3A_177 : i32 to index
            %parallel_loop3A_179 = arith.constant 64 : index
            %parallel_loop3A_180 = tpu.vector_load %arg8[%parallel_loop3A_178, %parallel_loop3A_179] {strides = array<i32>} : memref<256x128xf32, #tpu.memory_space<vmem>>, vector<16xf32>,
            %parallel_loop3A_181 = arith.index_cast %parallel_loop3A_140 : i32 to index
            %parallel_loop3A_182 = arith.constant 64 : index
            %parallel_loop3A_183 = tpu.vector_load %arg9[%parallel_loop3A_181, %parallel_loop3A_182] {strides = array<i32>} : memref<64x128xf32, #tpu.memory_space<vmem>>, vector<16xf32>,
            tpu.vector_store %arg9[%parallel_loop3A_181, %parallel_loop3A_182], %parallel_loop3A_180 {add = true, strides = array<i32>} : memref<64x128xf32, #tpu.memory_space<vmem>>, vector<16xf32>,
            %parallel_loop3A_184 = arith.mulf %parallel_loop3A_180, %parallel_loop3A_180 : vector<16xf32>
            %parallel_loop3A_185 = arith.addf %scan3A_128, %parallel_loop3A_184 : vector<16xf32>
            %parallel_loop3A_186 = arith.addi %parallel_loop3A_98, %scan3A_123 : i32
            %parallel_loop3A_187 = arith.index_cast %parallel_loop3A_186 : i32 to index
            %parallel_loop3A_188 = arith.constant 80 : index
            %parallel_loop3A_189 = tpu.vector_load %arg8[%parallel_loop3A_187, %parallel_loop3A_188] {strides = array<i32>} : memref<256x128xf32, #tpu.memory_space<vmem>>, vector<16xf32>,
            %parallel_loop3A_190 = arith.index_cast %parallel_loop3A_140 : i32 to index
            %parallel_loop3A_191 = arith.constant 80 : index
            %parallel_loop3A_192 = tpu.vector_load %arg9[%parallel_loop3A_190, %parallel_loop3A_191] {strides = array<i32>} : memref<64x128xf32, #tpu.memory_space<vmem>>, vector<16xf32>,
            tpu.vector_store %arg9[%parallel_loop3A_190, %parallel_loop3A_191], %parallel_loop3A_189 {add = true, strides = array<i32>} : memref<64x128xf32, #tpu.memory_space<vmem>>, vector<16xf32>,
            %parallel_loop3A_193 = arith.mulf %parallel_loop3A_189, %parallel_loop3A_189 : vector<16xf32>
            %parallel_loop3A_194 = arith.addf %scan3A_129, %parallel_loop3A_193 : vector<16xf32>
            %parallel_loop3A_195 = arith.addi %parallel_loop3A_98, %scan3A_123 : i32
            %parallel_loop3A_196 = arith.index_cast %parallel_loop3A_195 : i32 to index
            %parallel_loop3A_197 = arith.constant 96 : index
            %parallel_loop3A_198 = tpu.vector_load %arg8[%parallel_loop3A_196, %parallel_loop3A_197] {strides = array<i32>} : memref<256x128xf32, #tpu.memory_space<vmem>>, vector<16xf32>,
            %parallel_loop3A_199 = arith.index_cast %parallel_loop3A_140 : i32 to index
            %parallel_loop3A_200 = arith.constant 96 : index
            %parallel_loop3A_201 = tpu.vector_load %arg9[%parallel_loop3A_199, %parallel_loop3A_200] {strides = array<i32>} : memref<64x128xf32, #tpu.memory_space<vmem>>, vector<16xf32>,
            tpu.vector_store %arg9[%parallel_loop3A_199, %parallel_loop3A_200], %parallel_loop3A_198 {add = true, strides = array<i32>} : memref<64x128xf32, #tpu.memory_space<vmem>>, vector<16xf32>,
            %parallel_loop3A_202 = arith.mulf %parallel_loop3A_198, %parallel_loop3A_198 : vector<16xf32>
            %parallel_loop3A_203 = arith.addf %scan3A_130, %parallel_loop3A_202 : vector<16xf32>
            %parallel_loop3A_204 = arith.addi %parallel_loop3A_98, %scan3A_123 : i32
            %parallel_loop3A_205 = arith.index_cast %parallel_loop3A_204 : i32 to index
            %parallel_loop3A_206 = arith.constant 112 : index
            %parallel_loop3A_207 = tpu.vector_load %arg8[%parallel_loop3A_205, %parallel_loop3A_206] {strides = array<i32>} : memref<256x128xf32, #tpu.memory_space<vmem>>, vector<16xf32>,
            %parallel_loop3A_208 = arith.index_cast %parallel_loop3A_140 : i32 to index
            %parallel_loop3A_209 = arith.constant 112 : index
            %parallel_loop3A_210 = tpu.vector_load %arg9[%parallel_loop3A_208, %parallel_loop3A_209] {strides = array<i32>} : memref<64x128xf32, #tpu.memory_space<vmem>>, vector<16xf32>,
            tpu.vector_store %arg9[%parallel_loop3A_208, %parallel_loop3A_209], %parallel_loop3A_207 {add = true, strides = array<i32>} : memref<64x128xf32, #tpu.memory_space<vmem>>, vector<16xf32>,
            %parallel_loop3A_211 = arith.mulf %parallel_loop3A_207, %parallel_loop3A_207 : vector<16xf32>
            %parallel_loop3A_212 = arith.addf %scan3A_131, %parallel_loop3A_211 : vector<16xf32>
            %parallel_loop3A_213 = arith.index_cast %parallel_loop3A_140 : i32 to index
            %parallel_loop3A_214 = arith.constant 0 : index
            %parallel_loop3A_215 = tpu.vector_load %arg10[%parallel_loop3A_213, %parallel_loop3A_214] {strides = array<i32>} : memref<64x16xf32, #tpu.memory_space<vmem>>, vector<16xf32>,
            tpu.vector_store %arg10[%parallel_loop3A_213, %parallel_loop3A_214], %parallel_loop3A_116 {add = true, strides = array<i32>} : memref<64x16xf32, #tpu.memory_space<vmem>>, vector<16xf32>,
            scf.yield %parallel_loop3A_149, %parallel_loop3A_158, %parallel_loop3A_167, %parallel_loop3A_176, %parallel_loop3A_185, %parallel_loop3A_194, %parallel_loop3A_203, %parallel_loop3A_212 : vector<16xf32>, vector<16xf32>, vector<16xf32>, vector<16xf32>, vector<16xf32>, vector<16xf32>, vector<16xf32>, vector<16xf32>
          }
          %parallel_loop3A_122 = arith.constant 16 : i32
          scf.yield %parallel_loop3A_121#0, %parallel_loop3A_121#1, %parallel_loop3A_121#2, %parallel_loop3A_121#3, %parallel_loop3A_121#4, %parallel_loop3A_121#5, %parallel_loop3A_121#6, %parallel_loop3A_121#7 : vector<16xf32>, vector<16xf32>, vector<16xf32>, vector<16xf32>, vector<16xf32>, vector<16xf32>, vector<16xf32>, vector<16xf32>
        }
        scf.yield %parallel_loop3A_114#0, %parallel_loop3A_114#1, %parallel_loop3A_114#2, %parallel_loop3A_114#3, %parallel_loop3A_114#4, %parallel_loop3A_114#5, %parallel_loop3A_114#6, %parallel_loop3A_114#7 : vector<16xf32>, vector<16xf32>, vector<16xf32>, vector<16xf32>, vector<16xf32>, vector<16xf32>, vector<16xf32>, vector<16xf32>
      } {sc.loop_unroll_factor = 1 : i64, sc.parallel_access}
      %eq3A_69 = arith.constant 0 : i32
      %eq3A_70 = arith.cmpi eq, %rem3A_56, %eq3A_69 : i32
      %add3A_71 = arith.constant 2 : i32
      %add3A_72 = arith.addi %scan3A_47, %add3A_71 : i32
      %lt3A = arith.constant 8 : i32
      %lt3A_73 = arith.cmpi slt, %add3A_72, %lt3A : i32
      %and3A = arith.andi %eq3A_70, %lt3A_73 : i1
      %convert_element_type3A_74 = arith.extui %and3A : i1 to i32
      %cond3A_75 = arith.constant 0 : i32
      %cond3A_76 = arith.cmpi ne, %convert_element_type3A_74, %cond3A_75 : i32
      scf.if %cond3A_76 {
        %add3A_87 = arith.constant 2 : i32
        %add3A_88 = arith.addi %scan3A_47, %add3A_87 : i32
        %mul3A_89 = arith.constant 128 : i32
        %mul3A_90 = arith.muli %add3A_88, %mul3A_89 : i32
        %add3A_91 = arith.addi %mul3A_2, %mul3A_90 : i32
        %dma_start3A_92 = arith.constant 0 : i32
        %dma_start3A_93 = arith.constant 0 : i32
        %dma_start3A_94 = tpu.memref_slice %arg8[%dma_start3A_92, %dma_start3A_93] : memref<256x128xf32, #tpu.memory_space<vmem>> -> memref<128x128xf32, #tpu.memory_space<vmem>>
        %dma_start3A_95 = arith.constant 0 : i32
        %dma_start3A_96 = tpu.memref_slice %arg2[%add3A_91, %dma_start3A_95] : memref<32768x128xf32, #tpu.memory_space<hbm>> -> memref<128x128xf32, #tpu.memory_space<hbm>>
        %dma_start3A_97 = arith.constant 0 : i32
        %dma_start3A_98 = arith.constant 0 : i32
        %dma_start3A_99 = tpu.memref_slice %arg8[%dma_start3A_97, %dma_start3A_98] : memref<256x128xf32, #tpu.memory_space<vmem>> -> memref<128x128xf32, #tpu.memory_space<vmem>>
        %dma_start3A_100 = arith.constant 0 : i32
        %dma_start3A_101 = tpu.memref_slice %arg2[%add3A_91, %dma_start3A_100] : memref<32768x128xf32, #tpu.memory_space<hbm>> -> memref<128x128xf32, #tpu.memory_space<hbm>>
        tpu.enqueue_dma source(%dma_start3A_101 : memref<128x128xf32, #tpu.memory_space<hbm>>) target(%dma_start3A_99 : memref<128x128xf32, #tpu.memory_space<vmem>>) target_semaphore(%arg12 : memref<!tpu.dma_semaphore, #tpu.memory_space<semaphore_mem>>)
      } else {
      }
      %eq3A_77 = arith.constant 1 : i32
      %eq3A_78 = arith.cmpi eq, %rem3A_56, %eq3A_77 : i32
      %add3A_79 = arith.constant 2 : i32
      %add3A_80 = arith.addi %scan3A_47, %add3A_79 : i32
      %lt3A_81 = arith.constant 8 : i32
      %lt3A_82 = arith.cmpi slt, %add3A_80, %lt3A_81 : i32
      %and3A_83 = arith.andi %eq3A_78, %lt3A_82 : i1
      %convert_element_type3A_84 = arith.extui %and3A_83 : i1 to i32
      %cond3A_85 = arith.constant 0 : i32
      %cond3A_86 = arith.cmpi ne, %convert_element_type3A_84, %cond3A_85 : i32
      scf.if %cond3A_86 {
        %add3A_87 = arith.constant 2 : i32
        %add3A_88 = arith.addi %scan3A_47, %add3A_87 : i32
        %mul3A_89 = arith.constant 128 : i32
        %mul3A_90 = arith.muli %add3A_88, %mul3A_89 : i32
        %add3A_91 = arith.addi %mul3A_2, %mul3A_90 : i32
        %dma_start3A_92 = arith.constant 128 : i32
        %dma_start3A_93 = arith.constant 0 : i32
        %dma_start3A_94 = tpu.memref_slice %arg8[%dma_start3A_92, %dma_start3A_93] : memref<256x128xf32, #tpu.memory_space<vmem>> -> memref<128x128xf32, #tpu.memory_space<vmem>>
        %dma_start3A_95 = arith.constant 0 : i32
        %dma_start3A_96 = tpu.memref_slice %arg2[%add3A_91, %dma_start3A_95] : memref<32768x128xf32, #tpu.memory_space<hbm>> -> memref<128x128xf32, #tpu.memory_space<hbm>>
        %dma_start3A_97 = arith.constant 128 : i32
        %dma_start3A_98 = arith.constant 0 : i32
        %dma_start3A_99 = tpu.memref_slice %arg8[%dma_start3A_97, %dma_start3A_98] : memref<256x128xf32, #tpu.memory_space<vmem>> -> memref<128x128xf32, #tpu.memory_space<vmem>>
        %dma_start3A_100 = arith.constant 0 : i32
        %dma_start3A_101 = tpu.memref_slice %arg2[%add3A_91, %dma_start3A_100] : memref<32768x128xf32, #tpu.memory_space<hbm>> -> memref<128x128xf32, #tpu.memory_space<hbm>>
        tpu.enqueue_dma source(%dma_start3A_101 : memref<128x128xf32, #tpu.memory_space<hbm>>) target(%dma_start3A_99 : memref<128x128xf32, #tpu.memory_space<vmem>>) target_semaphore(%arg13 : memref<!tpu.dma_semaphore, #tpu.memory_space<semaphore_mem>>)
      } else {
      }
      scf.yield %parallel_loop3A_68#0, %parallel_loop3A_68#1, %parallel_loop3A_68#2, %parallel_loop3A_68#3, %parallel_loop3A_68#4, %parallel_loop3A_68#5, %parallel_loop3A_68#6, %parallel_loop3A_68#7 : vector<16xf32>, vector<16xf32>, vector<16xf32>, vector<16xf32>, vector<16xf32>, vector<16xf32>, vector<16xf32>, vector<16xf32>
    }
    %scan3A_38 = arith.constant 8 : i32
    %add3A_39 = arith.addf %scan3A_37#0, %scan3A_37#1 : vector<16xf32>
    %add3A_40 = arith.addf %scan3A_37#2, %scan3A_37#3 : vector<16xf32>
    %add3A_41 = arith.addf %scan3A_37#4, %scan3A_37#5 : vector<16xf32>
    %add3A_42 = arith.addf %scan3A_37#6, %scan3A_37#7 : vector<16xf32>
    %add3A_43 = arith.addf %add3A_39, %add3A_40 : vector<16xf32>
    %add3A_44 = arith.addf %add3A_41, %add3A_42 : vector<16xf32>
    %add3A_45 = arith.addf %add3A_43, %add3A_44 : vector<16xf32>
    %swap3A = arith.constant 0 : index
    %swap3A_46 = tpu.vector_load %arg11[%swap3A] {strides = array<i32>} : memref<16xf32, #tpu.memory_space<vmem>>, vector<16xf32>,
    tpu.vector_store %arg11[%swap3A], %add3A_45 {strides = array<i32>} : memref<16xf32, #tpu.memory_space<vmem>>, vector<16xf32>,
    "tpu.region"() ({
      %run_scoped3A = tpu.sem_alloc : memref<!tpu.dma_semaphore, #tpu.memory_space<semaphore_mem>>
      %dma_start3A_47 = arith.constant 0 : i32
      %dma_start3A_48 = arith.constant 0 : i32
      %dma_start3A_49 = tpu.memref_slice %arg4[%add3A, %dma_start3A_47, %dma_start3A_48] : memref<32x64x128xf32, #tpu.memory_space<hbm>> -> memref<1x64x128xf32, #tpu.memory_space<hbm>>
      %dma_start3A_50 = tpu.memref_squeeze %dma_start3A_49 : memref<1x64x128xf32, #tpu.memory_space<hbm>> -> memref<64x128xf32, #tpu.memory_space<hbm>>
      %dma_start3A_51 = arith.constant 0 : i32
      %dma_start3A_52 = arith.constant 0 : i32
      %dma_start3A_53 = tpu.memref_slice %arg4[%add3A, %dma_start3A_51, %dma_start3A_52] : memref<32x64x128xf32, #tpu.memory_space<hbm>> -> memref<1x64x128xf32, #tpu.memory_space<hbm>>
      %dma_start3A_54 = tpu.memref_squeeze %dma_start3A_53 : memref<1x64x128xf32, #tpu.memory_space<hbm>> -> memref<64x128xf32, #tpu.memory_space<hbm>>
      tpu.enqueue_dma source(%arg9 : memref<64x128xf32, #tpu.memory_space<vmem>>) target(%dma_start3A_54 : memref<64x128xf32, #tpu.memory_space<hbm>>) target_semaphore(%run_scoped3A : memref<!tpu.dma_semaphore, #tpu.memory_space<semaphore_mem>>)
      %dma_wait3A = arith.constant 0 : i32
      %dma_wait3A_55 = arith.constant 0 : i32
      %dma_wait3A_56 = tpu.memref_slice %arg4[%add3A, %dma_wait3A, %dma_wait3A_55] : memref<32x64x128xf32, #tpu.memory_space<hbm>> -> memref<1x64x128xf32, #tpu.memory_space<hbm>>
      %dma_wait3A_57 = tpu.memref_squeeze %dma_wait3A_56 : memref<1x64x128xf32, #tpu.memory_space<hbm>> -> memref<64x128xf32, #tpu.memory_space<hbm>>
      %dma_wait3A_58 = arith.constant 0 : i32
      %dma_wait3A_59 = arith.constant 0 : i32
      %dma_wait3A_60 = tpu.memref_slice %arg4[%add3A, %dma_wait3A_58, %dma_wait3A_59] : memref<32x64x128xf32, #tpu.memory_space<hbm>> -> memref<1x64x128xf32, #tpu.memory_space<hbm>>
      %dma_wait3A_61 = tpu.memref_squeeze %dma_wait3A_60 : memref<1x64x128xf32, #tpu.memory_space<hbm>> -> memref<64x128xf32, #tpu.memory_space<hbm>>
      tpu.wait_dma2 semaphore(%run_scoped3A : memref<!tpu.dma_semaphore, #tpu.memory_space<semaphore_mem>>) src(%arg9 : memref<64x128xf32, #tpu.memory_space<vmem>>) dst(%dma_wait3A_61 : memref<64x128xf32, #tpu.memory_space<hbm>>)
      tpu.yield
    }) : () -> ()
    "tpu.region"() ({
      %run_scoped3A = tpu.sem_alloc : memref<!tpu.dma_semaphore, #tpu.memory_space<semaphore_mem>>
      %dma_start3A_47 = arith.constant 0 : i32
      %dma_start3A_48 = tpu.memref_slice %arg5[%add3A, %dma_start3A_47] : memref<32x16xf32, #tpu.memory_space<hbm>> -> memref<1x16xf32, #tpu.memory_space<hbm>>
      %dma_start3A_49 = tpu.memref_squeeze %dma_start3A_48 : memref<1x16xf32, #tpu.memory_space<hbm>> -> memref<16xf32, #tpu.memory_space<hbm>>
      %dma_start3A_50 = arith.constant 0 : i32
      %dma_start3A_51 = tpu.memref_slice %arg5[%add3A, %dma_start3A_50] : memref<32x16xf32, #tpu.memory_space<hbm>> -> memref<1x16xf32, #tpu.memory_space<hbm>>
      %dma_start3A_52 = tpu.memref_squeeze %dma_start3A_51 : memref<1x16xf32, #tpu.memory_space<hbm>> -> memref<16xf32, #tpu.memory_space<hbm>>
      tpu.enqueue_dma source(%arg11 : memref<16xf32, #tpu.memory_space<vmem>>) target(%dma_start3A_52 : memref<16xf32, #tpu.memory_space<hbm>>) target_semaphore(%run_scoped3A : memref<!tpu.dma_semaphore, #tpu.memory_space<semaphore_mem>>)
      %dma_wait3A = arith.constant 0 : i32
      %dma_wait3A_53 = tpu.memref_slice %arg5[%add3A, %dma_wait3A] : memref<32x16xf32, #tpu.memory_space<hbm>> -> memref<1x16xf32, #tpu.memory_space<hbm>>
      %dma_wait3A_54 = tpu.memref_squeeze %dma_wait3A_53 : memref<1x16xf32, #tpu.memory_space<hbm>> -> memref<16xf32, #tpu.memory_space<hbm>>
      %dma_wait3A_55 = arith.constant 0 : i32
      %dma_wait3A_56 = tpu.memref_slice %arg5[%add3A, %dma_wait3A_55] : memref<32x16xf32, #tpu.memory_space<hbm>> -> memref<1x16xf32, #tpu.memory_space<hbm>>
      %dma_wait3A_57 = tpu.memref_squeeze %dma_wait3A_56 : memref<1x16xf32, #tpu.memory_space<hbm>> -> memref<16xf32, #tpu.memory_space<hbm>>
      tpu.wait_dma2 semaphore(%run_scoped3A : memref<!tpu.dma_semaphore, #tpu.memory_space<semaphore_mem>>) src(%arg11 : memref<16xf32, #tpu.memory_space<vmem>>) dst(%dma_wait3A_57 : memref<16xf32, #tpu.memory_space<hbm>>)
      tpu.yield
    }) : () -> ()
    "tpu.region"() ({
      %run_scoped3A = tpu.sem_alloc : memref<!tpu.dma_semaphore, #tpu.memory_space<semaphore_mem>>
      %dma_start3A_47 = arith.constant 0 : i32
      %dma_start3A_48 = arith.constant 0 : i32
      %dma_start3A_49 = tpu.memref_slice %arg6[%add3A, %dma_start3A_47, %dma_start3A_48] : memref<32x64x16xf32, #tpu.memory_space<hbm>> -> memref<1x64x16xf32, #tpu.memory_space<hbm>>
      %dma_start3A_50 = tpu.memref_squeeze %dma_start3A_49 : memref<1x64x16xf32, #tpu.memory_space<hbm>> -> memref<64x16xf32, #tpu.memory_space<hbm>>
      %dma_start3A_51 = arith.constant 0 : i32
      %dma_start3A_52 = arith.constant 0 : i32
      %dma_start3A_53 = tpu.memref_slice %arg6[%add3A, %dma_start3A_51, %dma_start3A_52] : memref<32x64x16xf32, #tpu.memory_space<hbm>> -> memref<1x64x16xf32, #tpu.memory_space<hbm>>
      %dma_start3A_54 = tpu.memref_squeeze %dma_start3A_53 : memref<1x64x16xf32, #tpu.memory_space<hbm>> -> memref<64x16xf32, #tpu.memory_space<hbm>>
      tpu.enqueue_dma source(%arg10 : memref<64x16xf32, #tpu.memory_space<vmem>>) target(%dma_start3A_54 : memref<64x16xf32, #tpu.memory_space<hbm>>) target_semaphore(%run_scoped3A : memref<!tpu.dma_semaphore, #tpu.memory_space<semaphore_mem>>)
      %dma_wait3A = arith.constant 0 : i32
      %dma_wait3A_55 = arith.constant 0 : i32
      %dma_wait3A_56 = tpu.memref_slice %arg6[%add3A, %dma_wait3A, %dma_wait3A_55] : memref<32x64x16xf32, #tpu.memory_space<hbm>> -> memref<1x64x16xf32, #tpu.memory_space<hbm>>
      %dma_wait3A_57 = tpu.memref_squeeze %dma_wait3A_56 : memref<1x64x16xf32, #tpu.memory_space<hbm>> -> memref<64x16xf32, #tpu.memory_space<hbm>>
      %dma_wait3A_58 = arith.constant 0 : i32
      %dma_wait3A_59 = arith.constant 0 : i32
      %dma_wait3A_60 = tpu.memref_slice %arg6[%add3A, %dma_wait3A_58, %dma_wait3A_59] : memref<32x64x16xf32, #tpu.memory_space<hbm>> -> memref<1x64x16xf32, #tpu.memory_space<hbm>>
      %dma_wait3A_61 = tpu.memref_squeeze %dma_wait3A_60 : memref<1x64x16xf32, #tpu.memory_space<hbm>> -> memref<64x16xf32, #tpu.memory_space<hbm>>
      tpu.wait_dma2 semaphore(%run_scoped3A : memref<!tpu.dma_semaphore, #tpu.memory_space<semaphore_mem>>) src(%arg10 : memref<64x16xf32, #tpu.memory_space<vmem>>) dst(%dma_wait3A_61 : memref<64x16xf32, #tpu.memory_space<hbm>>)
      tpu.yield
    }) : () -> ()
    return
  }
}

module attributes {stable_mosaic.version = 14 : i64} {
  func.func @_epi_body(%arg0: memref<32x64x128xf32, #tpu.memory_space<vmem>>, %arg1: memref<32x16xf32, #tpu.memory_space<vmem>>, %arg2: memref<32x64x16xf32, #tpu.memory_space<vmem>>, %arg3: memref<1x1xf32, #tpu.memory_space<vmem>>) attributes {dimension_semantics = [], scalar_prefetch = 0 : i64, scratch_operands = 0 : i64, tpu.core_type = #tpu.core_type<tc>} {
    %get3A = arith.constant 0 : index
    %get3A_0 = arith.constant 0 : index
    %get3A_1 = arith.constant 0 : index
    %get3A_2 = vector.load %arg0[%get3A, %get3A_0, %get3A_1] : memref<32x64x128xf32, #tpu.memory_space<vmem>>, vector<1x64x128xf32>
    %get3A_3 = vector.shape_cast %get3A_2 : vector<1x64x128xf32> to vector<64x128xf32>
    %get3A_4 = arith.constant 0 : index
    %get3A_5 = arith.constant 0 : index
    %get3A_6 = arith.constant 0 : index
    %get3A_7 = vector.load %arg2[%get3A_4, %get3A_5, %get3A_6] : memref<32x64x16xf32, #tpu.memory_space<vmem>>, vector<1x64x16xf32>
    %get3A_8 = vector.shape_cast %get3A_7 : vector<1x64x16xf32> to vector<64x16xf32>
    %get3A_9 = arith.constant 1 : index
    %get3A_10 = arith.constant 0 : index
    %get3A_11 = arith.constant 0 : index
    %get3A_12 = vector.load %arg0[%get3A_9, %get3A_10, %get3A_11] : memref<32x64x128xf32, #tpu.memory_space<vmem>>, vector<1x64x128xf32>
    %get3A_13 = vector.shape_cast %get3A_12 : vector<1x64x128xf32> to vector<64x128xf32>
    %add3A = arith.addf %get3A_3, %get3A_13 : vector<64x128xf32>
    %get3A_14 = arith.constant 1 : index
    %get3A_15 = arith.constant 0 : index
    %get3A_16 = arith.constant 0 : index
    %get3A_17 = vector.load %arg2[%get3A_14, %get3A_15, %get3A_16] : memref<32x64x16xf32, #tpu.memory_space<vmem>>, vector<1x64x16xf32>
    %get3A_18 = vector.shape_cast %get3A_17 : vector<1x64x16xf32> to vector<64x16xf32>
    %add3A_19 = arith.addf %get3A_8, %get3A_18 : vector<64x16xf32>
    %get3A_20 = arith.constant 2 : index
    %get3A_21 = arith.constant 0 : index
    %get3A_22 = arith.constant 0 : index
    %get3A_23 = vector.load %arg0[%get3A_20, %get3A_21, %get3A_22] : memref<32x64x128xf32, #tpu.memory_space<vmem>>, vector<1x64x128xf32>
    %get3A_24 = vector.shape_cast %get3A_23 : vector<1x64x128xf32> to vector<64x128xf32>
    %add3A_25 = arith.addf %add3A, %get3A_24 : vector<64x128xf32>
    %get3A_26 = arith.constant 2 : index
    %get3A_27 = arith.constant 0 : index
    %get3A_28 = arith.constant 0 : index
    %get3A_29 = vector.load %arg2[%get3A_26, %get3A_27, %get3A_28] : memref<32x64x16xf32, #tpu.memory_space<vmem>>, vector<1x64x16xf32>
    %get3A_30 = vector.shape_cast %get3A_29 : vector<1x64x16xf32> to vector<64x16xf32>
    %add3A_31 = arith.addf %add3A_19, %get3A_30 : vector<64x16xf32>
    %get3A_32 = arith.constant 3 : index
    %get3A_33 = arith.constant 0 : index
    %get3A_34 = arith.constant 0 : index
    %get3A_35 = vector.load %arg0[%get3A_32, %get3A_33, %get3A_34] : memref<32x64x128xf32, #tpu.memory_space<vmem>>, vector<1x64x128xf32>
    %get3A_36 = vector.shape_cast %get3A_35 : vector<1x64x128xf32> to vector<64x128xf32>
    %add3A_37 = arith.addf %add3A_25, %get3A_36 : vector<64x128xf32>
    %get3A_38 = arith.constant 3 : index
    %get3A_39 = arith.constant 0 : index
    %get3A_40 = arith.constant 0 : index
    %get3A_41 = vector.load %arg2[%get3A_38, %get3A_39, %get3A_40] : memref<32x64x16xf32, #tpu.memory_space<vmem>>, vector<1x64x16xf32>
    %get3A_42 = vector.shape_cast %get3A_41 : vector<1x64x16xf32> to vector<64x16xf32>
    %add3A_43 = arith.addf %add3A_31, %get3A_42 : vector<64x16xf32>
    %get3A_44 = arith.constant 4 : index
    %get3A_45 = arith.constant 0 : index
    %get3A_46 = arith.constant 0 : index
    %get3A_47 = vector.load %arg0[%get3A_44, %get3A_45, %get3A_46] : memref<32x64x128xf32, #tpu.memory_space<vmem>>, vector<1x64x128xf32>
    %get3A_48 = vector.shape_cast %get3A_47 : vector<1x64x128xf32> to vector<64x128xf32>
    %add3A_49 = arith.addf %add3A_37, %get3A_48 : vector<64x128xf32>
    %get3A_50 = arith.constant 4 : index
    %get3A_51 = arith.constant 0 : index
    %get3A_52 = arith.constant 0 : index
    %get3A_53 = vector.load %arg2[%get3A_50, %get3A_51, %get3A_52] : memref<32x64x16xf32, #tpu.memory_space<vmem>>, vector<1x64x16xf32>
    %get3A_54 = vector.shape_cast %get3A_53 : vector<1x64x16xf32> to vector<64x16xf32>
    %add3A_55 = arith.addf %add3A_43, %get3A_54 : vector<64x16xf32>
    %get3A_56 = arith.constant 5 : index
    %get3A_57 = arith.constant 0 : index
    %get3A_58 = arith.constant 0 : index
    %get3A_59 = vector.load %arg0[%get3A_56, %get3A_57, %get3A_58] : memref<32x64x128xf32, #tpu.memory_space<vmem>>, vector<1x64x128xf32>
    %get3A_60 = vector.shape_cast %get3A_59 : vector<1x64x128xf32> to vector<64x128xf32>
    %add3A_61 = arith.addf %add3A_49, %get3A_60 : vector<64x128xf32>
    %get3A_62 = arith.constant 5 : index
    %get3A_63 = arith.constant 0 : index
    %get3A_64 = arith.constant 0 : index
    %get3A_65 = vector.load %arg2[%get3A_62, %get3A_63, %get3A_64] : memref<32x64x16xf32, #tpu.memory_space<vmem>>, vector<1x64x16xf32>
    %get3A_66 = vector.shape_cast %get3A_65 : vector<1x64x16xf32> to vector<64x16xf32>
    %add3A_67 = arith.addf %add3A_55, %get3A_66 : vector<64x16xf32>
    %get3A_68 = arith.constant 6 : index
    %get3A_69 = arith.constant 0 : index
    %get3A_70 = arith.constant 0 : index
    %get3A_71 = vector.load %arg0[%get3A_68, %get3A_69, %get3A_70] : memref<32x64x128xf32, #tpu.memory_space<vmem>>, vector<1x64x128xf32>
    %get3A_72 = vector.shape_cast %get3A_71 : vector<1x64x128xf32> to vector<64x128xf32>
    %add3A_73 = arith.addf %add3A_61, %get3A_72 : vector<64x128xf32>
    %get3A_74 = arith.constant 6 : index
    %get3A_75 = arith.constant 0 : index
    %get3A_76 = arith.constant 0 : index
    %get3A_77 = vector.load %arg2[%get3A_74, %get3A_75, %get3A_76] : memref<32x64x16xf32, #tpu.memory_space<vmem>>, vector<1x64x16xf32>
    %get3A_78 = vector.shape_cast %get3A_77 : vector<1x64x16xf32> to vector<64x16xf32>
    %add3A_79 = arith.addf %add3A_67, %get3A_78 : vector<64x16xf32>
    %get3A_80 = arith.constant 7 : index
    %get3A_81 = arith.constant 0 : index
    %get3A_82 = arith.constant 0 : index
    %get3A_83 = vector.load %arg0[%get3A_80, %get3A_81, %get3A_82] : memref<32x64x128xf32, #tpu.memory_space<vmem>>, vector<1x64x128xf32>
    %get3A_84 = vector.shape_cast %get3A_83 : vector<1x64x128xf32> to vector<64x128xf32>
    %add3A_85 = arith.addf %add3A_73, %get3A_84 : vector<64x128xf32>
    %get3A_86 = arith.constant 7 : index
    %get3A_87 = arith.constant 0 : index
    %get3A_88 = arith.constant 0 : index
    %get3A_89 = vector.load %arg2[%get3A_86, %get3A_87, %get3A_88] : memref<32x64x16xf32, #tpu.memory_space<vmem>>, vector<1x64x16xf32>
    %get3A_90 = vector.shape_cast %get3A_89 : vector<1x64x16xf32> to vector<64x16xf32>
    %add3A_91 = arith.addf %add3A_79, %get3A_90 : vector<64x16xf32>
    %get3A_92 = arith.constant 8 : index
    %get3A_93 = arith.constant 0 : index
    %get3A_94 = arith.constant 0 : index
    %get3A_95 = vector.load %arg0[%get3A_92, %get3A_93, %get3A_94] : memref<32x64x128xf32, #tpu.memory_space<vmem>>, vector<1x64x128xf32>
    %get3A_96 = vector.shape_cast %get3A_95 : vector<1x64x128xf32> to vector<64x128xf32>
    %add3A_97 = arith.addf %add3A_85, %get3A_96 : vector<64x128xf32>
    %get3A_98 = arith.constant 8 : index
    %get3A_99 = arith.constant 0 : index
    %get3A_100 = arith.constant 0 : index
    %get3A_101 = vector.load %arg2[%get3A_98, %get3A_99, %get3A_100] : memref<32x64x16xf32, #tpu.memory_space<vmem>>, vector<1x64x16xf32>
    %get3A_102 = vector.shape_cast %get3A_101 : vector<1x64x16xf32> to vector<64x16xf32>
    %add3A_103 = arith.addf %add3A_91, %get3A_102 : vector<64x16xf32>
    %get3A_104 = arith.constant 9 : index
    %get3A_105 = arith.constant 0 : index
    %get3A_106 = arith.constant 0 : index
    %get3A_107 = vector.load %arg0[%get3A_104, %get3A_105, %get3A_106] : memref<32x64x128xf32, #tpu.memory_space<vmem>>, vector<1x64x128xf32>
    %get3A_108 = vector.shape_cast %get3A_107 : vector<1x64x128xf32> to vector<64x128xf32>
    %add3A_109 = arith.addf %add3A_97, %get3A_108 : vector<64x128xf32>
    %get3A_110 = arith.constant 9 : index
    %get3A_111 = arith.constant 0 : index
    %get3A_112 = arith.constant 0 : index
    %get3A_113 = vector.load %arg2[%get3A_110, %get3A_111, %get3A_112] : memref<32x64x16xf32, #tpu.memory_space<vmem>>, vector<1x64x16xf32>
    %get3A_114 = vector.shape_cast %get3A_113 : vector<1x64x16xf32> to vector<64x16xf32>
    %add3A_115 = arith.addf %add3A_103, %get3A_114 : vector<64x16xf32>
    %get3A_116 = arith.constant 10 : index
    %get3A_117 = arith.constant 0 : index
    %get3A_118 = arith.constant 0 : index
    %get3A_119 = vector.load %arg0[%get3A_116, %get3A_117, %get3A_118] : memref<32x64x128xf32, #tpu.memory_space<vmem>>, vector<1x64x128xf32>
    %get3A_120 = vector.shape_cast %get3A_119 : vector<1x64x128xf32> to vector<64x128xf32>
    %add3A_121 = arith.addf %add3A_109, %get3A_120 : vector<64x128xf32>
    %get3A_122 = arith.constant 10 : index
    %get3A_123 = arith.constant 0 : index
    %get3A_124 = arith.constant 0 : index
    %get3A_125 = vector.load %arg2[%get3A_122, %get3A_123, %get3A_124] : memref<32x64x16xf32, #tpu.memory_space<vmem>>, vector<1x64x16xf32>
    %get3A_126 = vector.shape_cast %get3A_125 : vector<1x64x16xf32> to vector<64x16xf32>
    %add3A_127 = arith.addf %add3A_115, %get3A_126 : vector<64x16xf32>
    %get3A_128 = arith.constant 11 : index
    %get3A_129 = arith.constant 0 : index
    %get3A_130 = arith.constant 0 : index
    %get3A_131 = vector.load %arg0[%get3A_128, %get3A_129, %get3A_130] : memref<32x64x128xf32, #tpu.memory_space<vmem>>, vector<1x64x128xf32>
    %get3A_132 = vector.shape_cast %get3A_131 : vector<1x64x128xf32> to vector<64x128xf32>
    %add3A_133 = arith.addf %add3A_121, %get3A_132 : vector<64x128xf32>
    %get3A_134 = arith.constant 11 : index
    %get3A_135 = arith.constant 0 : index
    %get3A_136 = arith.constant 0 : index
    %get3A_137 = vector.load %arg2[%get3A_134, %get3A_135, %get3A_136] : memref<32x64x16xf32, #tpu.memory_space<vmem>>, vector<1x64x16xf32>
    %get3A_138 = vector.shape_cast %get3A_137 : vector<1x64x16xf32> to vector<64x16xf32>
    %add3A_139 = arith.addf %add3A_127, %get3A_138 : vector<64x16xf32>
    %get3A_140 = arith.constant 12 : index
    %get3A_141 = arith.constant 0 : index
    %get3A_142 = arith.constant 0 : index
    %get3A_143 = vector.load %arg0[%get3A_140, %get3A_141, %get3A_142] : memref<32x64x128xf32, #tpu.memory_space<vmem>>, vector<1x64x128xf32>
    %get3A_144 = vector.shape_cast %get3A_143 : vector<1x64x128xf32> to vector<64x128xf32>
    %add3A_145 = arith.addf %add3A_133, %get3A_144 : vector<64x128xf32>
    %get3A_146 = arith.constant 12 : index
    %get3A_147 = arith.constant 0 : index
    %get3A_148 = arith.constant 0 : index
    %get3A_149 = vector.load %arg2[%get3A_146, %get3A_147, %get3A_148] : memref<32x64x16xf32, #tpu.memory_space<vmem>>, vector<1x64x16xf32>
    %get3A_150 = vector.shape_cast %get3A_149 : vector<1x64x16xf32> to vector<64x16xf32>
    %add3A_151 = arith.addf %add3A_139, %get3A_150 : vector<64x16xf32>
    %get3A_152 = arith.constant 13 : index
    %get3A_153 = arith.constant 0 : index
    %get3A_154 = arith.constant 0 : index
    %get3A_155 = vector.load %arg0[%get3A_152, %get3A_153, %get3A_154] : memref<32x64x128xf32, #tpu.memory_space<vmem>>, vector<1x64x128xf32>
    %get3A_156 = vector.shape_cast %get3A_155 : vector<1x64x128xf32> to vector<64x128xf32>
    %add3A_157 = arith.addf %add3A_145, %get3A_156 : vector<64x128xf32>
    %get3A_158 = arith.constant 13 : index
    %get3A_159 = arith.constant 0 : index
    %get3A_160 = arith.constant 0 : index
    %get3A_161 = vector.load %arg2[%get3A_158, %get3A_159, %get3A_160] : memref<32x64x16xf32, #tpu.memory_space<vmem>>, vector<1x64x16xf32>
    %get3A_162 = vector.shape_cast %get3A_161 : vector<1x64x16xf32> to vector<64x16xf32>
    %add3A_163 = arith.addf %add3A_151, %get3A_162 : vector<64x16xf32>
    %get3A_164 = arith.constant 14 : index
    %get3A_165 = arith.constant 0 : index
    %get3A_166 = arith.constant 0 : index
    %get3A_167 = vector.load %arg0[%get3A_164, %get3A_165, %get3A_166] : memref<32x64x128xf32, #tpu.memory_space<vmem>>, vector<1x64x128xf32>
    %get3A_168 = vector.shape_cast %get3A_167 : vector<1x64x128xf32> to vector<64x128xf32>
    %add3A_169 = arith.addf %add3A_157, %get3A_168 : vector<64x128xf32>
    %get3A_170 = arith.constant 14 : index
    %get3A_171 = arith.constant 0 : index
    %get3A_172 = arith.constant 0 : index
    %get3A_173 = vector.load %arg2[%get3A_170, %get3A_171, %get3A_172] : memref<32x64x16xf32, #tpu.memory_space<vmem>>, vector<1x64x16xf32>
    %get3A_174 = vector.shape_cast %get3A_173 : vector<1x64x16xf32> to vector<64x16xf32>
    %add3A_175 = arith.addf %add3A_163, %get3A_174 : vector<64x16xf32>
    %get3A_176 = arith.constant 15 : index
    %get3A_177 = arith.constant 0 : index
    %get3A_178 = arith.constant 0 : index
    %get3A_179 = vector.load %arg0[%get3A_176, %get3A_177, %get3A_178] : memref<32x64x128xf32, #tpu.memory_space<vmem>>, vector<1x64x128xf32>
    %get3A_180 = vector.shape_cast %get3A_179 : vector<1x64x128xf32> to vector<64x128xf32>
    %add3A_181 = arith.addf %add3A_169, %get3A_180 : vector<64x128xf32>
    %get3A_182 = arith.constant 15 : index
    %get3A_183 = arith.constant 0 : index
    %get3A_184 = arith.constant 0 : index
    %get3A_185 = vector.load %arg2[%get3A_182, %get3A_183, %get3A_184] : memref<32x64x16xf32, #tpu.memory_space<vmem>>, vector<1x64x16xf32>
    %get3A_186 = vector.shape_cast %get3A_185 : vector<1x64x16xf32> to vector<64x16xf32>
    %add3A_187 = arith.addf %add3A_175, %get3A_186 : vector<64x16xf32>
    %get3A_188 = arith.constant 16 : index
    %get3A_189 = arith.constant 0 : index
    %get3A_190 = arith.constant 0 : index
    %get3A_191 = vector.load %arg0[%get3A_188, %get3A_189, %get3A_190] : memref<32x64x128xf32, #tpu.memory_space<vmem>>, vector<1x64x128xf32>
    %get3A_192 = vector.shape_cast %get3A_191 : vector<1x64x128xf32> to vector<64x128xf32>
    %add3A_193 = arith.addf %add3A_181, %get3A_192 : vector<64x128xf32>
    %get3A_194 = arith.constant 16 : index
    %get3A_195 = arith.constant 0 : index
    %get3A_196 = arith.constant 0 : index
    %get3A_197 = vector.load %arg2[%get3A_194, %get3A_195, %get3A_196] : memref<32x64x16xf32, #tpu.memory_space<vmem>>, vector<1x64x16xf32>
    %get3A_198 = vector.shape_cast %get3A_197 : vector<1x64x16xf32> to vector<64x16xf32>
    %add3A_199 = arith.addf %add3A_187, %get3A_198 : vector<64x16xf32>
    %get3A_200 = arith.constant 17 : index
    %get3A_201 = arith.constant 0 : index
    %get3A_202 = arith.constant 0 : index
    %get3A_203 = vector.load %arg0[%get3A_200, %get3A_201, %get3A_202] : memref<32x64x128xf32, #tpu.memory_space<vmem>>, vector<1x64x128xf32>
    %get3A_204 = vector.shape_cast %get3A_203 : vector<1x64x128xf32> to vector<64x128xf32>
    %add3A_205 = arith.addf %add3A_193, %get3A_204 : vector<64x128xf32>
    %get3A_206 = arith.constant 17 : index
    %get3A_207 = arith.constant 0 : index
    %get3A_208 = arith.constant 0 : index
    %get3A_209 = vector.load %arg2[%get3A_206, %get3A_207, %get3A_208] : memref<32x64x16xf32, #tpu.memory_space<vmem>>, vector<1x64x16xf32>
    %get3A_210 = vector.shape_cast %get3A_209 : vector<1x64x16xf32> to vector<64x16xf32>
    %add3A_211 = arith.addf %add3A_199, %get3A_210 : vector<64x16xf32>
    %get3A_212 = arith.constant 18 : index
    %get3A_213 = arith.constant 0 : index
    %get3A_214 = arith.constant 0 : index
    %get3A_215 = vector.load %arg0[%get3A_212, %get3A_213, %get3A_214] : memref<32x64x128xf32, #tpu.memory_space<vmem>>, vector<1x64x128xf32>
    %get3A_216 = vector.shape_cast %get3A_215 : vector<1x64x128xf32> to vector<64x128xf32>
    %add3A_217 = arith.addf %add3A_205, %get3A_216 : vector<64x128xf32>
    %get3A_218 = arith.constant 18 : index
    %get3A_219 = arith.constant 0 : index
    %get3A_220 = arith.constant 0 : index
    %get3A_221 = vector.load %arg2[%get3A_218, %get3A_219, %get3A_220] : memref<32x64x16xf32, #tpu.memory_space<vmem>>, vector<1x64x16xf32>
    %get3A_222 = vector.shape_cast %get3A_221 : vector<1x64x16xf32> to vector<64x16xf32>
    %add3A_223 = arith.addf %add3A_211, %get3A_222 : vector<64x16xf32>
    %get3A_224 = arith.constant 19 : index
    %get3A_225 = arith.constant 0 : index
    %get3A_226 = arith.constant 0 : index
    %get3A_227 = vector.load %arg0[%get3A_224, %get3A_225, %get3A_226] : memref<32x64x128xf32, #tpu.memory_space<vmem>>, vector<1x64x128xf32>
    %get3A_228 = vector.shape_cast %get3A_227 : vector<1x64x128xf32> to vector<64x128xf32>
    %add3A_229 = arith.addf %add3A_217, %get3A_228 : vector<64x128xf32>
    %get3A_230 = arith.constant 19 : index
    %get3A_231 = arith.constant 0 : index
    %get3A_232 = arith.constant 0 : index
    %get3A_233 = vector.load %arg2[%get3A_230, %get3A_231, %get3A_232] : memref<32x64x16xf32, #tpu.memory_space<vmem>>, vector<1x64x16xf32>
    %get3A_234 = vector.shape_cast %get3A_233 : vector<1x64x16xf32> to vector<64x16xf32>
    %add3A_235 = arith.addf %add3A_223, %get3A_234 : vector<64x16xf32>
    %get3A_236 = arith.constant 20 : index
    %get3A_237 = arith.constant 0 : index
    %get3A_238 = arith.constant 0 : index
    %get3A_239 = vector.load %arg0[%get3A_236, %get3A_237, %get3A_238] : memref<32x64x128xf32, #tpu.memory_space<vmem>>, vector<1x64x128xf32>
    %get3A_240 = vector.shape_cast %get3A_239 : vector<1x64x128xf32> to vector<64x128xf32>
    %add3A_241 = arith.addf %add3A_229, %get3A_240 : vector<64x128xf32>
    %get3A_242 = arith.constant 20 : index
    %get3A_243 = arith.constant 0 : index
    %get3A_244 = arith.constant 0 : index
    %get3A_245 = vector.load %arg2[%get3A_242, %get3A_243, %get3A_244] : memref<32x64x16xf32, #tpu.memory_space<vmem>>, vector<1x64x16xf32>
    %get3A_246 = vector.shape_cast %get3A_245 : vector<1x64x16xf32> to vector<64x16xf32>
    %add3A_247 = arith.addf %add3A_235, %get3A_246 : vector<64x16xf32>
    %get3A_248 = arith.constant 21 : index
    %get3A_249 = arith.constant 0 : index
    %get3A_250 = arith.constant 0 : index
    %get3A_251 = vector.load %arg0[%get3A_248, %get3A_249, %get3A_250] : memref<32x64x128xf32, #tpu.memory_space<vmem>>, vector<1x64x128xf32>
    %get3A_252 = vector.shape_cast %get3A_251 : vector<1x64x128xf32> to vector<64x128xf32>
    %add3A_253 = arith.addf %add3A_241, %get3A_252 : vector<64x128xf32>
    %get3A_254 = arith.constant 21 : index
    %get3A_255 = arith.constant 0 : index
    %get3A_256 = arith.constant 0 : index
    %get3A_257 = vector.load %arg2[%get3A_254, %get3A_255, %get3A_256] : memref<32x64x16xf32, #tpu.memory_space<vmem>>, vector<1x64x16xf32>
    %get3A_258 = vector.shape_cast %get3A_257 : vector<1x64x16xf32> to vector<64x16xf32>
    %add3A_259 = arith.addf %add3A_247, %get3A_258 : vector<64x16xf32>
    %get3A_260 = arith.constant 22 : index
    %get3A_261 = arith.constant 0 : index
    %get3A_262 = arith.constant 0 : index
    %get3A_263 = vector.load %arg0[%get3A_260, %get3A_261, %get3A_262] : memref<32x64x128xf32, #tpu.memory_space<vmem>>, vector<1x64x128xf32>
    %get3A_264 = vector.shape_cast %get3A_263 : vector<1x64x128xf32> to vector<64x128xf32>
    %add3A_265 = arith.addf %add3A_253, %get3A_264 : vector<64x128xf32>
    %get3A_266 = arith.constant 22 : index
    %get3A_267 = arith.constant 0 : index
    %get3A_268 = arith.constant 0 : index
    %get3A_269 = vector.load %arg2[%get3A_266, %get3A_267, %get3A_268] : memref<32x64x16xf32, #tpu.memory_space<vmem>>, vector<1x64x16xf32>
    %get3A_270 = vector.shape_cast %get3A_269 : vector<1x64x16xf32> to vector<64x16xf32>
    %add3A_271 = arith.addf %add3A_259, %get3A_270 : vector<64x16xf32>
    %get3A_272 = arith.constant 23 : index
    %get3A_273 = arith.constant 0 : index
    %get3A_274 = arith.constant 0 : index
    %get3A_275 = vector.load %arg0[%get3A_272, %get3A_273, %get3A_274] : memref<32x64x128xf32, #tpu.memory_space<vmem>>, vector<1x64x128xf32>
    %get3A_276 = vector.shape_cast %get3A_275 : vector<1x64x128xf32> to vector<64x128xf32>
    %add3A_277 = arith.addf %add3A_265, %get3A_276 : vector<64x128xf32>
    %get3A_278 = arith.constant 23 : index
    %get3A_279 = arith.constant 0 : index
    %get3A_280 = arith.constant 0 : index
    %get3A_281 = vector.load %arg2[%get3A_278, %get3A_279, %get3A_280] : memref<32x64x16xf32, #tpu.memory_space<vmem>>, vector<1x64x16xf32>
    %get3A_282 = vector.shape_cast %get3A_281 : vector<1x64x16xf32> to vector<64x16xf32>
    %add3A_283 = arith.addf %add3A_271, %get3A_282 : vector<64x16xf32>
    %get3A_284 = arith.constant 24 : index
    %get3A_285 = arith.constant 0 : index
    %get3A_286 = arith.constant 0 : index
    %get3A_287 = vector.load %arg0[%get3A_284, %get3A_285, %get3A_286] : memref<32x64x128xf32, #tpu.memory_space<vmem>>, vector<1x64x128xf32>
    %get3A_288 = vector.shape_cast %get3A_287 : vector<1x64x128xf32> to vector<64x128xf32>
    %add3A_289 = arith.addf %add3A_277, %get3A_288 : vector<64x128xf32>
    %get3A_290 = arith.constant 24 : index
    %get3A_291 = arith.constant 0 : index
    %get3A_292 = arith.constant 0 : index
    %get3A_293 = vector.load %arg2[%get3A_290, %get3A_291, %get3A_292] : memref<32x64x16xf32, #tpu.memory_space<vmem>>, vector<1x64x16xf32>
    %get3A_294 = vector.shape_cast %get3A_293 : vector<1x64x16xf32> to vector<64x16xf32>
    %add3A_295 = arith.addf %add3A_283, %get3A_294 : vector<64x16xf32>
    %get3A_296 = arith.constant 25 : index
    %get3A_297 = arith.constant 0 : index
    %get3A_298 = arith.constant 0 : index
    %get3A_299 = vector.load %arg0[%get3A_296, %get3A_297, %get3A_298] : memref<32x64x128xf32, #tpu.memory_space<vmem>>, vector<1x64x128xf32>
    %get3A_300 = vector.shape_cast %get3A_299 : vector<1x64x128xf32> to vector<64x128xf32>
    %add3A_301 = arith.addf %add3A_289, %get3A_300 : vector<64x128xf32>
    %get3A_302 = arith.constant 25 : index
    %get3A_303 = arith.constant 0 : index
    %get3A_304 = arith.constant 0 : index
    %get3A_305 = vector.load %arg2[%get3A_302, %get3A_303, %get3A_304] : memref<32x64x16xf32, #tpu.memory_space<vmem>>, vector<1x64x16xf32>
    %get3A_306 = vector.shape_cast %get3A_305 : vector<1x64x16xf32> to vector<64x16xf32>
    %add3A_307 = arith.addf %add3A_295, %get3A_306 : vector<64x16xf32>
    %get3A_308 = arith.constant 26 : index
    %get3A_309 = arith.constant 0 : index
    %get3A_310 = arith.constant 0 : index
    %get3A_311 = vector.load %arg0[%get3A_308, %get3A_309, %get3A_310] : memref<32x64x128xf32, #tpu.memory_space<vmem>>, vector<1x64x128xf32>
    %get3A_312 = vector.shape_cast %get3A_311 : vector<1x64x128xf32> to vector<64x128xf32>
    %add3A_313 = arith.addf %add3A_301, %get3A_312 : vector<64x128xf32>
    %get3A_314 = arith.constant 26 : index
    %get3A_315 = arith.constant 0 : index
    %get3A_316 = arith.constant 0 : index
    %get3A_317 = vector.load %arg2[%get3A_314, %get3A_315, %get3A_316] : memref<32x64x16xf32, #tpu.memory_space<vmem>>, vector<1x64x16xf32>
    %get3A_318 = vector.shape_cast %get3A_317 : vector<1x64x16xf32> to vector<64x16xf32>
    %add3A_319 = arith.addf %add3A_307, %get3A_318 : vector<64x16xf32>
    %get3A_320 = arith.constant 27 : index
    %get3A_321 = arith.constant 0 : index
    %get3A_322 = arith.constant 0 : index
    %get3A_323 = vector.load %arg0[%get3A_320, %get3A_321, %get3A_322] : memref<32x64x128xf32, #tpu.memory_space<vmem>>, vector<1x64x128xf32>
    %get3A_324 = vector.shape_cast %get3A_323 : vector<1x64x128xf32> to vector<64x128xf32>
    %add3A_325 = arith.addf %add3A_313, %get3A_324 : vector<64x128xf32>
    %get3A_326 = arith.constant 27 : index
    %get3A_327 = arith.constant 0 : index
    %get3A_328 = arith.constant 0 : index
    %get3A_329 = vector.load %arg2[%get3A_326, %get3A_327, %get3A_328] : memref<32x64x16xf32, #tpu.memory_space<vmem>>, vector<1x64x16xf32>
    %get3A_330 = vector.shape_cast %get3A_329 : vector<1x64x16xf32> to vector<64x16xf32>
    %add3A_331 = arith.addf %add3A_319, %get3A_330 : vector<64x16xf32>
    %get3A_332 = arith.constant 28 : index
    %get3A_333 = arith.constant 0 : index
    %get3A_334 = arith.constant 0 : index
    %get3A_335 = vector.load %arg0[%get3A_332, %get3A_333, %get3A_334] : memref<32x64x128xf32, #tpu.memory_space<vmem>>, vector<1x64x128xf32>
    %get3A_336 = vector.shape_cast %get3A_335 : vector<1x64x128xf32> to vector<64x128xf32>
    %add3A_337 = arith.addf %add3A_325, %get3A_336 : vector<64x128xf32>
    %get3A_338 = arith.constant 28 : index
    %get3A_339 = arith.constant 0 : index
    %get3A_340 = arith.constant 0 : index
    %get3A_341 = vector.load %arg2[%get3A_338, %get3A_339, %get3A_340] : memref<32x64x16xf32, #tpu.memory_space<vmem>>, vector<1x64x16xf32>
    %get3A_342 = vector.shape_cast %get3A_341 : vector<1x64x16xf32> to vector<64x16xf32>
    %add3A_343 = arith.addf %add3A_331, %get3A_342 : vector<64x16xf32>
    %get3A_344 = arith.constant 29 : index
    %get3A_345 = arith.constant 0 : index
    %get3A_346 = arith.constant 0 : index
    %get3A_347 = vector.load %arg0[%get3A_344, %get3A_345, %get3A_346] : memref<32x64x128xf32, #tpu.memory_space<vmem>>, vector<1x64x128xf32>
    %get3A_348 = vector.shape_cast %get3A_347 : vector<1x64x128xf32> to vector<64x128xf32>
    %add3A_349 = arith.addf %add3A_337, %get3A_348 : vector<64x128xf32>
    %get3A_350 = arith.constant 29 : index
    %get3A_351 = arith.constant 0 : index
    %get3A_352 = arith.constant 0 : index
    %get3A_353 = vector.load %arg2[%get3A_350, %get3A_351, %get3A_352] : memref<32x64x16xf32, #tpu.memory_space<vmem>>, vector<1x64x16xf32>
    %get3A_354 = vector.shape_cast %get3A_353 : vector<1x64x16xf32> to vector<64x16xf32>
    %add3A_355 = arith.addf %add3A_343, %get3A_354 : vector<64x16xf32>
    %get3A_356 = arith.constant 30 : index
    %get3A_357 = arith.constant 0 : index
    %get3A_358 = arith.constant 0 : index
    %get3A_359 = vector.load %arg0[%get3A_356, %get3A_357, %get3A_358] : memref<32x64x128xf32, #tpu.memory_space<vmem>>, vector<1x64x128xf32>
    %get3A_360 = vector.shape_cast %get3A_359 : vector<1x64x128xf32> to vector<64x128xf32>
    %add3A_361 = arith.addf %add3A_349, %get3A_360 : vector<64x128xf32>
    %get3A_362 = arith.constant 30 : index
    %get3A_363 = arith.constant 0 : index
    %get3A_364 = arith.constant 0 : index
    %get3A_365 = vector.load %arg2[%get3A_362, %get3A_363, %get3A_364] : memref<32x64x16xf32, #tpu.memory_space<vmem>>, vector<1x64x16xf32>
    %get3A_366 = vector.shape_cast %get3A_365 : vector<1x64x16xf32> to vector<64x16xf32>
    %add3A_367 = arith.addf %add3A_355, %get3A_366 : vector<64x16xf32>
    %get3A_368 = arith.constant 31 : index
    %get3A_369 = arith.constant 0 : index
    %get3A_370 = arith.constant 0 : index
    %get3A_371 = vector.load %arg0[%get3A_368, %get3A_369, %get3A_370] : memref<32x64x128xf32, #tpu.memory_space<vmem>>, vector<1x64x128xf32>
    %get3A_372 = vector.shape_cast %get3A_371 : vector<1x64x128xf32> to vector<64x128xf32>
    %add3A_373 = arith.addf %add3A_361, %get3A_372 : vector<64x128xf32>
    %get3A_374 = arith.constant 31 : index
    %get3A_375 = arith.constant 0 : index
    %get3A_376 = arith.constant 0 : index
    %get3A_377 = vector.load %arg2[%get3A_374, %get3A_375, %get3A_376] : memref<32x64x16xf32, #tpu.memory_space<vmem>>, vector<1x64x16xf32>
    %get3A_378 = vector.shape_cast %get3A_377 : vector<1x64x16xf32> to vector<64x16xf32>
    %add3A_379 = arith.addf %add3A_367, %get3A_378 : vector<64x16xf32>
    %get3A_380 = arith.constant 0 : index
    %get3A_381 = arith.constant 0 : index
    %get3A_382 = vector.load %arg1[%get3A_380, %get3A_381] : memref<32x16xf32, #tpu.memory_space<vmem>>, vector<32x16xf32>
    %reduce_sum3A = vector.shape_cast %get3A_382 : vector<32x16xf32> to vector<1x32x16xf32>
    %reduce_sum3A_383 = arith.constant dense<0.000000e+00> : vector<1xf32>
    %reduce_sum3A_384 = vector.multi_reduction <add>, %reduce_sum3A, %reduce_sum3A_383 [1, 2] : vector<1x32x16xf32> to vector<1xf32>
    %reduce_sum3A_385 = vector.shape_cast %reduce_sum3A_384 : vector<1xf32> to vector<1x1x1xf32>
    %reduce_sum3A_386 = vector.extract %reduce_sum3A_385[0, 0, 0] : f32 from vector<1x1x1xf32>
    %slice3A = vector.extract_strided_slice %add3A_379 {offsets = [0, 0], sizes = [64, 1], strides = [1, 1]} : vector<64x16xf32> to vector<64x1xf32>
    %broadcast_in_dim3A = vector.shape_cast %slice3A : vector<64x1xf32> to vector<64x1xf32>
    %broadcast_in_dim3A_387 = vector.broadcast %broadcast_in_dim3A : vector<64x1xf32> to vector<64x128xf32>
    %max3A = arith.constant 1.000000e+00 : f32
    %max3A_388 = vector.broadcast %max3A : f32 to vector<64x128xf32>
    %max3A_389 = arith.maximumf %broadcast_in_dim3A_387, %max3A_388 : vector<64x128xf32>
    %div3A = arith.divf %add3A_373, %max3A_389 : vector<64x128xf32>
    %mul3A = arith.mulf %div3A, %div3A : vector<64x128xf32>
    %mul3A_390 = arith.mulf %broadcast_in_dim3A_387, %mul3A : vector<64x128xf32>
    %reduce_sum3A_391 = vector.shape_cast %mul3A_390 : vector<64x128xf32> to vector<1x64x128xf32>
    %reduce_sum3A_392 = arith.constant dense<0.000000e+00> : vector<1xf32>
    %reduce_sum3A_393 = vector.multi_reduction <add>, %reduce_sum3A_391, %reduce_sum3A_392 [1, 2] : vector<1x64x128xf32> to vector<1xf32>
    %reduce_sum3A_394 = vector.shape_cast %reduce_sum3A_393 : vector<1xf32> to vector<1x1x1xf32>
    %reduce_sum3A_395 = vector.extract %reduce_sum3A_394[0, 0, 0] : f32 from vector<1x1x1xf32>
    %sub3A = arith.subf %reduce_sum3A_386, %reduce_sum3A_395 : f32
    %gt3A = arith.constant 0.000000e+00 : f32
    %gt3A_396 = vector.broadcast %gt3A : f32 to vector<64x128xf32>
    %gt3A_397 = arith.cmpf ogt, %broadcast_in_dim3A_387, %gt3A_396 : vector<64x128xf32>
    %convert_element_type3A = arith.extui %gt3A_397 : vector<64x128xi1> to vector<64x128xi32>
    %convert_element_type3A_398 = arith.sitofp %convert_element_type3A : vector<64x128xi32> to vector<64x128xf32>
    %reduce_sum3A_399 = vector.shape_cast %convert_element_type3A_398 : vector<64x128xf32> to vector<1x64x128xf32>
    %reduce_sum3A_400 = arith.constant dense<0.000000e+00> : vector<1xf32>
    %reduce_sum3A_401 = vector.multi_reduction <add>, %reduce_sum3A_399, %reduce_sum3A_400 [1, 2] : vector<1x64x128xf32> to vector<1xf32>
    %reduce_sum3A_402 = vector.shape_cast %reduce_sum3A_401 : vector<1xf32> to vector<1x1x1xf32>
    %reduce_sum3A_403 = vector.extract %reduce_sum3A_402[0, 0, 0] : f32 from vector<1x1x1xf32>
    %div3A_404 = arith.constant 1.280000e+02 : f32
    %div3A_405 = arith.divf %reduce_sum3A_403, %div3A_404 : f32
    %mul3A_406 = arith.mulf %convert_element_type3A_398, %mul3A : vector<64x128xf32>
    %reduce_sum3A_407 = vector.shape_cast %mul3A_406 : vector<64x128xf32> to vector<1x64x128xf32>
    %reduce_sum3A_408 = arith.constant dense<0.000000e+00> : vector<1xf32>
    %reduce_sum3A_409 = vector.multi_reduction <add>, %reduce_sum3A_407, %reduce_sum3A_408 [1, 2] : vector<1x64x128xf32> to vector<1xf32>
    %reduce_sum3A_410 = vector.shape_cast %reduce_sum3A_409 : vector<1xf32> to vector<1x1x1xf32>
    %reduce_sum3A_411 = vector.extract %reduce_sum3A_410[0, 0, 0] : f32 from vector<1x1x1xf32>
    %mul3A_412 = arith.mulf %convert_element_type3A_398, %div3A : vector<64x128xf32>
    %reduce_sum3A_413 = arith.constant dense<0.000000e+00> : vector<128xf32>
    %reduce_sum3A_414 = vector.multi_reduction <add>, %mul3A_412, %reduce_sum3A_413 [0] : vector<64x128xf32> to vector<128xf32>
    %broadcast_in_dim3A_415 = vector.shape_cast %reduce_sum3A_414 : vector<128xf32> to vector<1x128xf32>
    %mul3A_416 = arith.mulf %broadcast_in_dim3A_415, %broadcast_in_dim3A_415 : vector<1x128xf32>
    %reduce_sum3A_417 = vector.shape_cast %mul3A_416 : vector<1x128xf32> to vector<1x1x128xf32>
    %reduce_sum3A_418 = arith.constant dense<0.000000e+00> : vector<1xf32>
    %reduce_sum3A_419 = vector.multi_reduction <add>, %reduce_sum3A_417, %reduce_sum3A_418 [1, 2] : vector<1x1x128xf32> to vector<1xf32>
    %reduce_sum3A_420 = vector.shape_cast %reduce_sum3A_419 : vector<1xf32> to vector<1x1x1xf32>
    %reduce_sum3A_421 = vector.extract %reduce_sum3A_420[0, 0, 0] : f32 from vector<1x1x1xf32>
    %mul3A_422 = arith.mulf %div3A_405, %reduce_sum3A_411 : f32
    %sub3A_423 = arith.subf %mul3A_422, %reduce_sum3A_421 : f32
    %add3A_424 = arith.constant 9.99999997E-7 : f32
    %add3A_425 = arith.addf %sub3A_423, %add3A_424 : f32
    %div3A_426 = arith.divf %sub3A, %add3A_425 : f32
    %div3A_427 = arith.divf %reduce_sum3A_421, %div3A_405 : f32
    %sub3A_428 = arith.subf %reduce_sum3A_411, %div3A_427 : f32
    %div3A_429 = arith.divf %sub3A_428, %div3A_405 : f32
    %mul3A_430 = arith.constant 1.000000e-01 : f32
    %mul3A_431 = arith.mulf %mul3A_430, %div3A_426 : f32
    %mul3A_432 = arith.constant 1.000000e-01 : f32
    %mul3A_433 = arith.mulf %mul3A_432, %div3A_429 : f32
    %add3A_434 = arith.addf %mul3A_431, %mul3A_433 : f32
    %broadcast_in_dim3A_435 = vector.broadcast %add3A_434 : f32 to vector<1x1xf32>
    %swap3A = arith.constant 0 : index
    %swap3A_436 = arith.constant 0 : index
    %swap3A_437 = vector.load %arg3[%swap3A, %swap3A_436] : memref<1x1xf32, #tpu.memory_space<vmem>>, vector<1x1xf32>
    tpu.vector_store %arg3[%swap3A, %swap3A_436], %broadcast_in_dim3A_435 {strides = array<i32>} : memref<1x1xf32, #tpu.memory_space<vmem>>, vector<1x1xf32>,
    return
  }
}

</mosaic_0001>

<sc_bundles>
// kernel: kernel.4.cloned.1.call-start
scs
__scs_entry_jumppad:
0x0: {  	(pc) =	sbr.rel $0x88, $3  }
0x1: {  	(tag) =	ssettag $0x0;
	lr =	simm.s32 $0x1  }
0x2: {  	[smem:$0x3F9F] =	sst lr;
	_ =	strace $0xD0000000  }
0x3: {  	_ = 	snop  }
0x4: {  	_ = 	snop  }
0x5: {  	_ = 	snop  }
0x6: {  	_ = 	snop  }
0x7: {  	_ = 	snop  }
__scs_overlays_trampoline_lowered:
0x8: {  	[smem:$0x3FAE] =	sst s0  }
0x9: {  	[smem:$0x3FAF] =	sst s1  }
0xa: {  	[smem:$0x3FB0] =	sst s2  }
0xb: {  	[smem:$0x3FB1] =	sst s3  }
0xc: {  	[smem:$0x3FB2] =	sst s4  }
0xd: {  	[smem:$0x3FB3] =	sst s5  }
0xe: {  	[smem:$0x3FB4] =	sst s6  }
0xf: {  	[smem:$0x3FB5] =	sst s7  }
0x10: {  	[smem:$0x3FB6] =	sst s8  }
0x11: {  	[smem:$0x3FB7] =	sst s9;
	s0 =	simm.s32 @!p0 $0x0  }
0x12: {  	s1 =	sld [smem:$0x3F9D];
	s0 =	simm.s32 @p0 $0x1  }
0x13: {  	[smem:$0x3FB8] =	sst s0;
	s0 =	simm.s32 @!p1 $0x0  }
0x14: {  	s2 =	sld [smem:$0x3F9C];
	s0 =	simm.s32 @p1 $0x1  }
0x15: {  	[smem:$0x3FB9] =	sst s0;
	s0 =	simm.s32 @!p2 $0x0  }
0x16: {  	s3 =	sld [smem:$0x3FDB];
	s0 =	simm.s32 @p2 $0x1  }
0x17: {  	s4 =	simm.s32 $0x1BF5;
	[smem:$0x3FBB] =	sst s0  }
0x18: {  	s0 =	sld [smem:$0x3F9E];
	_ =	swait.ge [sflag:s4], $0x0  }
0x19: {  	s7 =	sld [smem:$0x3F9F]  }
0x1a: {  	s8 =	sadd.s32 $0xFFFFE003, lr  }
0x1b: {  	s9 =	sadd.s32 $0xFFFFFEF7, lr;
	s5 =	simm.s32 $0xFFFFFFFF;
	p2 =	slt.u32 s8, $0xFFFFF086  }
0x1c: {  	p1 =	slt.u32 s9, $0xF7A;
	s5 =	simm.s32 @!p2 $0x0  }
0x1d: {  	s5 =	simm.s32 @p1 $0x1;
	p0 =	seq.s32 s7, s2  }
0x1e: {  	s7 =	smul.u32 @!p0 $0xF7A, s2;
	p2 =	seq.s32 @!p0 s5, $0x0  }
0x1f: {  	s9 =	smul.u32 $0xF7A, s1;
	s8 =	simm.s32 @!p0 $0x1BF5;
	p2 =	por !p2, p0  }
0x20: {  	[sflag:s8] =	ssyncset.s32 @!p0 $0xFFFFF086;
	s6 =	sadd.s32 @!p0 s3, s7;
	s7 =	simm.s32 @!p0 $0x108  }
0x21: {  	s3 =	sadd.s32 s3, s9;
	s6 =	sadd.s32 @!p0 $0x88, s6;
	s7 =	simm.s32 @p2 $0x1082  }
0x22: {  	[simem:s7], [sflag:s8] =	dma.local @!p0 [hbm:s6], $0xF7A  }
0x23: {  	s9 =	sor.u32 $0xD0000000, s2;
	s6 =	simm.s32 $0x108;
	_ =	swait.ge @!p0 [sflag:s8], $0x0  }
0x24: {  	s3 =	sadd.s32 $0x88, s3;
	s6 =	simm.s32 @!p1 $0x1082;
	[sflag:s4] =	ssyncset.s32 $0xFFFFF086  }
0x25: {  	[simem:s6], [sflag:s4] =	dma.local [hbm:s3], $0xF7A  }
0x26: {  	[smem:$0x3F9F] =	sst s1;
	(tag) =	ssettag s2;
	_ =	strace s9  }
0x27: {  	s1 =	sld [smem:$0x3FAF]  }
0x28: {  	s2 =	sld [smem:$0x3FB0]  }
0x29: {  	s4 =	sld [smem:$0x3FB2]  }
0x2a: {  	p0 =	seq.s32 s5, $0x0;
	s5 =	sld [smem:$0x3FB3]  }
0x2b: {  	s6 =	sld [smem:$0x3FB4]  }
0x2c: {  	s7 =	sld [smem:$0x3FB5]  }
0x2d: {  	s3 =	simm.s32 $0x108;
	s8 =	sld [smem:$0x3FB6]  }
0x2e: {  	s3 =	simm.s32 @!p0 $0x1082;
	s9 =	sld [smem:$0x3FB7]  }
0x2f: {  	lr =	sadd.s32 s0, s3;
	s0 =	sld [smem:$0x3FAE]  }
0x30: {  	s3 =	sld [smem:$0x3FB1]  }
0x31: {  	[smem:$0x3FBA] =	sst s10  }
0x32: {  	s10 =	sld [smem:$0x3FB8];
	_ =	sdelay $0x3  }
0x33: {  	p0 =	seq.s32 s10, $0x1;
	s10 =	sld [smem:$0x3FBA];
	_ =	sdelay $0x3  }
0x34: {  	[smem:$0x3FBA] =	sst s10  }
0x35: {  	s10 =	sld [smem:$0x3FB9];
	_ =	sdelay $0x3  }
0x36: {  	p1 =	seq.s32 s10, $0x1;
	s10 =	sld [smem:$0x3FBA];
	_ =	sdelay $0x3  }
0x37: {  	[smem:$0x3FBA] =	sst s10  }
0x38: {  	s10 =	sld [smem:$0x3FBB]  }
0x39: {  	_ = 	snop;
	(pc) =	sbr.ind lr, $3  }
0x3a: {  	_ = 	snop  }
0x3b: {  	_ = 	snop  }
0x3c: {  	p2 =	seq.s32 s10, $0x1;
	s10 =	sld [smem:$0x3FBA]  }
0x3d: {  	_ =	shalt  }
0x3e: {  	_ =	shalt  }
0x3f: {  	_ =	shalt  }
0x40: {  	_ =	shalt  }
0x41: {  	_ =	shalt  }
0x42: {  	_ =	shalt  }
0x43: {  	_ =	shalt  }
0x44: {  	_ =	shalt  }
0x45: {  	_ =	shalt  }
0x46: {  	_ =	shalt  }
0x47: {  	_ =	shalt  }
0x48: {  	_ =	shalt  }
0x49: {  	_ =	shalt  }
0x4a: {  	_ =	shalt  }
0x4b: {  	_ =	shalt  }
0x4c: {  	_ =	shalt  }
0x4d: {  	_ =	shalt  }
0x4e: {  	_ =	shalt  }
0x4f: {  	_ =	shalt  }
0x50: {  	_ =	shalt  }
0x51: {  	_ =	shalt  }
0x52: {  	_ =	shalt  }
0x53: {  	_ =	shalt  }
0x54: {  	_ =	shalt  }
0x55: {  	_ =	shalt  }
0x56: {  	_ =	shalt  }
0x57: {  	_ =	shalt  }
0x58: {  	_ =	shalt  }
0x59: {  	_ =	shalt  }
0x5a: {  	_ =	shalt  }
0x5b: {  	_ =	shalt  }
0x5c: {  	_ =	shalt  }
0x5d: {  	_ =	shalt  }
0x5e: {  	_ =	shalt  }
0x5f: {  	_ =	shalt  }
0x60: {  	_ =	shalt  }
0x61: {  	_ =	shalt  }
0x62: {  	_ =	shalt  }
0x63: {  	_ =	shalt  }
0x64: {  	_ =	shalt  }
0x65: {  	_ =	shalt  }
0x66: {  	_ =	shalt  }
0x67: {  	_ =	shalt  }
0x68: {  	_ =	shalt  }
0x69: {  	_ =	shalt  }
0x6a: {  	_ =	shalt  }
0x6b: {  	_ =	shalt  }
0x6c: {  	_ =	shalt  }
0x6d: {  	_ =	shalt  }
0x6e: {  	_ =	shalt  }
0x6f: {  	_ =	shalt  }
0x70: {  	_ =	shalt  }
0x71: {  	_ =	shalt  }
0x72: {  	_ =	shalt  }
0x73: {  	_ =	shalt  }
0x74: {  	_ =	shalt  }
0x75: {  	_ =	shalt  }
0x76: {  	_ =	shalt  }
0x77: {  	_ =	shalt  }
0x78: {  	_ =	shalt  }
0x79: {  	_ =	shalt  }
0x7a: {  	_ =	shalt  }
0x7b: {  	_ =	shalt  }
0x7c: {  	_ =	shalt  }
0x7d: {  	_ =	shalt  }
0x7e: {  	_ =	shalt  }
0x7f: {  	_ =	shalt  }
0x80: {  	_ =	shalt  }
0x81: {  	_ =	shalt  }
0x82: {  	_ =	shalt  }
0x83: {  	_ =	shalt  }
0x84: {  	_ =	shalt  }
0x85: {  	_ =	shalt  }
0x86: {  	_ =	shalt  }
0x87: {  	_ =	shalt  }
.Lfunc_end0:
.L_simem_size_0:
called_computation_lowered:
.L_overlay_start_0:
0x88: {  	s2 =	sld [smem:$0x3FD9]  }
0x89: {  	s3 =	sld [smem:$0x3FFE];
	_ =	sdelay $0x1  }
0x8a: {  	s1 =	srdreg.scid  }
0x8b: {  	s0 =	sand.u32 $0x1, s1  }
0x8c: {  	s17 =	sshll.u32 s0, $0xA;
	s2 =	sadd.s32 s3, s2  }
0x8d: {  	s2 =	sadd.s32 s2, s17  }
0x8e: {  	[smem:$0x3FC6] =	sst s2  }
0x8f: {  	_ = 	snop  }
0x90: {  	s2 =	sld [smem:$0x3FC9]  }
0x91: {  	s18 =	sld [smem:$0x3FC8];
	(tm) =	ssettm $0x1  }
0x92: {  	s4 =	sld [smem:$0x3FFB];
	_ =	sdelay $0x3  }
0x93: {  	_ =	strace s4  }
0x94: {  	s4 =	sld [smem:$0x3FFC];
	_ =	sdelay $0x3  }
0x95: {  	_ =	strace s4  }
0x96: {  	s4 =	sld [smem:$0x3FFD];
	_ =	sdelay $0x3  }
0x97: {  	_ =	strace s4  }
0x98: {  	_ =	strace $0x8FFFFFFF  }
0x99: {  	s19 =	sld [smem:$0x3FDB];
	_ =	sdelay $0x1  }
0x9a: {  	s5 =	simm.s32 $_scs_section_size  }
0x9b: {  	s6 =	simm.s32 $_size__tile_overlayer_lowered;
	s7 =	simm.s32 $_tile_overlayer_lowered  }
0x9c: {  	s22 =	simm.s32 $0x1BFF;
	s21 =	sshll.u32 s7, $0x1;
	s4 =	sadd.s32 s5, s19  }
0x9d: {  	s8 =	simm.s32 $0x0;
	s20 =	sshll.u32 s6, $0x1;
	s6 =	sadd.s32 s21, s4  }
0x9e: {  	[timem:s8], [sflag:s22] =	dma.local [hbm:s6], s20  }
0x9f: {  	_ =	swait.ge [sflag:s22], s20  }
0xa0: {  	s5 =	ssub.s32 $0x0, s20;
	[sflag:s22] =	ssyncset.done $0x0  }
0xa1: {  	[sflag:s22] =	ssyncadd.s32 s5;
	_ =	sdelay $0x1  }
0xa2: {  	s23 =	simm.s32 $0x1B8B  }
0xa3: {  	_ =	swait.ge [sflag:s23], $0x1  }
0xa4: {  	[sflag:s23] =	ssyncset.done $0x0  }
0xa5: {  	s25 =	simm.s32 $0x1B8E;
	s24 =	sld [smem:$0x3FFE];
	[sflag:s23] =	ssyncadd.s32 $0xFFFFFFFF  }
0xa6: {  	s26 =	simm.s32 $execute0_lowered;
	[smem:$0x3FD2] =	sst s25  }
0xa7: {  	s6 =	sshll.u32 s26, $0x1;
	_ =	strace $0x80000046;
	[dreg:$0x1] =	wrdreg $0xFFFFFFFF  }
0xa8: {  	s28 =	simm.s32 $_size_execute0_lowered;
	s4 =	sadd.s32 s4, s6;
	[dreg:$0x0] =	wrdreg $0x0  }
0xa9: {  	s6 =	sshll.u32 s28, $0x1;
	[dreg:$0x2] =	wrdreg s4  }
0xaa: {  	[dreg:$0x3] =	wrdreg s6  }
0xab: {  	[dreg:$0x4] =	wrdreg $0xC0  }
0xac: {  	_ =	task [dreg:s8], $0x5FFFF  }
0xad: {  	[dreg:$0x1] =	wrdreg $0xFFFFFFFF  }
0xae: {  	[dreg:$0x0] =	wrdreg $0x60  }
0xaf: {  	[dreg:$0x2] =	wrdreg s2  }
0xb0: {  	[dreg:$0x3] =	wrdreg s18  }
0xb1: {  	[dreg:$0x4] =	wrdreg s24  }
0xb2: {  	[dreg:$0x5] =	wrdreg $0x9  }
0xb3: {  	_ =	task.clear_ibuf [dreg:s8], $0x6FFFF;
	_ =	strace $0x90000046  }
0xb4: {  	s29 =	simm.s32 $0x9;
	_ =	strace $0x80000048  }
0xb5: {  	_ =	swait.ge [sflag:s29], $0x1  }
0xb6: {  	[sflag:s29] =	ssyncadd.s32 $0xFFFFFFFF  }
0xb7: {  	_ =	strace $0x90000048  }
0xb8: {  	_ =	sfence  }
0xb9: {  	s30 =	sld [smem:$0x0];
	_ =	sdelay $0x2  }
0xba: {  	s31 =	sshll.u32 s1, $0xD;
	s1 =	sshrl.u32 s1, $0x2  }
0xbb: {  	s3 =	sand.u32 $0x4000, s31;
	s1 =	sadd.s32 s1, s30  }
0xbc: {  	s0 =	sor.u32 s3, s0;
	s1 =	sshll.u32 s1, $0x11  }
0xbd: {  	s0 =	sor.u32 s1, s0  }
0xbe: {  	s0 =	sadd.s32 $0x8F2B, s0  }
0xbf: {  	[sflag:s0] =	ssyncadd.remote.s32 $0x1  }
0xc0: {  	_ =	sfence.sel $0xFFFF  }
0xc1: {  	[dreg:$0x0] =	wrdreg $0xFFFFFFFF;
	(pc) =	sbr.abs _section_cstart, $3  }
0xc2: {  	[dreg:$0x1] =	wrdreg $0xFFFFFFFF  }
0xc3: {  	_ =	task.clear_ibuf [dreg:s8], $0x2FFFF;
	_ =	strace $0x9FFFFFFF  }
0xc4: {  	(tm) =	ssettm $0x7FFFFFFF  }
0xc5: {  	_ =	shalt  }
tec
execute0_lowered:
.L_overlay_start_1:
0x0: {  	(tag) =	ssettag $0x1  }
0x1: {  	s3 =	rddreg [dreg:$0x0]  }
0x2: {  	s5 =	rddreg [dreg:$0x1];
	s1 =	srdreg.scid  }
0x3: {  	s0 =	stileid.u32;
	s4 =	rddreg [dreg:$0x2];
	s2 =	simm.s32 $0x0  }
0x4: {  	s11 =	simm.s32 $0x4400;
	s12 =	simm.s32 $0x3;
	s13 =	simm.s32 $0x8400  }
0x5: {  	s14 =	simm.s32 $0xC400;
	s15 =	simm.s32 $0xA400;
	s16 =	simm.s32 $0x0  }
0x6: {  	s6 =	sand.u32 $0x1, s1;
	s7 =	sshll.u32 s0, $0x1;
	[smem:$0x7FF] =	sst s2  }
0x7: {  	s1 =	rddreg [dreg:$0x3];
	s7 =	sor.u32 s6, s7;
	_ =	strace $0x80000047  }
0x8: {  	s6 =	ssub.s32 $0x2, s6;
	s8 =	sshll.u32 s7, $0x4;
	s9 =	sshll.u32 s7, $0xA  }
.Ltmp0:
0x9: {  	s10 =	sshll.u32 s7, $0xE;
	s29 =	sshrl.u32 s6, $0x1;
	(pc) =	sbr.rel .LBB2_1-.Ltmp0, $4  }
0xa: {  	s31 =	sshll.u32 s7, $0x7;
	s8 =	sadd.s32 s8, s4;
	s9 =	sadd.s32 s9, s4  }
0xb: {  	s3 =	sadd.s32 s3, s10;
	s30 =	ssub.s32 s6, s29;
	s5 =	sadd.s32 s5, s31  }
0xc: {  	s10 =	simm.s32 $0x400;
	s4 =	sadd.s32 $0x800, s3;
	s6 =	sadd.s32 $0xE00, s9  }
0xd: {  	v0 =	vimm.f32 $1.600000000e+01;
	v1 =	vlaneseq.u32;
	v2 =	vimm.f32 $1.000000000e+00;
	s7 =	sadd.s32 $0x10E00, s8;
	s8 =	sadd.s32 $0x8E00, s9;
	s9 =	smax.u32 s30, $0x1  }
.LBB2_12:
0xe: {  	v4 =	vadd.f32 v8, v6;
	v63 =	vadd.f32 v9, v10  }
0xf: {  	v7 =	vadd.f32 v7, v11;
	v3 =	vadd.f32 v3, v5;
	_ =	sdelay $0x1  }
0x10: {  	v4 =	vadd.f32 v63, v4;
	v3 =	vadd.f32 v3, v7;
	_ =	sdelay $0x1  }
0x11: {  	v3 =	vadd.f32 v3, v4;
	_ =	sdelay $0x1  }
0x12: {  	[tilespmem:$0xC400] =	vst v3  }
0x13: {  	[hbm4b:s6+s2] =	stream.linear.scatter [tilespmem:s13], [sflag:$0x3], $0x2000, $0x38;
	[tilespmem:$0xC480] =	vst v63  }
0x14: {  	_ =	swait.ge [sflag:s12], $0x2000  }
0x15: {  	[sflag:s12] =	ssyncset.done $0x0  }
0x16: {  	[sflag:s12] =	ssyncadd.s32 $0xFFFFE000  }
0x17: {  	[hbm4b:s7+s2] =	stream.linear.scatter [tilespmem:s14], [sflag:$0x3], $0x80, $0x38;
	[tilespmem:$0xC480] =	vst v63  }
0x18: {  	s16 =	sadd.s32 $0x1, s16;
	_ =	swait.ge [sflag:s12], $0x80  }
0x19: {  	p0 =	sne.s32 s16, s9;
	[sflag:s12] =	ssyncset.done $0x0  }
.Ltmp1:
0x1a: {  	[sflag:s12] =	ssyncadd.s32 $0xFFFFFF80;
	(pc) =	sbr.rel @!p0 .LBB2_13-.Ltmp1, $4  }
0x1b: {  	[hbm4b:s8+s2] =	stream.linear.scatter [tilespmem:s15], [sflag:$0x3], $0x2000, $0x38;
	[tilespmem:$0xC480] =	vst v63  }
0x1c: {  	_ =	swait.ge [sflag:s12], $0x2000  }
0x1d: {  	[sflag:s12] =	ssyncset.done $0x0  }
0x1e: {  	[sflag:s12] =	ssyncadd.s32 $0xFFFFE000  }
.LBB2_1:
0x1f: {  	[tilespmem:s10], [sflag:$0x1] =	stream.linear.gather [hbm4b:s3+s2], $0x4000, $0x38;
	[tilespmem:$0xC480] =	vst v63  }
0x20: {  	_ = 	snop  }
0x21: {  	[tilespmem:s11], [sflag:$0x2] =	stream.linear.gather [hbm4b:s4+s2], $0x4000, $0x38;
	[tilespmem:$0xC480] =	vst v63  }
0x22: {  	_ = 	snop  }
0x23: {  	[tilespmem:s2], [sflag:$0x3] =	stream.linear.gather [hbm4b:s5+s2], $0x400, $0x38;
	[tilespmem:$0xC480] =	vst v63  }
0x24: {  	_ =	swait.ge [sflag:s12], $0x400  }
0x25: {  	[sflag:s12] =	ssyncset.done $0x0  }
0x26: {  	s17 =	simm.s32 $0x0;
	v3 =	vimm.f32 $0.0e+00;
	s18 =	simm.s32 $0x200;
	[sflag:s12] =	ssyncadd.s32 $0xFFFFFC00  }
.LBB2_2:
0x27: {  	p0 =	sne.s32 s18, $0x7E00;
	[tilespmem:s17+$0xA400] =	vst v3  }
0x28: {  	[tilespmem:s17+$0x8400] =	vst v3  }
0x29: {  	[tilespmem:s17+$0x8410] =	vst v3  }
0x2a: {  	[tilespmem:s17+$0x8420] =	vst v3  }
.Ltmp2:
0x2b: {  	[tilespmem:s17+$0x8430] =	vst v3;
	(pc) =	sbr.rel @p0 .LBB2_2-.Ltmp2, $4  }
0x2c: {  	[tilespmem:s17+$0x8440] =	vst v3  }
0x2d: {  	[tilespmem:s17+$0x8450] =	vst v3  }
0x2e: {  	[tilespmem:s17+$0x8460] =	vst v3  }
0x2f: {  	[tilespmem:s17+$0x8470] =	vst v3;
	s17 =	sshra.s32 s18, $0x2;
	s18 =	sadd.s32 $0x200, s18  }
0x30: {  	[tilespmem:s17+$0xA400] =	vst v3  }
0x31: {  	[tilespmem:s17+$0x8400] =	vst v3  }
0x32: {  	[tilespmem:s17+$0x8410] =	vst v3  }
0x33: {  	[tilespmem:s17+$0x8420] =	vst v3  }
.Ltmp3:
0x34: {  	[tilespmem:s17+$0x8430] =	vst v3;
	(pc) =	sbr.rel .LBB2_4-.Ltmp3, $4  }
0x35: {  	[tilespmem:s17+$0x8440] =	vst v3  }
0x36: {  	[tilespmem:s17+$0x8450] =	vst v3  }
0x37: {  	[tilespmem:s17+$0x8460] =	vst v3;
	v5 =	vmov v3;
	v7 =	vmov v3  }
0x38: {  	[tilespmem:s17+$0x8470] =	vst v3;
	s17 =	simm.s32 $0x0;
	p0 =	por $0x0, $0x0;
	v11 =	vmovc v3;
	v9 =	vmovc v3;
	v10 =	vmov v3;
	v8 =	vmov v3;
	v6 =	vmov v3  }
.LBB2_11:
0x39: {  	p2 =	sgt.u32 s17, $0x5  }
0x3a: {  	p1 =	por !p1, !p1;
	p3 =	sne.s32 @!p2 s18, $0x0  }
0x3b: {  	s18 =	sadd.s32 $0x2, s17;
	p1 =	por p2, p1;
	p3 =	por p3, p2  }
0x3c: {  	s17 =	sadd.s32 $0x1, s17;
	s19 =	sshll.u32 @!p3 s18, $0xB;
	s20 =	simm.s32 @!p3 $0x0  }
0x3d: {  	s21 =	simm.s32 @!p3 $0x400;
	s18 =	sshll.u32 @!p1 s18, $0xB;
	s19 =	sadd.s32 @!p3 s19, s3  }
0x3e: {  	[tilespmem:s21], [sflag:$0x1] =	stream.linear.gather @!p3 [hbm4b:s19+s20], $0x4000, $0x38;
	[tilespmem:$0xC480] =	vst v63  }
0x3f: {  	s18 =	sadd.s32 @!p1 s18, s3;
	s19 =	simm.s32 @!p1 $0x0;
	s20 =	simm.s32 @!p1 $0x4400  }
0x40: {  	[tilespmem:s20], [sflag:$0x2] =	stream.linear.gather @!p1 [hbm4b:s18+s19], $0x4000, $0x38;
	[tilespmem:$0xC480] =	vst v63  }
0x41: {  	p1 =	sne.s32 s17, $0x8  }
.Ltmp4:
0x42: {  	_ = 	snop;
	(pc) =	sbr.rel @!p1 .LBB2_12-.Ltmp4, $2  }
0x43: {  	_ =	sdelay $0x2  }
0x44: {  	p0 =	por !p0, !p0  }
.LBB2_4:
0x45: {  	s18 =	sand.u32 $0x1, s17  }
0x46: {  	p1 =	seq.s32 s18, $0x1  }
0x47: {  	s19 =	simm.s32 @!p1 $0x1  }
0x48: {  	s20 =	simm.s32 $0x1;
	_ =	swait.ge @!p1 [sflag:s19], $0x4000  }
.Ltmp5:
0x49: {  	p2 =	seq.s32 s18, $0x0;
	[sflag:s19] =	ssyncset.done @!p1 $0x0;
	(pc) =	sbr.rel .LBB2_5-.Ltmp5, $4  }
0x4a: {  	s31 =	sshll.u32 s17, $0x7;
	s21 =	simm.s32 @!p2 $0x2;
	[sflag:s19] =	ssyncadd.s32 @!p1 $0xFFFFC000  }
0x4b: {  	s20 =	simm.s32 @!p0 $0x0;
	s22 =	sand.u32 $0x3FFFFF80, s31;
	_ =	swait.ge @!p2 [sflag:s21], $0x4000  }
0x4c: {  	s30 =	sshll.u32 s20, $0xE;
	s20 =	sshll.u32 s18, $0x7;
	[sflag:s21] =	ssyncset.done @!p2 $0x0  }
0x4d: {  	v4 =	vmov s22;
	s19 =	sor.u32 $0x440, s30;
	[sflag:s21] =	ssyncadd.s32 @!p2 $0xFFFFC000;
	s21 =	simm.s32 $0x0  }
.LBB2_6:
0x4e: {  	s23 =	sadd.s32 s20, s23  }
0x4f: {  	s23 =	sshll.u32 s23, $0x7  }
0x50: {  	s23 =	sand.u32 $0x3FFFFF80, s23  }
0x51: {  	v12 =	vld [tilespmem:s23+$0x400]  }
0x52: {  	v13 =	vld [tilespmem:s23+$0x410]  }
0x53: {  	v14 =	vld [tilespmem:s23+$0x420]  }
0x54: {  	v15 =	vld [tilespmem:s23+$0x430]  }
0x55: {  	v16 =	vld [tilespmem:s23+$0x440]  }
0x56: {  	v17 =	vld [tilespmem:s23+$0x450]  }
0x57: {  	v18 =	vld [tilespmem:s23+$0x460]  }
0x58: {  	v19 =	vld [tilespmem:s23+$0x470]  }
0x59: {  	v20 =	vld [tilespmem:s23+$0x480]  }
0x5a: {  	v21 =	vld [tilespmem:s23+$0x490]  }
0x5b: {  	v24 =	vld [tilespmem:s23+$0x4A0]  }
0x5c: {  	v27 =	vld [tilespmem:s23+$0x4B0]  }
0x5d: {  	v30 =	vld [tilespmem:s23+$0x4C0];
	v22 =	vmul.f32 v12, v12;
	v23 =	vmul.f32 v13, v13  }
0x5e: {  	v33 =	vld [tilespmem:s23+$0x4D0];
	v25 =	vmul.f32 v14, v14;
	v26 =	vmul.f32 v15, v15  }
0x5f: {  	v36 =	vld [tilespmem:s23+$0x4E0];
	v28 =	vmul.f32 v16, v16;
	v29 =	vmul.f32 v17, v17  }
0x60: {  	v46 =	vld [tilespmem:s23+$0x4F0];
	v31 =	vmul.f32 v18, v18;
	v32 =	vmul.f32 v20, v20  }
0x61: {  	v49 =	vld [tilespmem:s23+$0x500];
	v34 =	vmul.f32 v19, v19;
	v35 =	vmul.f32 v21, v21  }
0x62: {  	v51 =	vld [tilespmem:s23+$0x510];
	v12 =	vadd.f32 v20, v12;
	v45 =	vmul.f32 v24, v24;
	v13 =	vadd.f32 v21, v13  }
0x63: {  	v53 =	vld [tilespmem:s23+$0x520];
	v48 =	vmul.f32 v27, v27;
	v14 =	vadd.f32 v24, v14;
	v15 =	vadd.f32 v27, v15  }
0x64: {  	v55 =	vld [tilespmem:s23+$0x530];
	v50 =	vmul.f32 v30, v30;
	v16 =	vadd.f32 v30, v16;
	v17 =	vadd.f32 v33, v17  }
0x65: {  	v57 =	vld [tilespmem:s23+$0x540];
	v52 =	vmul.f32 v33, v33;
	v18 =	vadd.f32 v36, v18;
	v19 =	vadd.f32 v46, v19  }
0x66: {  	v59 =	vld [tilespmem:s23+$0x550];
	v54 =	vmul.f32 v36, v36;
	v44 =	vadd.f32 v32, v22;
	v47 =	vadd.f32 v35, v23  }
0x67: {  	v61 =	vld [tilespmem:s23+$0x560];
	v56 =	vmul.f32 v46, v46;
	v22 =	vadd.f32 v45, v25;
	v23 =	vadd.f32 v48, v26  }
0x68: {  	v63 =	vld [tilespmem:s23+$0x570];
	v58 =	vmul.f32 v49, v49;
	v24 =	vadd.f32 v50, v28;
	v26 =	vadd.f32 v52, v29  }
0x69: {  	v60 =	vmul.f32 v51, v51;
	v28 =	vadd.f32 v54, v31;
	v29 =	vadd.f32 v56, v34  }
0x6a: {  	v41 =	vld [tilespmem:s23+$0x580];
	v62 =	vmul.f32 v53, v53;
	v12 =	vadd.f32 v49, v12;
	v13 =	vadd.f32 v51, v13  }
0x6b: {  	v43 =	vld [tilespmem:s23+$0x590];
	v40 =	vmul.f32 v55, v55;
	v14 =	vadd.f32 v53, v14;
	v15 =	vadd.f32 v55, v15  }
0x6c: {  	v42 =	vmul.f32 v57, v57;
	v45 =	vld [tilespmem:s23+$0x5A0];
	v16 =	vadd.f32 v57, v16;
	v17 =	vadd.f32 v59, v17  }
0x6d: {  	v46 =	vmul.f32 v61, v61;
	v49 =	vld [tilespmem:s23+$0x5C0];
	v18 =	vadd.f32 v61, v18;
	v19 =	vadd.f32 v63, v19  }
0x6e: {  	v48 =	vmul.f32 v63, v63;
	v51 =	vld [tilespmem:s23+$0x5D0];
	v20 =	vadd.f32 v58, v44;
	v21 =	vadd.f32 v60, v47  }
0x6f: {  	v50 =	vmul.f32 v41, v41;
	v53 =	vld [tilespmem:s23+$0x5E0];
	v22 =	vadd.f32 v62, v22;
	v23 =	vadd.f32 v40, v23  }
0x70: {  	v55 =	vld [tilespmem:s23+$0x5F0];
	v44 =	vmul.f32 v59, v59;
	v24 =	vadd.f32 v42, v24;
	v27 =	vadd.f32 v46, v28  }
0x71: {  	v52 =	vmul.f32 v43, v43;
	v57 =	vld [tilespmem:s23+$0x600];
	v12 =	vadd.f32 v41, v12;
	v13 =	vadd.f32 v43, v13  }
0x72: {  	v47 =	vld [tilespmem:s23+$0x5B0];
	v25 =	vadd.f32 v44, v26;
	v26 =	vadd.f32 v48, v29  }
0x73: {  	v61 =	vld [tilespmem:s23+$0x620];
	v20 =	vadd.f32 v50, v20;
	v21 =	vadd.f32 v52, v21;
	v54 =	vmul.f32 v45, v45  }
0x74: {  	v63 =	vld [tilespmem:s23+$0x630];
	v14 =	vadd.f32 v45, v14;
	v58 =	vmul.f32 v49, v49;
	v16 =	vadd.f32 v49, v16  }
0x75: {  	v59 =	vld [tilespmem:s23+$0x610];
	v60 =	vmul.f32 v51, v51;
	v17 =	vadd.f32 v51, v17;
	v18 =	vadd.f32 v53, v18  }
0x76: {  	v41 =	vld [tilespmem:s23+$0x640];
	v62 =	vmul.f32 v53, v53;
	v19 =	vadd.f32 v55, v19;
	v12 =	vadd.f32 v57, v12  }
0x77: {  	v43 =	vld [tilespmem:s23+$0x650];
	v40 =	vmul.f32 v55, v55;
	v22 =	vadd.f32 v54, v22;
	v15 =	vadd.f32 v47, v15  }
0x78: {  	v42 =	vmul.f32 v57, v57;
	v45 =	vld [tilespmem:s23+$0x660];
	v24 =	vadd.f32 v58, v24;
	v25 =	vadd.f32 v60, v25  }
0x79: {  	v46 =	vmul.f32 v61, v61;
	v49 =	vld [tilespmem:s23+$0x680];
	v27 =	vadd.f32 v62, v27;
	v26 =	vadd.f32 v40, v26  }
0x7a: {  	v51 =	vld [tilespmem:s23+$0x690];
	v56 =	vmul.f32 v47, v47;
	v20 =	vadd.f32 v42, v20;
	v13 =	vadd.f32 v59, v13  }
0x7b: {  	v53 =	vld [tilespmem:s23+$0x6A0];
	v44 =	vmul.f32 v59, v59;
	v14 =	vadd.f32 v61, v14;
	v16 =	vadd.f32 v41, v16  }
0x7c: {  	v57 =	vld [tilespmem:s23+$0x6C0];
	v50 =	vmul.f32 v41, v41;
	v17 =	vadd.f32 v43, v17;
	v23 =	vadd.f32 v56, v23  }
0x7d: {  	v55 =	vld [tilespmem:s23+$0x6B0];
	v52 =	vmul.f32 v43, v43;
	v21 =	vadd.f32 v44, v21;
	v22 =	vadd.f32 v46, v22  }
0x7e: {  	v48 =	vmul.f32 v63, v63;
	v47 =	vld [tilespmem:s23+$0x670];
	v15 =	vadd.f32 v63, v15;
	v24 =	vadd.f32 v50, v24  }
0x7f: {  	v59 =	vld [tilespmem:s23+$0x6D0];
	v25 =	vadd.f32 v52, v25;
	v54 =	vmul.f32 v45, v45;
	v18 =	vadd.f32 v45, v18  }
0x80: {  	v61 =	vld [tilespmem:s23+$0x6E0];
	v58 =	vmul.f32 v49, v49;
	v12 =	vadd.f32 v49, v12;
	v13 =	vadd.f32 v51, v13  }
0x81: {  	v41 =	vld [tilespmem:s23+$0x700];
	v60 =	vmul.f32 v51, v51;
	v14 =	vadd.f32 v53, v14;
	v16 =	vadd.f32 v57, v16  }
0x82: {  	v43 =	vld [tilespmem:s23+$0x710];
	v62 =	vmul.f32 v53, v53;
	v23 =	vadd.f32 v48, v23;
	v15 =	vadd.f32 v55, v15  }
0x83: {  	v63 =	vld [tilespmem:s23+$0x6F0];
	v42 =	vmul.f32 v57, v57;
	v27 =	vadd.f32 v54, v27;
	v19 =	vadd.f32 v47, v19  }
0x84: {  	v40 =	vmul.f32 v55, v55;
	v45 =	vld [tilespmem:s23+$0x720];
	v20 =	vadd.f32 v58, v20;
	v21 =	vadd.f32 v60, v21  }
0x85: {  	v49 =	vld [tilespmem:s23+$0x740];
	v56 =	vmul.f32 v47, v47;
	v22 =	vadd.f32 v62, v22;
	v24 =	vadd.f32 v42, v24  }
0x86: {  	v51 =	vld [tilespmem:s23+$0x750];
	v44 =	vmul.f32 v59, v59;
	v17 =	vadd.f32 v59, v17;
	v18 =	vadd.f32 v61, v18  }
0x87: {  	v53 =	vld [tilespmem:s23+$0x760];
	v46 =	vmul.f32 v61, v61;
	v12 =	vadd.f32 v41, v12;
	v13 =	vadd.f32 v43, v13  }
0x88: {  	v57 =	vld [tilespmem:s23+$0x780];
	v50 =	vmul.f32 v41, v41;
	v23 =	vadd.f32 v40, v23;
	v26 =	vadd.f32 v56, v26  }
0x89: {  	v55 =	vld [tilespmem:s23+$0x770];
	v52 =	vmul.f32 v43, v43;
	v25 =	vadd.f32 v44, v25;
	v27 =	vadd.f32 v46, v27  }
0x8a: {  	v47 =	vld [tilespmem:s23+$0x730];
	v48 =	vmul.f32 v63, v63;
	v19 =	vadd.f32 v63, v19;
	v20 =	vadd.f32 v50, v20  }
0x8b: {  	v59 =	vld [tilespmem:s23+$0x790];
	v21 =	vadd.f32 v52, v21;
	v54 =	vmul.f32 v45, v45;
	v14 =	vadd.f32 v45, v14  }
0x8c: {  	v61 =	vld [tilespmem:s23+$0x7A0];
	v58 =	vmul.f32 v49, v49;
	v16 =	vadd.f32 v49, v16;
	v17 =	vadd.f32 v51, v17  }
0x8d: {  	v41 =	vld [tilespmem:s23+$0x7C0];
	v60 =	vmul.f32 v51, v51;
	v18 =	vadd.f32 v53, v18;
	v12 =	vadd.f32 v57, v12  }
0x8e: {  	v43 =	vld [tilespmem:s23+$0x7D0];
	v62 =	vmul.f32 v53, v53;
	v26 =	vadd.f32 v48, v26;
	v19 =	vadd.f32 v55, v19  }
0x8f: {  	v63 =	vld [tilespmem:s23+$0x7B0];
	v42 =	vmul.f32 v57, v57;
	v22 =	vadd.f32 v54, v22;
	v15 =	vadd.f32 v47, v15  }
0x90: {  	v45 =	vld [tilespmem:s23+$0x7E0];
	v40 =	vmul.f32 v55, v55;
	v24 =	vadd.f32 v58, v24;
	v25 =	vadd.f32 v60, v25  }
0x91: {  	v49 =	vld [tilespmem:s23+$0x800];
	v56 =	vmul.f32 v47, v47;
	v27 =	vadd.f32 v62, v27;
	v20 =	vadd.f32 v42, v20  }
0x92: {  	v51 =	vld [tilespmem:s23+$0x810];
	v44 =	vmul.f32 v59, v59;
	v13 =	vadd.f32 v59, v13;
	v14 =	vadd.f32 v61, v14  }
0x93: {  	v53 =	vld [tilespmem:s23+$0x820];
	v46 =	vmul.f32 v61, v61;
	v16 =	vadd.f32 v41, v16;
	v17 =	vadd.f32 v43, v17  }
0x94: {  	v57 =	vld [tilespmem:s23+$0x840];
	v50 =	vmul.f32 v41, v41;
	v26 =	vadd.f32 v40, v26;
	v23 =	vadd.f32 v56, v23  }
0x95: {  	v55 =	vld [tilespmem:s23+$0x830];
	v52 =	vmul.f32 v43, v43;
	v21 =	vadd.f32 v44, v21;
	v22 =	vadd.f32 v46, v22  }
0x96: {  	v47 =	vld [tilespmem:s23+$0x7F0];
	v48 =	vmul.f32 v63, v63;
	v15 =	vadd.f32 v63, v15;
	v24 =	vadd.f32 v50, v24  }
0x97: {  	v59 =	vld [tilespmem:s23+$0x850];
	v25 =	vadd.f32 v52, v25;
	v54 =	vmul.f32 v45, v45;
	v18 =	vadd.f32 v45, v18  }
0x98: {  	v61 =	vld [tilespmem:s23+$0x860];
	v58 =	vmul.f32 v49, v49;
	v12 =	vadd.f32 v49, v12;
	v13 =	vadd.f32 v51, v13  }
0x99: {  	v41 =	vld [tilespmem:s23+$0x880];
	v60 =	vmul.f32 v51, v51;
	v14 =	vadd.f32 v53, v14;
	v16 =	vadd.f32 v57, v16  }
0x9a: {  	v43 =	vld [tilespmem:s23+$0x890];
	v62 =	vmul.f32 v53, v53;
	v23 =	vadd.f32 v48, v23;
	v15 =	vadd.f32 v55, v15  }
0x9b: {  	v63 =	vld [tilespmem:s23+$0x870];
	v42 =	vmul.f32 v57, v57;
	v27 =	vadd.f32 v54, v27;
	v19 =	vadd.f32 v47, v19  }
0x9c: {  	v45 =	vld [tilespmem:s23+$0x8A0];
	v40 =	vmul.f32 v55, v55;
	v20 =	vadd.f32 v58, v20;
	v21 =	vadd.f32 v60, v21  }
0x9d: {  	v49 =	vld [tilespmem:s23+$0x8C0];
	v56 =	vmul.f32 v47, v47;
	v22 =	vadd.f32 v62, v22;
	v24 =	vadd.f32 v42, v24  }
0x9e: {  	v51 =	vld [tilespmem:s23+$0x8D0];
	v44 =	vmul.f32 v59, v59;
	v17 =	vadd.f32 v59, v17;
	v18 =	vadd.f32 v61, v18  }
0x9f: {  	v53 =	vld [tilespmem:s23+$0x8E0];
	v46 =	vmul.f32 v61, v61;
	v12 =	vadd.f32 v41, v12;
	v13 =	vadd.f32 v43, v13  }
0xa0: {  	v57 =	vld [tilespmem:s23+$0x900];
	v50 =	vmul.f32 v41, v41;
	v23 =	vadd.f32 v40, v23;
	v26 =	vadd.f32 v56, v26  }
0xa1: {  	v55 =	vld [tilespmem:s23+$0x8F0];
	v52 =	vmul.f32 v43, v43;
	v25 =	vadd.f32 v44, v25;
	v27 =	vadd.f32 v46, v27  }
0xa2: {  	v47 =	vld [tilespmem:s23+$0x8B0];
	v48 =	vmul.f32 v63, v63;
	v19 =	vadd.f32 v63, v19;
	v20 =	vadd.f32 v50, v20  }
0xa3: {  	v59 =	vld [tilespmem:s23+$0x910];
	v21 =	vadd.f32 v52, v21;
	v54 =	vmul.f32 v45, v45;
	v14 =	vadd.f32 v45, v14  }
0xa4: {  	v61 =	vld [tilespmem:s23+$0x920];
	v58 =	vmul.f32 v49, v49;
	v16 =	vadd.f32 v49, v16;
	v17 =	vadd.f32 v51, v17  }
0xa5: {  	v41 =	vld [tilespmem:s23+$0x940];
	v60 =	vmul.f32 v51, v51;
	v18 =	vadd.f32 v53, v18;
	v12 =	vadd.f32 v57, v12  }
0xa6: {  	v43 =	vld [tilespmem:s23+$0x950];
	v62 =	vmul.f32 v53, v53;
	v26 =	vadd.f32 v48, v26;
	v19 =	vadd.f32 v55, v19  }
0xa7: {  	v63 =	vld [tilespmem:s23+$0x930];
	v42 =	vmul.f32 v57, v57;
	v22 =	vadd.f32 v54, v22;
	v15 =	vadd.f32 v47, v15  }
0xa8: {  	v45 =	vld [tilespmem:s23+$0x960];
	v40 =	vmul.f32 v55, v55;
	v24 =	vadd.f32 v58, v24;
	v25 =	vadd.f32 v60, v25  }
0xa9: {  	v49 =	vld [tilespmem:s23+$0x980];
	v56 =	vmul.f32 v47, v47;
	v27 =	vadd.f32 v62, v27;
	v20 =	vadd.f32 v42, v20  }
0xaa: {  	v51 =	vld [tilespmem:s23+$0x990];
	v44 =	vmul.f32 v59, v59;
	v13 =	vadd.f32 v59, v13;
	v14 =	vadd.f32 v61, v14  }
0xab: {  	v53 =	vld [tilespmem:s23+$0x9A0];
	v46 =	vmul.f32 v61, v61;
	v16 =	vadd.f32 v41, v16;
	v17 =	vadd.f32 v43, v17  }
0xac: {  	v57 =	vld [tilespmem:s23+$0x9C0];
	v50 =	vmul.f32 v41, v41;
	v26 =	vadd.f32 v40, v26;
	v23 =	vadd.f32 v56, v23  }
0xad: {  	v55 =	vld [tilespmem:s23+$0x9B0];
	v52 =	vmul.f32 v43, v43;
	v21 =	vadd.f32 v44, v21;
	v22 =	vadd.f32 v46, v22  }
0xae: {  	v47 =	vld [tilespmem:s23+$0x970];
	v48 =	vmul.f32 v63, v63;
	v15 =	vadd.f32 v63, v15;
	v24 =	vadd.f32 v50, v24  }
0xaf: {  	v59 =	vld [tilespmem:s23+$0x9D0];
	v25 =	vadd.f32 v52, v25;
	v54 =	vmul.f32 v45, v45;
	v18 =	vadd.f32 v45, v18  }
0xb0: {  	v61 =	vld [tilespmem:s23+$0x9E0];
	v58 =	vmul.f32 v49, v49;
	v12 =	vadd.f32 v49, v12;
	v13 =	vadd.f32 v51, v13  }
0xb1: {  	v41 =	vld [tilespmem:s23+$0xA00];
	v60 =	vmul.f32 v51, v51;
	v14 =	vadd.f32 v53, v14;
	v16 =	vadd.f32 v57, v16  }
0xb2: {  	v43 =	vld [tilespmem:s23+$0xA10];
	v62 =	vmul.f32 v53, v53;
	v23 =	vadd.f32 v48, v23;
	v15 =	vadd.f32 v55, v15  }
0xb3: {  	v63 =	vld [tilespmem:s23+$0x9F0];
	v42 =	vmul.f32 v57, v57;
	v27 =	vadd.f32 v54, v27;
	v19 =	vadd.f32 v47, v19  }
0xb4: {  	v45 =	vld [tilespmem:s23+$0xA20];
	v40 =	vmul.f32 v55, v55;
	v20 =	vadd.f32 v58, v20;
	v21 =	vadd.f32 v60, v21  }
0xb5: {  	v49 =	vld [tilespmem:s23+$0xA40];
	v56 =	vmul.f32 v47, v47;
	v22 =	vadd.f32 v62, v22;
	v24 =	vadd.f32 v42, v24  }
0xb6: {  	v51 =	vld [tilespmem:s23+$0xA50];
	v44 =	vmul.f32 v59, v59;
	v17 =	vadd.f32 v59, v17;
	v18 =	vadd.f32 v61, v18  }
0xb7: {  	v53 =	vld [tilespmem:s23+$0xA60];
	v46 =	vmul.f32 v61, v61;
	v12 =	vadd.f32 v41, v12;
	v13 =	vadd.f32 v43, v13  }
0xb8: {  	v57 =	vld [tilespmem:s23+$0xA80];
	v50 =	vmul.f32 v41, v41;
	v23 =	vadd.f32 v40, v23;
	v26 =	vadd.f32 v56, v26  }
0xb9: {  	v55 =	vld [tilespmem:s23+$0xA70];
	v52 =	vmul.f32 v43, v43;
	v25 =	vadd.f32 v44, v25;
	v27 =	vadd.f32 v46, v27  }
0xba: {  	v47 =	vld [tilespmem:s23+$0xA30];
	v48 =	vmul.f32 v63, v63;
	v19 =	vadd.f32 v63, v19;
	v20 =	vadd.f32 v50, v20  }
0xbb: {  	v59 =	vld [tilespmem:s23+$0xA90];
	v21 =	vadd.f32 v52, v21;
	v54 =	vmul.f32 v45, v45;
	v14 =	vadd.f32 v45, v14  }
0xbc: {  	v61 =	vld [tilespmem:s23+$0xAA0];
	v58 =	vmul.f32 v49, v49;
	v16 =	vadd.f32 v49, v16;
	v17 =	vadd.f32 v51, v17  }
0xbd: {  	v41 =	vld [tilespmem:s23+$0xAC0];
	v60 =	vmul.f32 v51, v51;
	v18 =	vadd.f32 v53, v18;
	v12 =	vadd.f32 v57, v12  }
0xbe: {  	v43 =	vld [tilespmem:s23+$0xAD0];
	v62 =	vmul.f32 v53, v53;
	v26 =	vadd.f32 v48, v26;
	v19 =	vadd.f32 v55, v19  }
0xbf: {  	v63 =	vld [tilespmem:s23+$0xAB0];
	v42 =	vmul.f32 v57, v57;
	v22 =	vadd.f32 v54, v22;
	v15 =	vadd.f32 v47, v15  }
0xc0: {  	v45 =	vld [tilespmem:s23+$0xAE0];
	v40 =	vmul.f32 v55, v55;
	v24 =	vadd.f32 v58, v24;
	v25 =	vadd.f32 v60, v25  }
0xc1: {  	v49 =	vld [tilespmem:s23+$0xB00];
	v56 =	vmul.f32 v47, v47;
	v27 =	vadd.f32 v62, v27;
	v20 =	vadd.f32 v42, v20  }
0xc2: {  	v51 =	vld [tilespmem:s23+$0xB10];
	v44 =	vmul.f32 v59, v59;
	v13 =	vadd.f32 v59, v13;
	v14 =	vadd.f32 v61, v14  }
0xc3: {  	v53 =	vld [tilespmem:s23+$0xB20];
	v46 =	vmul.f32 v61, v61;
	v16 =	vadd.f32 v41, v16;
	v17 =	vadd.f32 v43, v17  }
0xc4: {  	v57 =	vld [tilespmem:s23+$0xB40];
	v50 =	vmul.f32 v41, v41;
	v26 =	vadd.f32 v40, v26;
	v23 =	vadd.f32 v56, v23  }
0xc5: {  	v55 =	vld [tilespmem:s23+$0xB30];
	v52 =	vmul.f32 v43, v43;
	v21 =	vadd.f32 v44, v21;
	v22 =	vadd.f32 v46, v22  }
0xc6: {  	v47 =	vld [tilespmem:s23+$0xAF0];
	v48 =	vmul.f32 v63, v63;
	v15 =	vadd.f32 v63, v15;
	v24 =	vadd.f32 v50, v24  }
0xc7: {  	v59 =	vld [tilespmem:s23+$0xB50];
	v25 =	vadd.f32 v52, v25;
	v54 =	vmul.f32 v45, v45;
	v18 =	vadd.f32 v45, v18  }
0xc8: {  	v61 =	vld [tilespmem:s23+$0xB60];
	v58 =	vmul.f32 v49, v49;
	v12 =	vadd.f32 v49, v12;
	v13 =	vadd.f32 v51, v13  }
0xc9: {  	v41 =	vld [tilespmem:s23+$0xB80];
	v60 =	vmul.f32 v51, v51;
	v14 =	vadd.f32 v53, v14;
	v16 =	vadd.f32 v57, v16  }
0xca: {  	v43 =	vld [tilespmem:s23+$0xB90];
	v62 =	vmul.f32 v53, v53;
	v23 =	vadd.f32 v48, v23;
	v15 =	vadd.f32 v55, v15  }
0xcb: {  	v42 =	vmul.f32 v57, v57;
	v27 =	vadd.f32 v54, v27;
	v19 =	vadd.f32 v47, v19  }
0xcc: {  	v63 =	vld [tilespmem:s23+$0xB70];
	v40 =	vmul.f32 v55, v55;
	v20 =	vadd.f32 v58, v20;
	v21 =	vadd.f32 v60, v21  }
0xcd: {  	v45 =	vld [tilespmem:s23+$0xBA0];
	v56 =	vmul.f32 v47, v47;
	v22 =	vadd.f32 v62, v22;
	v24 =	vadd.f32 v42, v24  }
0xce: {  	v49 =	vld [tilespmem:s23+$0xBC0];
	v44 =	vmul.f32 v59, v59;
	v17 =	vadd.f32 v59, v17;
	v18 =	vadd.f32 v61, v18  }
0xcf: {  	v51 =	vld [tilespmem:s23+$0xBD0];
	v46 =	vmul.f32 v61, v61;
	v12 =	vadd.f32 v41, v12;
	v13 =	vadd.f32 v43, v13  }
0xd0: {  	v53 =	vld [tilespmem:s23+$0xBE0];
	v50 =	vmul.f32 v41, v41;
	v23 =	vadd.f32 v40, v23;
	v26 =	vadd.f32 v56, v26  }
0xd1: {  	v55 =	vld [tilespmem:s23+$0xBF0];
	v52 =	vmul.f32 v43, v43;
	v25 =	vadd.f32 v44, v25;
	v27 =	vadd.f32 v46, v27  }
0xd2: {  	v48 =	vmul.f32 v63, v63;
	v19 =	vadd.f32 v63, v19;
	v20 =	vadd.f32 v50, v20  }
0xd3: {  	v47 =	vld [tilespmem:s23+$0xBB0];
	v21 =	vadd.f32 v52, v21;
	v54 =	vmul.f32 v45, v45;
	v14 =	vadd.f32 v45, v14  }
0xd4: {  	s22 =	sshll.u32 s22, $0x7;
	v57 =	vmul.f32 v49, v49;
	v16 =	vadd.f32 v49, v16;
	v17 =	vadd.f32 v51, v17  }
0xd5: {  	[tilespmem:s22+$0xA400] =	vst.add.f32.msk $0xffff, v0;
	v58 =	vmul.f32 v51, v51;
	v61 =	vadd.f32 v53, v18;
	v26 =	vadd.f32 v48, v26  }
0xd6: {  	[tilespmem:s22+$0x8400] =	vst.add.f32.msk $0xffff, v12;
	v59 =	vmul.f32 v53, v53;
	v62 =	vadd.f32 v55, v19;
	v6 =	vadd.f32 v20, v6  }
0xd7: {  	[tilespmem:s22+$0x8410] =	vst.add.f32.msk $0xffff, v13;
	v60 =	vmul.f32 v55, v55;
	v8 =	vadd.f32 v21, v8;
	v22 =	vadd.f32 v54, v22  }
0xd8: {  	v56 =	vmul.f32 v47, v47;
	v15 =	vadd.f32 v47, v15;
	v24 =	vadd.f32 v57, v24;
	[tilespmem:s22+$0x8420] =	vst.add.f32.msk $0xffff, v14  }
0xd9: {  	v12 =	vadd.f32 v58, v25;
	v13 =	vadd.f32 v59, v27;
	[tilespmem:s22+$0x8440] =	vst.add.f32.msk $0xffff, v16  }
0xda: {  	[tilespmem:s22+$0x8450] =	vst.add.f32.msk $0xffff, v17;
	v63 =	vadd.f32 v60, v26;
	v23 =	vadd.f32 v56, v23  }
0xdb: {  	[tilespmem:s22+$0x8460] =	vst.add.f32.msk $0xffff, v61;
	v10 =	vadd.f32 v22, v10;
	v11 =	vadd.f32 v24, v11  }
0xdc: {  	[tilespmem:s22+$0x8470] =	vst.add.f32.msk $0xffff, v62;
	v7 =	vadd.f32 v12, v7;
	v9 =	vadd.f32 v23, v9  }
0xdd: {  	[tilespmem:s22+$0x8430] =	vst.add.f32.msk $0xffff, v15;
	v5 =	vadd.f32 v13, v5;
	v3 =	vadd.f32 v63, v3  }
.LBB2_10:
0xde: {  	s21 =	sadd.s32 $0x1, s21  }
0xdf: {  	p2 =	sne.s32 s21, $0x8  }
.Ltmp6:
0xe0: {  	_ = 	snop;
	(pc) =	sbr.rel @!p2 .LBB2_11-.Ltmp6, $2  }
0xe1: {  	_ =	sdelay $0x2  }
0xe2: {  	s19 =	sadd.s32 $0x800, s19  }
.LBB2_5:
0xe3: {  	_ =	sdelay $0x2  }
0xe4: {  	s23 =	sshll.u32 s21, $0x4  }
0xe5: {  	v12 =	vld.idx.msk [tilespmem:v4+s23+$0x0 ss:$0x1], $0xffff;
	_ =	sdelay $0x4  }
0xe6: {  	(v2sf) =	vpush v12, $0x0  }
0xe7: {  	(v2sf) =	vpush v12, $0xF;
	_ =	sdelay $0xd  }
0xe8: {  	s22 =	spop (v2sf)  }
0xe9: {  	s24 =	spop (v2sf)  }
0xea: {  	p2 =	sne.s32 s22, s24  }
.Ltmp7:
0xeb: {  	_ = 	snop;
	(pc) =	sbr.rel @!p2 .LBB2_6-.Ltmp7, $2  }
0xec: {  	_ =	sdelay $0x2  }
0xed: {  	s24 =	simm.s32 $0x0  }
0xee: {  	v13 =	vmov s24  }
0xef: {  	vm0 =	veq.s32 v13, v1  }
0xf0: {  	v13 =	vnsel vm0, $0x0, v12  }
0xf1: {  	(xrf0) =	vadd.scan.msk.s32 $0xffff, v13;
	_ =	sdelay $0x5  }
0xf2: {  	v13, _, _ =	vpop (xrf0)  }
0xf3: {  	(v2sf) =	vpush v13, $0xF;
	_ =	sdelay $0x4  }
0xf4: {  	s22 =	simm.s32 $0x1  }
0xf5: {  	v13 =	vmov s22  }
0xf6: {  	vm12 =	veq.s32 v13, v1  }
0xf7: {  	v13 =	vnsel vm12, $0x0, v12  }
0xf8: {  	(xrf0) =	vadd.scan.msk.s32 $0xffff, v13;
	_ =	sdelay $0x2  }
0xf9: {  	v13 =	vld [tilespmem:s19+$0xFFFFFFC0];
	_ =	sdelay $0x2  }
0xfa: {  	v14, _, _ =	vpop (xrf0);
	s25 =	spop (v2sf)  }
0xfb: {  	(v2sf) =	vpush v14, $0xF;
	s25 =	sshll.u32 s25, $0x7  }
0xfc: {  	[tilespmem:s25+$0x8400] =	vst.add.f32.msk $0xffff, v13  }
0xfd: {  	v14 =	vld [tilespmem:s19+$0xFFFFFFD0];
	_ =	sdelay $0x2  }
0xfe: {  	s26 =	simm.s32 $0x2  }
0xff: {  	v15 =	vmov s26  }
0x100: {  	vm13 =	veq.s32 v15, v1;
	[tilespmem:s25+$0x8410] =	vst.add.f32.msk $0xffff, v14  }
0x101: {  	v16 =	vnsel vm13, $0x0, v12;
	v15 =	vld [tilespmem:s19+$0xFFFFFFE0]  }
0x102: {  	(xrf0) =	vadd.scan.msk.s32 $0xffff, v16;
	_ =	sdelay $0x1  }
0x103: {  	s24 =	sadd.s32 $0x80, s19  }
0x104: {  	v16 =	vld [tilespmem:s24+$0xFFFFFFC0]  }
0x105: {  	[tilespmem:s25+$0x8420] =	vst.add.f32.msk $0xffff, v15  }
0x106: {  	v17 =	vld [tilespmem:s19+$0xFFFFFFF0]  }
0x107: {  	v18, _, _ =	vpop (xrf0);
	s30 =	spop (v2sf)  }
0x108: {  	(v2sf) =	vpush v18, $0xF;
	s22 =	sshll.u32 s30, $0x7  }
0x109: {  	[tilespmem:s22+$0x8400] =	vst.add.f32.msk $0xffff, v16  }
0x10a: {  	v18 =	vld [tilespmem:s24+$0xFFFFFFD0]  }
0x10b: {  	[tilespmem:s25+$0x8430] =	vst.add.f32.msk $0xffff, v17  }
0x10c: {  	v19 =	vld [tilespmem:s19+$0x0];
	_ =	sdelay $0x1  }
0x10d: {  	s23 =	simm.s32 $0x3  }
0x10e: {  	v22 =	vmov s23;
	[tilespmem:s22+$0x8410] =	vst.add.f32.msk $0xffff, v18  }
0x10f: {  	vm14 =	veq.s32 v22, v1;
	v13 =	vmul.f32 v13, v13;
	v20 =	vld [tilespmem:s24+$0xFFFFFFE0]  }
0x110: {  	v22 =	vnsel vm14, $0x0, v12;
	[tilespmem:s25+$0x8440] =	vst.add.f32.msk $0xffff, v19  }
0x111: {  	(xrf0) =	vadd.scan.msk.s32 $0xffff, v22;
	v6 =	vadd.f32 v13, v6;
	v13 =	vmul.f32 v15, v15;
	v21 =	vld [tilespmem:s19+$0x10]  }
0x112: {  	s28 =	sadd.s32 $0x80, s24  }
0x113: {  	v23 =	vld [tilespmem:s28+$0xFFFFFFC0];
	v14 =	vmul.f32 v14, v14;
	v10 =	vadd.f32 v13, v10;
	v13 =	vmul.f32 v18, v18  }
0x114: {  	[tilespmem:s22+$0x8420] =	vst.add.f32.msk $0xffff, v20  }
0x115: {  	v8 =	vadd.f32 v14, v8;
	v24 =	vld [tilespmem:s24+$0xFFFFFFF0]  }
0x116: {  	s31 =	spop (v2sf);
	[tilespmem:s25+$0x8450] =	vst.add.f32.msk $0xffff, v21  }
0x117: {  	v15 =	vmul.f32 v17, v17;
	v17 =	vmul.f32 v19, v19;
	v19 =	vadd.f32 v13, v8;
	v13, _, _ =	vpop (xrf0);
	s23 =	sshll.u32 s31, $0x7;
	v63 =	vld [tilespmem:s19+$0x20]  }
0x118: {  	(v2sf) =	vpush v13, $0xF;
	[tilespmem:s23+$0x8400] =	vst.add.f32.msk $0xffff, v23  }
0x119: {  	v14 =	vmul.f32 v16, v16;
	v16 =	vld [tilespmem:s28+$0xFFFFFFD0]  }
0x11a: {  	v15 =	vadd.f32 v15, v9;
	v9 =	vmul.f32 v20, v20;
	[tilespmem:s22+$0x8430] =	vst.add.f32.msk $0xffff, v24  }
0x11b: {  	v18 =	vld [tilespmem:s24+$0x0]  }
0x11c: {  	v14 =	vadd.f32 v14, v6;
	v8 =	vadd.f32 v9, v10;
	v9 =	vmul.f32 v23, v23;
	[tilespmem:s25+$0x8460] =	vst.add.f32.msk $0xffff, v63  }
0x11d: {  	s26 =	simm.s32 $0x4;
	v6 =	vadd.f32 v17, v11;
	v11 =	vmul.f32 v21, v21;
	v13 =	vld [tilespmem:s19+$0x30]  }
0x11e: {  	v9 =	vadd.f32 v9, v14;
	v14 =	vmov s26;
	v10 =	vmul.f32 v24, v24;
	[tilespmem:s23+$0x8410] =	vst.add.f32.msk $0xffff, v16  }
0x11f: {  	v7 =	vadd.f32 v11, v7;
	v11 =	vmul.f32 v63, v63;
	v17 =	vmul.f32 v16, v16;
	[tilespmem:s25+$0xA400] =	vst.add.f32.msk $0xffff, v2  }
0x120: {  	vm15 =	veq.s32 v14, v1;
	v10 =	vadd.f32 v10, v15;
	v14 =	vld [tilespmem:s28+$0xFFFFFFE0];
	v15 =	vmul.f32 v18, v18  }
0x121: {  	s29 =	simm.s32 $0x5;
	s26 =	smov.u32 s28;
	v16 =	vnsel vm15, $0x0, v12;
	v11 =	vadd.f32 v11, v5;
	v5 =	vadd.f32 v17, v19;
	[tilespmem:s22+$0x8440] =	vst.add.f32.msk $0xffff, v18  }
.LBB2_8:
0x122: {  	p2 =	sne.s32 s29, $0xF;
	(xrf0) =	vadd.scan.msk.s32 $0xffff, v16;
	v6 =	vadd.f32 v15, v6;
	v15 =	vld [tilespmem:s24+$0x10];
	v16 =	vmul.f32 v13, v13  }
0x123: {  	s28 =	sadd.s32 $0x80, s28;
	[tilespmem:s25+$0x8470] =	vst.add.f32.msk $0xffff, v13;
	s25 =	smov.u32 s22;
	s22 =	smov.u32 s23  }
0x124: {  	v13 =	vld [tilespmem:s28+$0xFFFFFFC0];
	v3 =	vadd.f32 v16, v3  }
0x125: {  	[tilespmem:s22+$0x8420] =	vst.add.f32.msk $0xffff, v14;
	v14 =	vmul.f32 v14, v14  }
0x126: {  	v16 =	vld [tilespmem:s26+$0xFFFFFFF0]  }
0x127: {  	s23 =	spop (v2sf);
	v8 =	vadd.f32 v14, v8;
	[tilespmem:s25+$0x8450] =	vst.add.f32.msk $0xffff, v15;
	v14 =	vmul.f32 v15, v15  }
0x128: {  	v15, _, _ =	vpop (xrf0);
	s23 =	sshll.u32 s23, $0x7;
	v17 =	vld [tilespmem:s24+$0x20]  }
0x129: {  	(v2sf) =	vpush v15, $0xF;
	[tilespmem:s23+$0x8400] =	vst.add.f32.msk $0xffff, v13;
	v13 =	vmul.f32 v13, v13;
	v7 =	vadd.f32 v14, v7  }
0x12a: {  	v14 =	vld [tilespmem:s28+$0xFFFFFFD0]  }
0x12b: {  	v9 =	vadd.f32 v13, v9;
	[tilespmem:s22+$0x8430] =	vst.add.f32.msk $0xffff, v16;
	v13 =	vmul.f32 v16, v16  }
0x12c: {  	v18 =	vld [tilespmem:s26+$0x0]  }
0x12d: {  	v10 =	vadd.f32 v13, v10;
	[tilespmem:s25+$0x8460] =	vst.add.f32.msk $0xffff, v17;
	v15 =	vmul.f32 v17, v17  }
.Ltmp8:
0x12e: {  	v13 =	vld [tilespmem:s24+$0x30];
	s24 =	smov.u32 s26;
	s26 =	smov.u32 s28;
	(pc) =	sbr.rel @p2 .LBB2_8-.Ltmp8, $4  }
0x12f: {  	v16 =	vmul.f32 v14, v14;
	v11 =	vadd.f32 v15, v11;
	[tilespmem:s25+$0xA400] =	vst.add.f32.msk $0xffff, v2  }
0x130: {  	v15 =	vmov s29;
	[tilespmem:s23+$0x8410] =	vst.add.f32.msk $0xffff, v14  }
0x131: {  	vm0 =	veq.s32 v15, v1;
	v5 =	vadd.f32 v16, v5;
	v14 =	vld [tilespmem:s28+$0xFFFFFFE0];
	v15 =	vmul.f32 v18, v18  }
0x132: {  	s29 =	sadd.s32 $0x1, s29;
	v16 =	vnsel vm0, $0x0, v12;
	[tilespmem:s22+$0x8440] =	vst.add.f32.msk $0xffff, v18  }
0x133: {  	(xrf0) =	vadd.scan.msk.s32 $0xffff, v16;
	_ =	sdelay $0x5  }
0x134: {  	v12, _, _ =	vpop (xrf0)  }
0x135: {  	(v2sf) =	vpush v12, $0xF;
	_ =	sdelay $0x7  }
0x136: {  	v38 =	vld [tilespmem:s24+$0x10]  }
0x137: {  	s30 =	sadd.s32 $0x80, s28;
	[tilespmem:s25+$0x8470] =	vst.add.f32.msk $0xffff, v13  }
0x138: {  	v39 =	vld [tilespmem:s30+$0xFFFFFFC0];
	s29 =	sadd.s32 $0x80, s30  }
0x139: {  	v17 =	vld [tilespmem:s29+$0xFFFFFFC0]  }
0x13a: {  	[tilespmem:s23+$0x8420] =	vst.add.f32.msk $0xffff, v14  }
0x13b: {  	v18 =	vld [tilespmem:s26+$0xFFFFFFF0];
	s28 =	spop (v2sf)  }
0x13c: {  	[tilespmem:s22+$0x8450] =	vst.add.f32.msk $0xffff, v38;
	s28 =	sshll.u32 s28, $0x7  }
0x13d: {  	[tilespmem:s28+$0x8400] =	vst.add.f32.msk $0xffff, v39;
	s31 =	spop (v2sf)  }
0x13e: {  	v19 =	vld [tilespmem:s30+$0xFFFFFFD0];
	s25 =	sshll.u32 s31, $0x7  }
0x13f: {  	[tilespmem:s25+$0x8400] =	vst.add.f32.msk $0xffff, v17  }
0x140: {  	v20 =	vld [tilespmem:s29+$0xFFFFFFD0]  }
0x141: {  	v21 =	vld [tilespmem:s24+$0x20]  }
0x142: {  	[tilespmem:s23+$0x8430] =	vst.add.f32.msk $0xffff, v18  }
0x143: {  	[tilespmem:s28+$0x8410] =	vst.add.f32.msk $0xffff, v19  }
0x144: {  	v22 =	vld [tilespmem:s30+$0xFFFFFFE0]  }
0x145: {  	[tilespmem:s25+$0x8410] =	vst.add.f32.msk $0xffff, v20  }
0x146: {  	v23 =	vld [tilespmem:s29+$0xFFFFFFE0]  }
0x147: {  	v24 =	vld [tilespmem:s26+$0x0]  }
0x148: {  	[tilespmem:s22+$0x8460] =	vst.add.f32.msk $0xffff, v21  }
0x149: {  	[tilespmem:s28+$0x8420] =	vst.add.f32.msk $0xffff, v22  }
0x14a: {  	v25 =	vld [tilespmem:s30+$0xFFFFFFF0]  }
0x14b: {  	[tilespmem:s25+$0x8420] =	vst.add.f32.msk $0xffff, v23  }
0x14c: {  	v26 =	vld [tilespmem:s29+$0xFFFFFFF0]  }
0x14d: {  	[tilespmem:s23+$0x8440] =	vst.add.f32.msk $0xffff, v24  }
0x14e: {  	v27 =	vld [tilespmem:s26+$0x10]  }
0x14f: {  	[tilespmem:s28+$0x8430] =	vst.add.f32.msk $0xffff, v25  }
0x150: {  	v28 =	vld [tilespmem:s30+$0x0]  }
0x151: {  	[tilespmem:s25+$0x8430] =	vst.add.f32.msk $0xffff, v26  }
0x152: {  	v29 =	vld [tilespmem:s29+$0x0]  }
0x153: {  	[tilespmem:s23+$0x8450] =	vst.add.f32.msk $0xffff, v27  }
0x154: {  	v30 =	vld [tilespmem:s26+$0x20]  }
0x155: {  	[tilespmem:s28+$0x8440] =	vst.add.f32.msk $0xffff, v28  }
0x156: {  	v31 =	vld [tilespmem:s30+$0x10]  }
0x157: {  	[tilespmem:s25+$0x8440] =	vst.add.f32.msk $0xffff, v29  }
0x158: {  	v32 =	vld [tilespmem:s29+$0x10]  }
0x159: {  	v40 =	vmul.f32 v13, v13;
	v41 =	vmul.f32 v14, v14;
	v33 =	vld [tilespmem:s24+$0x30]  }
0x15a: {  	v6 =	vadd.f32 v15, v6;
	v42 =	vmul.f32 v39, v39;
	[tilespmem:s23+$0x8460] =	vst.add.f32.msk $0xffff, v30  }
0x15b: {  	v3 =	vadd.f32 v40, v3;
	v8 =	vadd.f32 v41, v8;
	v12 =	vmul.f32 v38, v38;
	[tilespmem:s28+$0x8450] =	vst.add.f32.msk $0xffff, v31  }
0x15c: {  	v53 =	vmul.f32 v17, v17;
	v9 =	vadd.f32 v42, v9;
	v43 =	vmul.f32 v18, v18;
	v45 =	vld [tilespmem:s30+$0x20]  }
0x15d: {  	v7 =	vadd.f32 v12, v7;
	v44 =	vmul.f32 v21, v21;
	v47 =	vmul.f32 v24, v24;
	[tilespmem:s25+$0x8450] =	vst.add.f32.msk $0xffff, v32  }
0x15e: {  	v10 =	vadd.f32 v43, v10;
	v46 =	vmul.f32 v19, v19;
	v48 =	vmul.f32 v33, v33;
	v49 =	vld [tilespmem:s29+$0x20]  }
0x15f: {  	v11 =	vadd.f32 v44, v11;
	v51 =	vadd.f32 v47, v6;
	v6 =	vmul.f32 v22, v22;
	v50 =	vld [tilespmem:s26+$0x30]  }
0x160: {  	[tilespmem:s22+$0xA400] =	vst.add.f32.msk $0xffff, v2;
	v5 =	vadd.f32 v46, v5;
	v3 =	vadd.f32 v48, v3;
	v52 =	vmul.f32 v27, v27  }
0x161: {  	v54 =	vadd.f32 v6, v8;
	v8 =	vmul.f32 v25, v25;
	v55 =	vmul.f32 v30, v30;
	[tilespmem:s28+$0x8460] =	vst.add.f32.msk $0xffff, v45  }
0x162: {  	v6 =	vadd.f32 v53, v9;
	v7 =	vadd.f32 v52, v7;
	v9 =	vmul.f32 v20, v20;
	v56 =	vld [tilespmem:s30+$0x30]  }
0x163: {  	v57 =	vadd.f32 v8, v10;
	v11 =	vadd.f32 v55, v11;
	v10 =	vmul.f32 v28, v28;
	[tilespmem:s25+$0x8460] =	vst.add.f32.msk $0xffff, v49  }
0x164: {  	v8 =	vadd.f32 v9, v5;
	v5 =	vmul.f32 v50, v50;
	v9 =	vmul.f32 v23, v23;
	v58 =	vld [tilespmem:s29+$0x30]  }
0x165: {  	[tilespmem:s22+$0x8470] =	vst.add.f32.msk $0xffff, v33;
	v13 =	vadd.f32 v10, v51;
	v59 =	vmul.f32 v31, v31;
	v60 =	vmul.f32 v26, v26  }
0x166: {  	[tilespmem:s23+$0xA400] =	vst.add.f32.msk $0xffff, v2;
	v3 =	vadd.f32 v5, v3;
	v10 =	vadd.f32 v9, v54;
	v5 =	vmul.f32 v45, v45  }
.Ltmp9:
0x167: {  	[tilespmem:s23+$0x8470] =	vst.add.f32.msk $0xffff, v50;
	v7 =	vadd.f32 v59, v7;
	v9 =	vadd.f32 v60, v57;
	v61 =	vmul.f32 v56, v56;
	(pc) =	sbr.rel .LBB2_10-.Ltmp9, $4  }
0x168: {  	[tilespmem:s28+$0xA400] =	vst.add.f32.msk $0xffff, v2;
	v5 =	vadd.f32 v5, v11;
	v11 =	vmul.f32 v29, v29;
	v62 =	vmul.f32 v32, v32  }
0x169: {  	[tilespmem:s28+$0x8470] =	vst.add.f32.msk $0xffff, v56;
	v3 =	vadd.f32 v61, v3;
	v14 =	vmul.f32 v49, v49;
	v63 =	vmul.f32 v58, v58  }
0x16a: {  	v11 =	vadd.f32 v11, v13;
	v7 =	vadd.f32 v62, v7;
	[tilespmem:s25+$0xA400] =	vst.add.f32.msk $0xffff, v2  }
0x16b: {  	v5 =	vadd.f32 v14, v5;
	[tilespmem:s25+$0x8470] =	vst.add.f32.msk $0xffff, v58;
	v3 =	vadd.f32 v63, v3  }
.LBB2_13:
0x16c: {  	_ =	sfence.sel $0x180000  }
0x16d: {  	[bflag:$0x0] =	sbarrier.arrive $0xFFFF  }
0x16e: {  	p0 =	sne.s32 s0, $0x0;
	_ =	strace $0x90000047  }
0x16f: {  	s0 =	sadd.s32 @!p0 $0x100000, s1;
	[bflag:$0x2] =	sbarrier.arrive $0xFFFF  }
0x170: {  	[sflag:s0] =	ssyncadd.tile.s32 @!p0 $0x1;
	_ =	shalt  }
.Lfunc_end2:
_tile_overlayer_lowered:
.L_overlay_start_2:
0x171: {  	(tag) =	ssettag $0x2  }
0x172: {  	s0 =	rddreg [dreg:$0x0];
	s2 =	stileid.u32  }
0x173: {  	s1 =	rddreg [dreg:$0x1];
	p0 =	sne.s32 s2, $0x0  }
0x174: {  	s3 =	rddreg [dreg:$0x2];
	[bflag:$0x3] =	sbarrier.arrive $0xFFFF;
	s2 =	simm.s32 @!p0 $0x1C03  }
0x175: {  	[timem:s3], [sflag:s2] =	dma.local @!p0 [hbm:s0], s1  }
0x176: {  	s0 =	simm.s32 @!p0 $0x3  }
0x177: {  	_ =	swait.ge @!p0 [sflag:s0], s1  }
0x178: {  	s1 =	ssub.s32 @!p0 $0x0, s1;
	[sflag:s0] =	ssyncset.done @!p0 $0x0  }
0x179: {  	[sflag:s0] =	ssyncadd.s32 @!p0 s1  }
0x17a: {  	[bflag:$0x3] =	sbarrier.arrive $0xFFFF  }
0x17b: {  	_ =	shalt  }

</sc_bundles>
